<compile_context>
chip_gen: v7x
topology: tpu7x:2x2x1
jax: 0.10.2.dev20260603
libtpu: 0.0.44.dev20260713+nightly
codegen_flags: <defaults>
</compile_context>

<pallas_src>
import functools

import jax
import jax.numpy as jnp
from jax import lax
from jax.experimental import pallas as pl
from jax.experimental.pallas import tpu as pltpu
from jax.experimental.pallas import tpu_sc as plsc

N = 10000
NP = 10240
E = 320000
D = 128
NTILES = 32
NB0 = 80
NB1 = 80
TOTROWS = 16 * (NB0 + NB1)
EP = TOTROWS * 128
KA = (6 * EP) // NTILES // 128

_mesh = plsc.VectorSubcoreMesh(core_axis_name="c", subcore_axis_name="s")


def _chunk_plan(nb):
    plan, off = [], 0
    while off < nb:
        n = min(40, nb - off)
        plan.append((off, n))
        off += n
    return plan


def _tc_prep_body(e0_ref, e1_ref, e2_ref, srcs_ref, dsts_ref,
                  idxs_ref, idxd_ref):
    i = pl.program_id(0)
    BR = 320
    lanes = lax.broadcasted_iota(jnp.int32, (3, BR, 128), 2)
    rows = lax.broadcasted_iota(jnp.int32, (3, BR, 128), 1)
    rel = lax.broadcasted_iota(jnp.int32, (3, BR, 128), 0)
    junk = N + lanes % 128
    real = (i * BR + rows) < (E // 128)

    def pick(axis):
        v = jnp.stack([e0_ref[axis].reshape(BR, 128),
                       e1_ref[axis].reshape(BR, 128),
                       e2_ref[axis].reshape(BR, 128)])
        return jnp.where(real, v, junk)

    src = pick(0)
    dst = pick(1)
    srcs_ref[...] = src
    dsts_ref[...] = dst
    idxs_ref[...] = src + rel * NP
    idxd_ref[...] = dst + (3 + rel) * NP


def _tc_prep(e0, e1, e2):
    BR = 320
    grid = (TOTROWS // BR,)
    espec = pl.BlockSpec((2, BR * 128), lambda i: (0, i))
    ospec = pl.BlockSpec((3, BR, 128), lambda i: (0, i, 0))
    oshape = jax.ShapeDtypeStruct((3, TOTROWS, 128), jnp.int32)
    pad = ((0, 0), (0, EP - E))
    return pl.pallas_call(
        _tc_prep_body,
        grid=grid,
        in_specs=[espec, espec, espec],
        out_specs=[ospec, ospec, ospec, ospec],
        out_shape=[oshape, oshape, oshape, oshape],
    )(jnp.pad(e0, pad), jnp.pad(e1, pad), jnp.pad(e2, pad))


@functools.partial(
    pl.kernel,
    mesh=_mesh,
    out_type=jax.ShapeDtypeStruct((2, 8 * NP), jnp.float32),
    scratch_types=[
        pltpu.VMEM((KA, 128), jnp.int32),
        pltpu.VMEM((128,), jnp.float32),
        pltpu.VMEM_SHARED((8 * NP,), jnp.float32),
    ],
)
def _sc_degrees(idxs_hbm, idxd_hbm, ones_hbm, zeros_hbm, out_hbm,
                idx_v, ones_v, acc_sh):
    c = lax.axis_index("c")
    s = lax.axis_index("s")
    wid = c * 16 + s
    seg = TOTROWS // 32
    per = (8 * NP) // 16
    pltpu.sync_copy(zeros_hbm, acc_sh.at[pl.ds(s * per, per)])
    pltpu.sync_copy(ones_hbm, ones_v)
    for g in range(3):
        pltpu.sync_copy(idxs_hbm.at[g, pl.ds(wid * seg, seg)],
                        idx_v.at[pl.ds(g * seg, seg)])
        pltpu.sync_copy(idxd_hbm.at[g, pl.ds(wid * seg, seg)],
                        idx_v.at[pl.ds((3 + g) * seg, seg)])
    plsc.subcore_barrier()

    def body(k, carry):
        pltpu.sync_copy(ones_v, acc_sh.at[idx_v.at[k]], add=True)
        return carry

    lax.fori_loop(0, KA, body, 0)
    plsc.subcore_barrier()
    pltpu.sync_copy(acc_sh.at[pl.ds(s * per, per)],
                    out_hbm.at[c, pl.ds(s * per, per)])


@functools.partial(
    pl.kernel,
    mesh=_mesh,
    out_type=jax.ShapeDtypeStruct((2, 3, NP, D), jnp.float32),
    scratch_types=[
        pltpu.VMEM((40, 128), jnp.int32),
        pltpu.VMEM((40, 128), jnp.int32),
        pltpu.VMEM((128, D), jnp.float32),
        pltpu.VMEM((128, D), jnp.float32),
        pltpu.VMEM_SHARED((NP, D), jnp.float32),
        pltpu.SemaphoreType.DMA,
        pltpu.SemaphoreType.DMA,
    ],
)
def _sc_aggregate(xn0, xn1, xn2, srcs_hbm, dsts_hbm, zeros_hbm, out_hbm,
                  src_v, dst_v, rows_a, rows_b, acc_sh, sem_a, sem_b):
    c = lax.axis_index("c")
    s = lax.axis_index("s")
    rper = NP // 16
    chunks0 = [(off, n) for off, n in _chunk_plan(NB0)]
    chunks1 = [(off, n) for off, n in _chunk_plan(NB1)]
    for r, xn in enumerate((xn0, xn1, xn2)):
        pltpu.sync_copy(zeros_hbm, acc_sh.at[pl.ds(s * rper, rper)])
        plsc.subcore_barrier()

        def run_chunk(base, nb):
            pltpu.sync_copy(srcs_hbm.at[r, pl.ds(base, nb)],
                            src_v.at[pl.ds(0, nb)])
            pltpu.sync_copy(dsts_hbm.at[r, pl.ds(base, nb)],
                            dst_v.at[pl.ds(0, nb)])
            pltpu.async_copy(xn.at[src_v.at[0]], rows_a, sem_a)

            def body(i, carry):
                k0 = 2 * i
                k1 = 2 * i + 1

                @pl.when(k1 < nb)
                def _():
                    pltpu.async_copy(xn.at[src_v.at[k1]], rows_b, sem_b)

                pltpu.make_async_copy(xn.at[src_v.at[k0]], rows_a,
                                      sem_a).wait()
                pltpu.sync_copy(rows_a, acc_sh.at[dst_v.at[k0]], add=True)

                @pl.when(k0 + 2 < nb)
                def _():
                    pltpu.async_copy(xn.at[src_v.at[k0 + 2]], rows_a, sem_a)

                @pl.when(k1 < nb)
                def _():
                    pltpu.make_async_copy(xn.at[src_v.at[k1]], rows_b,
                                          sem_b).wait()
                    pltpu.sync_copy(rows_b, acc_sh.at[dst_v.at[k1]],
                                    add=True)

                return carry

            lax.fori_loop(0, (nb + 1) // 2, body, 0)

        if NB0 == NB1:
            row0 = (c * 16 + s) * NB0
            for off, n in chunks0:
                run_chunk(row0 + off, n)
        else:
            for off, n in chunks0:
                @pl.when(c == 0)
                def _(off=off, n=n):
                    run_chunk(s * NB0 + off, n)
            for off, n in chunks1:
                @pl.when(c == 1)
                def _(off=off, n=n):
                    run_chunk(16 * NB0 + s * NB1 + off, n)
        plsc.subcore_barrier()
        pltpu.sync_copy(acc_sh.at[pl.ds(s * rper, rper)],
                        out_hbm.at[c, r, pl.ds(s * rper, rper)])
        plsc.subcore_barrier()


def _tc_norm_body(x_ref, degs_ref, xn0_ref, xn1_ref, xn2_ref, ndst_ref):
    d = degs_ref[0] + degs_ref[1]
    nrm = lax.rsqrt(jnp.maximum(d, 1.0))
    ndst_ref[...] = nrm
    x = x_ref[...]
    xn0_ref[...] = x * nrm[0][:, None]
    xn1_ref[...] = x * nrm[1][:, None]
    xn2_ref[...] = x * nrm[2][:, None]


def _tc_norm(x_pad, degs):
    BN = 512
    grid = (NP // BN,)
    return pl.pallas_call(
        _tc_norm_body,
        grid=grid,
        in_specs=[
            pl.BlockSpec((BN, D), lambda i: (i, 0)),
            pl.BlockSpec((2, 8, BN), lambda i: (0, 0, i)),
        ],
        out_specs=[
            pl.BlockSpec((BN, D), lambda i: (i, 0)),
            pl.BlockSpec((BN, D), lambda i: (i, 0)),
            pl.BlockSpec((BN, D), lambda i: (i, 0)),
            pl.BlockSpec((8, BN), lambda i: (0, i)),
        ],
        out_shape=[
            jax.ShapeDtypeStruct((NP, D), jnp.float32),
            jax.ShapeDtypeStruct((NP, D), jnp.float32),
            jax.ShapeDtypeStruct((NP, D), jnp.float32),
            jax.ShapeDtypeStruct((8, NP), jnp.float32),
        ],
    )(x_pad, degs)


def _tc_final_body(p_ref, ndst_ref, w_ref, b_ref, aw1_ref, ab1_ref, aw2_ref,
                   out_ref):
    agg = p_ref[0] + p_ref[1]
    nd = ndst_ref[...]
    aw1 = aw1_ref[...]
    ab1 = ab1_ref[...]
    aw2 = aw2_ref[...]
    rel = []
    scores = []
    for r in range(3):
        h = jnp.dot(agg[r], w_ref[r], preferred_element_type=jnp.float32)
        h = h * nd[3 + r][:, None] + b_ref[r][None, :]
        rel.append(h)
        t = jnp.tanh(jnp.dot(h, aw1, preferred_element_type=jnp.float32) + ab1)
        scores.append(jnp.sum(t * aw2, axis=-1))
    m = jnp.maximum(jnp.maximum(scores[0], scores[1]), scores[2])
    e = [jnp.exp(sc - m) for sc in scores]
    denom = e[0] + e[1] + e[2]
    out = (rel[0] * e[0][:, None] + rel[1] * e[1][:, None]
           + rel[2] * e[2][:, None]) / denom[:, None]
    out_ref[...] = out


def _tc_final(p, ndst, w_stack, b_stack, aw1, ab1, aw2):
    BN = 512
    grid = (NP // BN,)
    return pl.pallas_call(
        _tc_final_body,
        grid=grid,
        in_specs=[
            pl.BlockSpec((2, 3, BN, D), lambda i: (0, 0, i, 0)),
            pl.BlockSpec((8, BN), lambda i: (0, i)),
            pl.BlockSpec((3, D, D), lambda i: (0, 0, 0)),
            pl.BlockSpec((3, D), lambda i: (0, 0)),
            pl.BlockSpec((D, D), lambda i: (0, 0)),
            pl.BlockSpec((1, D), lambda i: (0, 0)),
            pl.BlockSpec((1, D), lambda i: (0, 0)),
        ],
        out_specs=pl.BlockSpec((BN, D), lambda i: (i, 0)),
        out_shape=jax.ShapeDtypeStruct((N, D), jnp.float32),
    )(p, ndst, w_stack, b_stack, aw1, ab1, aw2)


def kernel(x, edge_index_e0, edge_index_e1, edge_index_e2,
           W0, b0, W1, b1, W2, b2, attn_w1, attn_b1, attn_w2):
    x_pad = jnp.pad(x, ((0, NP - N), (0, 0)))

    srcs, dsts, idxs, idxd = _tc_prep(
        edge_index_e0.astype(jnp.int32), edge_index_e1.astype(jnp.int32),
        edge_index_e2.astype(jnp.int32))

    ones128 = jnp.ones((128,), jnp.float32)
    zeros_a = jnp.zeros(((8 * NP) // 16,), jnp.float32)
    zeros_c = jnp.zeros((NP // 16, D), jnp.float32)

    degs2 = _sc_degrees(idxs, idxd, ones128, zeros_a)
    degs = degs2.reshape(2, 8, NP)

    xn0, xn1, xn2, ndst = _tc_norm(x_pad, degs)

    p = _sc_aggregate(xn0, xn1, xn2, srcs, dsts, zeros_c)

    w_stack = jnp.stack([W0, W1, W2])
    b_stack = jnp.stack([b0, b1, b2])
    return _tc_final(p, ndst, w_stack, b_stack, attn_w1,
                     attn_b1.reshape(1, D), attn_w2.reshape(1, D))

# --- scband reference (transcript-rebuilt; emitter-appended) ---
"""Pipeline reference for scband-het-graph-layer-79809082294311 (READ-ONLY COPY).

The authoritative reference and input builder live on the scoring server;
editing this copy changes nothing except your own understanding.
"""

import jax, jax.numpy as jnp
import numpy as np

N_NODES = 10000
N_EDGES = 320000
D_IN = 128
D_OUT = 128


def _graph_conv(x, src, dst, W, b, n_nodes):
    # DGL GraphConv with norm='both': D^{-1/2} A D^{-1/2} X W + b
    deg_out = jnp.bincount(src, length=n_nodes).astype(jnp.float32)
    deg_in = jnp.bincount(dst, length=n_nodes).astype(jnp.float32)
    norm_src = jax.lax.rsqrt(jnp.clip(deg_out, 1.0))
    norm_dst = jax.lax.rsqrt(jnp.clip(deg_in, 1.0))
    h = x * norm_src[:, None]
    h = h @ W
    msg = jnp.take(h, src, axis=0)  # gather over source nodes
    agg = jnp.zeros((n_nodes, W.shape[1]), dtype=x.dtype).at[dst].add(msg)  # scatter-add
    return agg * norm_dst[:, None] + b


def setup_inputs(seed: int = 0) -> dict:
    key = jax.random.key(seed)
    ks = jax.random.split(key, 16)
    x = jax.random.normal(ks[0], (N_NODES, D_IN), dtype=jnp.float32)
    e0 = jax.random.randint(ks[1], (2, N_EDGES), 0, N_NODES, dtype=jnp.int64 if jax.config.jax_enable_x64 else jnp.int32)
    e1 = jax.random.randint(ks[2], (2, N_EDGES), 0, N_NODES, dtype=e0.dtype)
    e2 = jax.random.randint(ks[3], (2, N_EDGES), 0, N_NODES, dtype=e0.dtype)
    s = 1.0 / np.sqrt(D_IN)
    W0 = jax.random.uniform(ks[4], (D_IN, D_OUT), jnp.float32, -s, s)
    b0 = jnp.zeros((D_OUT,), jnp.float32)
    W1 = jax.random.uniform(ks[5], (D_IN, D_OUT), jnp.float32, -s, s)
    b1 = jnp.zeros((D_OUT,), jnp.float32)
    W2 = jax.random.uniform(ks[6], (D_IN, D_OUT), jnp.float32, -s, s)
    b2 = jnp.zeros((D_OUT,), jnp.float32)
    so = 1.0 / np.sqrt(D_OUT)
    attn_w1 = jax.random.uniform(ks[7], (D_OUT, D_OUT), jnp.float32, -so, so)
    attn_b1 = jax.random.uniform(ks[8], (D_OUT,), jnp.float32, -so, so)
    attn_w2 = jax.random.uniform(ks[9], (D_OUT, 1), jnp.float32, -so, so)
    return {"x": x, "edge_index_e0": e0, "edge_index_e1": e1, "edge_index_e2": e2,
            "W0": W0, "b0": b0, "W1": W1, "b1": b1, "W2": W2, "b2": b2,
            "attn_w1": attn_w1, "attn_b1": attn_b1, "attn_w2": attn_w2}


def reference(x, edge_index_e0, edge_index_e1, edge_index_e2,
              W0, b0, W1, b1, W2, b2, attn_w1, attn_b1, attn_w2):
    n = x.shape[0]
    r0 = _graph_conv(x, edge_index_e0[0], edge_index_e0[1], W0, b0, n)
    r1 = _graph_conv(x, edge_index_e1[0], edge_index_e1[1], W1, b1, n)
    r2 = _graph_conv(x, edge_index_e2[0], edge_index_e2[1], W2, b2, n)
    rel_embs = jnp.stack([r0, r1, r2], axis=0)  # [3, N, D_OUT]
    # Pooling pool_type='attn': softmax over relation axis (dim=0)
    scores = jnp.tanh(rel_embs @ attn_w1 + attn_b1) @ attn_w2  # [3, N, 1]
    attn = jax.nn.softmax(scores, axis=0)
    res = (attn * rel_embs).sum(axis=0)  # [N, D_OUT]
    return res

if __name__ == "__main__":
    import jax
    _d = setup_inputs()
    print(jax.jit(kernel)(*tuple(_d.values())))

</pallas_src>

<mosaic_0001>
#map = affine_map<(d0, d1) -> (0, 0)>
#map1 = affine_map<(d0, d1) -> (0, 0, 0)>
#map2 = affine_map<(d0, d1) -> (0, 0, 0, 0)>
module attributes {stable_mosaic.version = 14 : i64} {
  func.func @_sc_aggregate(%arg0: i32, %arg1: i32, %arg2: memref<10240x128xf32, #tpu.memory_space<hbm>>, %arg3: memref<10240x128xf32, #tpu.memory_space<hbm>>, %arg4: memref<10240x128xf32, #tpu.memory_space<hbm>>, %arg5: memref<3x2560x128xi32, #tpu.memory_space<hbm>>, %arg6: memref<3x2560x128xi32, #tpu.memory_space<hbm>>, %arg7: memref<640x128xf32, #tpu.memory_space<hbm>>, %arg8: memref<2x3x10240x128xf32, #tpu.memory_space<hbm>>, %arg9: memref<40x128xi32, #tpu.memory_space<vmem>>, %arg10: memref<40x128xi32, #tpu.memory_space<vmem>>, %arg11: memref<128x128xf32, #tpu.memory_space<vmem>>, %arg12: memref<128x128xf32, #tpu.memory_space<vmem>>, %arg13: memref<10240x128xf32, #tpu.memory_space<vmem_shared>>, %arg14: memref<!tpu.dma_semaphore, #tpu.memory_space<semaphore_mem>>, %arg15: memref<!tpu.dma_semaphore, #tpu.memory_space<semaphore_mem>>) attributes {dimension_semantics = [#tpu.dimension_semantics<core_parallel>, #tpu.dimension_semantics<subcore_parallel>], iteration_bounds = array<i64: 2, 16>, scalar_prefetch = 0 : i64, scratch_operands = 7 : i64, tpu.core_type = #tpu.core_type<sc_vector_subcore>, window_params = [{transform_indices = #map}, {transform_indices = #map}, {transform_indices = #map}, {transform_indices = #map1}, {transform_indices = #map1}, {transform_indices = #map}, {transform_indices = #map2}]} {
    %mul3A = arith.constant 640 : i32
    %mul3A_0 = arith.muli %arg1, %mul3A : i32
    "tpu.region"() ({
      %run_scoped3A_141 = tpu.sem_alloc : memref<!tpu.dma_semaphore, #tpu.memory_space<semaphore_mem>>
      %dma_start3A_142 = arith.constant 0 : i32
      %dma_start3A_143 = tpu.memref_slice %arg13[%mul3A_0, %dma_start3A_142] : memref<10240x128xf32, #tpu.memory_space<vmem_shared>> -> memref<640x128xf32, #tpu.memory_space<vmem_shared>>
      tpu.enqueue_dma source(%arg7 : memref<640x128xf32, #tpu.memory_space<hbm>>) target(%dma_start3A_143 : memref<640x128xf32, #tpu.memory_space<vmem_shared>>) target_semaphore(%run_scoped3A_141 : memref<!tpu.dma_semaphore, #tpu.memory_space<semaphore_mem>>)
      %dma_wait3A = arith.constant 0 : i32
      %dma_wait3A_144 = tpu.memref_slice %arg13[%mul3A_0, %dma_wait3A] : memref<10240x128xf32, #tpu.memory_space<vmem_shared>> -> memref<640x128xf32, #tpu.memory_space<vmem_shared>>
      tpu.wait_dma2 semaphore(%run_scoped3A_141 : memref<!tpu.dma_semaphore, #tpu.memory_space<semaphore_mem>>) src(%arg7 : memref<640x128xf32, #tpu.memory_space<hbm>>) dst(%dma_wait3A_144 : memref<640x128xf32, #tpu.memory_space<vmem_shared>>)
      tpu.yield
    }) : () -> ()
    %barrier3A = arith.constant 0 : index
    tpu.barrier barrier_id(%barrier3A)
    %mul3A_1 = arith.constant 16 : i32
    %mul3A_2 = arith.muli %arg0, %mul3A_1 : i32
    %add3A = arith.addi %mul3A_2, %arg1 : i32
    %mul3A_3 = arith.constant 80 : i32
    %mul3A_4 = arith.muli %add3A, %mul3A_3 : i32
    %add3A_5 = arith.constant 0 : i32
    %add3A_6 = arith.addi %mul3A_4, %add3A_5 : i32
    %run_scoped3A = arith.constant 0 : i32
    "tpu.region"() ({
      %run_scoped3A_141 = tpu.sem_alloc : memref<!tpu.dma_semaphore, #tpu.memory_space<semaphore_mem>>
      %dma_start3A_142 = arith.constant 0 : i32
      %dma_start3A_143 = arith.constant 0 : i32
      %dma_start3A_144 = tpu.memref_slice %arg9[%dma_start3A_142, %dma_start3A_143] : memref<40x128xi32, #tpu.memory_space<vmem>> -> memref<40x128xi32, #tpu.memory_space<vmem>>
      %dma_start3A_145 = arith.constant 0 : i32
      %dma_start3A_146 = tpu.memref_slice %arg5[%run_scoped3A, %add3A_6, %dma_start3A_145] : memref<3x2560x128xi32, #tpu.memory_space<hbm>> -> memref<1x40x128xi32, #tpu.memory_space<hbm>>
      %dma_start3A_147 = tpu.memref_squeeze %dma_start3A_146 : memref<1x40x128xi32, #tpu.memory_space<hbm>> -> memref<40x128xi32, #tpu.memory_space<hbm>>
      %dma_start3A_148 = arith.constant 0 : i32
      %dma_start3A_149 = arith.constant 0 : i32
      %dma_start3A_150 = tpu.memref_slice %arg9[%dma_start3A_148, %dma_start3A_149] : memref<40x128xi32, #tpu.memory_space<vmem>> -> memref<40x128xi32, #tpu.memory_space<vmem>>
      %dma_start3A_151 = arith.constant 0 : i32
      %dma_start3A_152 = tpu.memref_slice %arg5[%run_scoped3A, %add3A_6, %dma_start3A_151] : memref<3x2560x128xi32, #tpu.memory_space<hbm>> -> memref<1x40x128xi32, #tpu.memory_space<hbm>>
      %dma_start3A_153 = tpu.memref_squeeze %dma_start3A_152 : memref<1x40x128xi32, #tpu.memory_space<hbm>> -> memref<40x128xi32, #tpu.memory_space<hbm>>
      tpu.enqueue_dma source(%dma_start3A_153 : memref<40x128xi32, #tpu.memory_space<hbm>>) target(%dma_start3A_150 : memref<40x128xi32, #tpu.memory_space<vmem>>) target_semaphore(%run_scoped3A_141 : memref<!tpu.dma_semaphore, #tpu.memory_space<semaphore_mem>>)
      %dma_wait3A = arith.constant 0 : i32
      %dma_wait3A_154 = arith.constant 0 : i32
      %dma_wait3A_155 = tpu.memref_slice %arg9[%dma_wait3A, %dma_wait3A_154] : memref<40x128xi32, #tpu.memory_space<vmem>> -> memref<40x128xi32, #tpu.memory_space<vmem>>
      %dma_wait3A_156 = arith.constant 0 : i32
      %dma_wait3A_157 = tpu.memref_slice %arg5[%run_scoped3A, %add3A_6, %dma_wait3A_156] : memref<3x2560x128xi32, #tpu.memory_space<hbm>> -> memref<1x40x128xi32, #tpu.memory_space<hbm>>
      %dma_wait3A_158 = tpu.memref_squeeze %dma_wait3A_157 : memref<1x40x128xi32, #tpu.memory_space<hbm>> -> memref<40x128xi32, #tpu.memory_space<hbm>>
      %dma_wait3A_159 = arith.constant 0 : i32
      %dma_wait3A_160 = arith.constant 0 : i32
      %dma_wait3A_161 = tpu.memref_slice %arg9[%dma_wait3A_159, %dma_wait3A_160] : memref<40x128xi32, #tpu.memory_space<vmem>> -> memref<40x128xi32, #tpu.memory_space<vmem>>
      %dma_wait3A_162 = arith.constant 0 : i32
      %dma_wait3A_163 = tpu.memref_slice %arg5[%run_scoped3A, %add3A_6, %dma_wait3A_162] : memref<3x2560x128xi32, #tpu.memory_space<hbm>> -> memref<1x40x128xi32, #tpu.memory_space<hbm>>
      %dma_wait3A_164 = tpu.memref_squeeze %dma_wait3A_163 : memref<1x40x128xi32, #tpu.memory_space<hbm>> -> memref<40x128xi32, #tpu.memory_space<hbm>>
      tpu.wait_dma2 semaphore(%run_scoped3A_141 : memref<!tpu.dma_semaphore, #tpu.memory_space<semaphore_mem>>) src(%dma_wait3A_164 : memref<40x128xi32, #tpu.memory_space<hbm>>) dst(%dma_wait3A_161 : memref<40x128xi32, #tpu.memory_space<vmem>>)
      tpu.yield
    }) : () -> ()
    %run_scoped3A_7 = arith.constant 0 : i32
    "tpu.region"() ({
      %run_scoped3A_141 = tpu.sem_alloc : memref<!tpu.dma_semaphore, #tpu.memory_space<semaphore_mem>>
      %dma_start3A_142 = arith.constant 0 : i32
      %dma_start3A_143 = arith.constant 0 : i32
      %dma_start3A_144 = tpu.memref_slice %arg10[%dma_start3A_142, %dma_start3A_143] : memref<40x128xi32, #tpu.memory_space<vmem>> -> memref<40x128xi32, #tpu.memory_space<vmem>>
      %dma_start3A_145 = arith.constant 0 : i32
      %dma_start3A_146 = tpu.memref_slice %arg6[%run_scoped3A_7, %add3A_6, %dma_start3A_145] : memref<3x2560x128xi32, #tpu.memory_space<hbm>> -> memref<1x40x128xi32, #tpu.memory_space<hbm>>
      %dma_start3A_147 = tpu.memref_squeeze %dma_start3A_146 : memref<1x40x128xi32, #tpu.memory_space<hbm>> -> memref<40x128xi32, #tpu.memory_space<hbm>>
      %dma_start3A_148 = arith.constant 0 : i32
      %dma_start3A_149 = arith.constant 0 : i32
      %dma_start3A_150 = tpu.memref_slice %arg10[%dma_start3A_148, %dma_start3A_149] : memref<40x128xi32, #tpu.memory_space<vmem>> -> memref<40x128xi32, #tpu.memory_space<vmem>>
      %dma_start3A_151 = arith.constant 0 : i32
      %dma_start3A_152 = tpu.memref_slice %arg6[%run_scoped3A_7, %add3A_6, %dma_start3A_151] : memref<3x2560x128xi32, #tpu.memory_space<hbm>> -> memref<1x40x128xi32, #tpu.memory_space<hbm>>
      %dma_start3A_153 = tpu.memref_squeeze %dma_start3A_152 : memref<1x40x128xi32, #tpu.memory_space<hbm>> -> memref<40x128xi32, #tpu.memory_space<hbm>>
      tpu.enqueue_dma source(%dma_start3A_153 : memref<40x128xi32, #tpu.memory_space<hbm>>) target(%dma_start3A_150 : memref<40x128xi32, #tpu.memory_space<vmem>>) target_semaphore(%run_scoped3A_141 : memref<!tpu.dma_semaphore, #tpu.memory_space<semaphore_mem>>)
      %dma_wait3A = arith.constant 0 : i32
      %dma_wait3A_154 = arith.constant 0 : i32
      %dma_wait3A_155 = tpu.memref_slice %arg10[%dma_wait3A, %dma_wait3A_154] : memref<40x128xi32, #tpu.memory_space<vmem>> -> memref<40x128xi32, #tpu.memory_space<vmem>>
      %dma_wait3A_156 = arith.constant 0 : i32
      %dma_wait3A_157 = tpu.memref_slice %arg6[%run_scoped3A_7, %add3A_6, %dma_wait3A_156] : memref<3x2560x128xi32, #tpu.memory_space<hbm>> -> memref<1x40x128xi32, #tpu.memory_space<hbm>>
      %dma_wait3A_158 = tpu.memref_squeeze %dma_wait3A_157 : memref<1x40x128xi32, #tpu.memory_space<hbm>> -> memref<40x128xi32, #tpu.memory_space<hbm>>
      %dma_wait3A_159 = arith.constant 0 : i32
      %dma_wait3A_160 = arith.constant 0 : i32
      %dma_wait3A_161 = tpu.memref_slice %arg10[%dma_wait3A_159, %dma_wait3A_160] : memref<40x128xi32, #tpu.memory_space<vmem>> -> memref<40x128xi32, #tpu.memory_space<vmem>>
      %dma_wait3A_162 = arith.constant 0 : i32
      %dma_wait3A_163 = tpu.memref_slice %arg6[%run_scoped3A_7, %add3A_6, %dma_wait3A_162] : memref<3x2560x128xi32, #tpu.memory_space<hbm>> -> memref<1x40x128xi32, #tpu.memory_space<hbm>>
      %dma_wait3A_164 = tpu.memref_squeeze %dma_wait3A_163 : memref<1x40x128xi32, #tpu.memory_space<hbm>> -> memref<40x128xi32, #tpu.memory_space<hbm>>
      tpu.wait_dma2 semaphore(%run_scoped3A_141 : memref<!tpu.dma_semaphore, #tpu.memory_space<semaphore_mem>>) src(%dma_wait3A_164 : memref<40x128xi32, #tpu.memory_space<hbm>>) dst(%dma_wait3A_161 : memref<40x128xi32, #tpu.memory_space<vmem>>)
      tpu.yield
    }) : () -> ()
    %dma_start3A = arith.constant 0 : i32
    %dma_start3A_8 = arith.constant 0 : i32
    %dma_start3A_9 = tpu.memref_slice %arg9[%dma_start3A, %dma_start3A_8] : memref<40x128xi32, #tpu.memory_space<vmem>> -> memref<1x128xi32, #tpu.memory_space<vmem>>
    %dma_start3A_10 = tpu.memref_squeeze %dma_start3A_9 : memref<1x128xi32, #tpu.memory_space<vmem>> -> memref<128xi32, #tpu.memory_space<vmem>>
    %dma_start3A_11 = arith.constant 0 : i32
    %dma_start3A_12 = arith.constant 0 : i32
    %dma_start3A_13 = tpu.memref_slice %arg2[%dma_start3A_11, %dma_start3A_12] : memref<10240x128xf32, #tpu.memory_space<hbm>> -> memref<10240x128xf32, #tpu.memory_space<hbm>>
    tpu.enqueue_indirect_dma source(%dma_start3A_13 : memref<10240x128xf32, #tpu.memory_space<hbm>>) target(%arg11 : memref<128x128xf32, #tpu.memory_space<vmem>>) offsets(%dma_start3A_10 : memref<128xi32, #tpu.memory_space<vmem>>) semaphore(%arg14 : memref<!tpu.dma_semaphore, #tpu.memory_space<semaphore_mem>>)
    %scan3A = arith.constant 0 : i32
    %scan3A_14 = arith.constant 0 : i32
    %scan3A_15 = arith.constant 20 : i32
    %scan3A_16 = arith.addi %scan3A_14, %scan3A_15 : i32
    %scan3A_17 = arith.constant 1 : i32
    scf.for %scan3A_141 = %scan3A_14 to %scan3A_16 step %scan3A_17  : i32 {
      %mul3A_142 = arith.constant 2 : i32
      %mul3A_143 = arith.muli %mul3A_142, %scan3A_141 : i32
      %mul3A_144 = arith.constant 2 : i32
      %mul3A_145 = arith.muli %mul3A_144, %scan3A_141 : i32
      %add3A_146 = arith.constant 1 : i32
      %add3A_147 = arith.addi %mul3A_145, %add3A_146 : i32
      %lt3A = arith.constant 40 : i32
      %lt3A_148 = arith.cmpi slt, %add3A_147, %lt3A : i32
      %convert_element_type3A = arith.extui %lt3A_148 : i1 to i32
      %cond3A = arith.constant 0 : i32
      %cond3A_149 = arith.cmpi ne, %convert_element_type3A, %cond3A : i32
      scf.if %cond3A_149 {
        %dma_start3A_167 = arith.constant 0 : i32
        %dma_start3A_168 = tpu.memref_slice %arg9[%add3A_147, %dma_start3A_167] : memref<40x128xi32, #tpu.memory_space<vmem>> -> memref<1x128xi32, #tpu.memory_space<vmem>>
        %dma_start3A_169 = tpu.memref_squeeze %dma_start3A_168 : memref<1x128xi32, #tpu.memory_space<vmem>> -> memref<128xi32, #tpu.memory_space<vmem>>
        %dma_start3A_170 = arith.constant 0 : i32
        %dma_start3A_171 = arith.constant 0 : i32
        %dma_start3A_172 = tpu.memref_slice %arg2[%dma_start3A_170, %dma_start3A_171] : memref<10240x128xf32, #tpu.memory_space<hbm>> -> memref<10240x128xf32, #tpu.memory_space<hbm>>
        tpu.enqueue_indirect_dma source(%dma_start3A_172 : memref<10240x128xf32, #tpu.memory_space<hbm>>) target(%arg12 : memref<128x128xf32, #tpu.memory_space<vmem>>) offsets(%dma_start3A_169 : memref<128xi32, #tpu.memory_space<vmem>>) semaphore(%arg15 : memref<!tpu.dma_semaphore, #tpu.memory_space<semaphore_mem>>)
      } else {
      }
      %dma_wait3A = arith.constant 0 : i32
      %dma_wait3A_150 = tpu.memref_slice %arg9[%mul3A_143, %dma_wait3A] : memref<40x128xi32, #tpu.memory_space<vmem>> -> memref<1x128xi32, #tpu.memory_space<vmem>>
      %dma_wait3A_151 = tpu.memref_squeeze %dma_wait3A_150 : memref<1x128xi32, #tpu.memory_space<vmem>> -> memref<128xi32, #tpu.memory_space<vmem>>
      %dma_wait3A_152 = arith.constant 0 : i32
      %dma_wait3A_153 = arith.constant 0 : i32
      %dma_wait3A_154 = tpu.memref_slice %arg2[%dma_wait3A_152, %dma_wait3A_153] : memref<10240x128xf32, #tpu.memory_space<hbm>> -> memref<10240x128xf32, #tpu.memory_space<hbm>>
      tpu.wait_indirect_dma semaphore(%arg14 : memref<!tpu.dma_semaphore, #tpu.memory_space<semaphore_mem>>) src(%dma_wait3A_154 : memref<10240x128xf32, #tpu.memory_space<hbm>>) dst(%arg11 : memref<128x128xf32, #tpu.memory_space<vmem>>)
      "tpu.region"() ({
        %run_scoped3A_167 = tpu.sem_alloc : memref<!tpu.dma_semaphore, #tpu.memory_space<semaphore_mem>>
        %dma_start3A_168 = arith.constant 0 : i32
        %dma_start3A_169 = tpu.memref_slice %arg10[%mul3A_143, %dma_start3A_168] : memref<40x128xi32, #tpu.memory_space<vmem>> -> memref<1x128xi32, #tpu.memory_space<vmem>>
        %dma_start3A_170 = tpu.memref_squeeze %dma_start3A_169 : memref<1x128xi32, #tpu.memory_space<vmem>> -> memref<128xi32, #tpu.memory_space<vmem>>
        %dma_start3A_171 = arith.constant 0 : i32
        %dma_start3A_172 = arith.constant 0 : i32
        %dma_start3A_173 = tpu.memref_slice %arg13[%dma_start3A_171, %dma_start3A_172] : memref<10240x128xf32, #tpu.memory_space<vmem_shared>> -> memref<10240x128xf32, #tpu.memory_space<vmem_shared>>
        tpu.enqueue_indirect_dma source(%arg11 : memref<128x128xf32, #tpu.memory_space<vmem>>) target(%dma_start3A_173 : memref<10240x128xf32, #tpu.memory_space<vmem_shared>>) offsets(%dma_start3A_170 : memref<128xi32, #tpu.memory_space<vmem>>) semaphore(%run_scoped3A_167 : memref<!tpu.dma_semaphore, #tpu.memory_space<semaphore_mem>>) {add = true}
        %dma_wait3A_174 = arith.constant 0 : i32
        %dma_wait3A_175 = tpu.memref_slice %arg10[%mul3A_143, %dma_wait3A_174] : memref<40x128xi32, #tpu.memory_space<vmem>> -> memref<1x128xi32, #tpu.memory_space<vmem>>
        %dma_wait3A_176 = tpu.memref_squeeze %dma_wait3A_175 : memref<1x128xi32, #tpu.memory_space<vmem>> -> memref<128xi32, #tpu.memory_space<vmem>>
        %dma_wait3A_177 = arith.constant 0 : i32
        %dma_wait3A_178 = arith.constant 0 : i32
        %dma_wait3A_179 = tpu.memref_slice %arg13[%dma_wait3A_177, %dma_wait3A_178] : memref<10240x128xf32, #tpu.memory_space<vmem_shared>> -> memref<10240x128xf32, #tpu.memory_space<vmem_shared>>
        tpu.wait_indirect_dma semaphore(%run_scoped3A_167 : memref<!tpu.dma_semaphore, #tpu.memory_space<semaphore_mem>>) src(%arg11 : memref<128x128xf32, #tpu.memory_space<vmem>>) dst(%dma_wait3A_179 : memref<10240x128xf32, #tpu.memory_space<vmem_shared>>)
        tpu.yield
      }) : () -> ()
      %add3A_155 = arith.constant 2 : i32
      %add3A_156 = arith.addi %mul3A_143, %add3A_155 : i32
      %lt3A_157 = arith.constant 40 : i32
      %lt3A_158 = arith.cmpi slt, %add3A_156, %lt3A_157 : i32
      %convert_element_type3A_159 = arith.extui %lt3A_158 : i1 to i32
      %cond3A_160 = arith.constant 0 : i32
      %cond3A_161 = arith.cmpi ne, %convert_element_type3A_159, %cond3A_160 : i32
      scf.if %cond3A_161 {
        %add3A_167 = arith.constant 2 : i32
        %add3A_168 = arith.addi %mul3A_143, %add3A_167 : i32
        %dma_start3A_169 = arith.constant 0 : i32
        %dma_start3A_170 = tpu.memref_slice %arg9[%add3A_168, %dma_start3A_169] : memref<40x128xi32, #tpu.memory_space<vmem>> -> memref<1x128xi32, #tpu.memory_space<vmem>>
        %dma_start3A_171 = tpu.memref_squeeze %dma_start3A_170 : memref<1x128xi32, #tpu.memory_space<vmem>> -> memref<128xi32, #tpu.memory_space<vmem>>
        %dma_start3A_172 = arith.constant 0 : i32
        %dma_start3A_173 = arith.constant 0 : i32
        %dma_start3A_174 = tpu.memref_slice %arg2[%dma_start3A_172, %dma_start3A_173] : memref<10240x128xf32, #tpu.memory_space<hbm>> -> memref<10240x128xf32, #tpu.memory_space<hbm>>
        tpu.enqueue_indirect_dma source(%dma_start3A_174 : memref<10240x128xf32, #tpu.memory_space<hbm>>) target(%arg11 : memref<128x128xf32, #tpu.memory_space<vmem>>) offsets(%dma_start3A_171 : memref<128xi32, #tpu.memory_space<vmem>>) semaphore(%arg14 : memref<!tpu.dma_semaphore, #tpu.memory_space<semaphore_mem>>)
      } else {
      }
      %lt3A_162 = arith.constant 40 : i32
      %lt3A_163 = arith.cmpi slt, %add3A_147, %lt3A_162 : i32
      %convert_element_type3A_164 = arith.extui %lt3A_163 : i1 to i32
      %cond3A_165 = arith.constant 0 : i32
      %cond3A_166 = arith.cmpi ne, %convert_element_type3A_164, %cond3A_165 : i32
      scf.if %cond3A_166 {
        %dma_wait3A_167 = arith.constant 0 : i32
        %dma_wait3A_168 = tpu.memref_slice %arg9[%add3A_147, %dma_wait3A_167] : memref<40x128xi32, #tpu.memory_space<vmem>> -> memref<1x128xi32, #tpu.memory_space<vmem>>
        %dma_wait3A_169 = tpu.memref_squeeze %dma_wait3A_168 : memref<1x128xi32, #tpu.memory_space<vmem>> -> memref<128xi32, #tpu.memory_space<vmem>>
        %dma_wait3A_170 = arith.constant 0 : i32
        %dma_wait3A_171 = arith.constant 0 : i32
        %dma_wait3A_172 = tpu.memref_slice %arg2[%dma_wait3A_170, %dma_wait3A_171] : memref<10240x128xf32, #tpu.memory_space<hbm>> -> memref<10240x128xf32, #tpu.memory_space<hbm>>
        tpu.wait_indirect_dma semaphore(%arg15 : memref<!tpu.dma_semaphore, #tpu.memory_space<semaphore_mem>>) src(%dma_wait3A_172 : memref<10240x128xf32, #tpu.memory_space<hbm>>) dst(%arg12 : memref<128x128xf32, #tpu.memory_space<vmem>>)
        "tpu.region"() ({
          %run_scoped3A_173 = tpu.sem_alloc : memref<!tpu.dma_semaphore, #tpu.memory_space<semaphore_mem>>
          %dma_start3A_174 = arith.constant 0 : i32
          %dma_start3A_175 = tpu.memref_slice %arg10[%add3A_147, %dma_start3A_174] : memref<40x128xi32, #tpu.memory_space<vmem>> -> memref<1x128xi32, #tpu.memory_space<vmem>>
          %dma_start3A_176 = tpu.memref_squeeze %dma_start3A_175 : memref<1x128xi32, #tpu.memory_space<vmem>> -> memref<128xi32, #tpu.memory_space<vmem>>
          %dma_start3A_177 = arith.constant 0 : i32
          %dma_start3A_178 = arith.constant 0 : i32
          %dma_start3A_179 = tpu.memref_slice %arg13[%dma_start3A_177, %dma_start3A_178] : memref<10240x128xf32, #tpu.memory_space<vmem_shared>> -> memref<10240x128xf32, #tpu.memory_space<vmem_shared>>
          tpu.enqueue_indirect_dma source(%arg12 : memref<128x128xf32, #tpu.memory_space<vmem>>) target(%dma_start3A_179 : memref<10240x128xf32, #tpu.memory_space<vmem_shared>>) offsets(%dma_start3A_176 : memref<128xi32, #tpu.memory_space<vmem>>) semaphore(%run_scoped3A_173 : memref<!tpu.dma_semaphore, #tpu.memory_space<semaphore_mem>>) {add = true}
          %dma_wait3A_180 = arith.constant 0 : i32
          %dma_wait3A_181 = tpu.memref_slice %arg10[%add3A_147, %dma_wait3A_180] : memref<40x128xi32, #tpu.memory_space<vmem>> -> memref<1x128xi32, #tpu.memory_space<vmem>>
          %dma_wait3A_182 = tpu.memref_squeeze %dma_wait3A_181 : memref<1x128xi32, #tpu.memory_space<vmem>> -> memref<128xi32, #tpu.memory_space<vmem>>
          %dma_wait3A_183 = arith.constant 0 : i32
          %dma_wait3A_184 = arith.constant 0 : i32
          %dma_wait3A_185 = tpu.memref_slice %arg13[%dma_wait3A_183, %dma_wait3A_184] : memref<10240x128xf32, #tpu.memory_space<vmem_shared>> -> memref<10240x128xf32, #tpu.memory_space<vmem_shared>>
          tpu.wait_indirect_dma semaphore(%run_scoped3A_173 : memref<!tpu.dma_semaphore, #tpu.memory_space<semaphore_mem>>) src(%arg12 : memref<128x128xf32, #tpu.memory_space<vmem>>) dst(%dma_wait3A_185 : memref<10240x128xf32, #tpu.memory_space<vmem_shared>>)
          tpu.yield
        }) : () -> ()
      } else {
      }
    }
    %scan3A_18 = arith.constant 20 : i32
    %add3A_19 = arith.constant 40 : i32
    %add3A_20 = arith.addi %mul3A_4, %add3A_19 : i32
    %run_scoped3A_21 = arith.constant 0 : i32
    "tpu.region"() ({
      %run_scoped3A_141 = tpu.sem_alloc : memref<!tpu.dma_semaphore, #tpu.memory_space<semaphore_mem>>
      %dma_start3A_142 = arith.constant 0 : i32
      %dma_start3A_143 = arith.constant 0 : i32
      %dma_start3A_144 = tpu.memref_slice %arg9[%dma_start3A_142, %dma_start3A_143] : memref<40x128xi32, #tpu.memory_space<vmem>> -> memref<40x128xi32, #tpu.memory_space<vmem>>
      %dma_start3A_145 = arith.constant 0 : i32
      %dma_start3A_146 = tpu.memref_slice %arg5[%run_scoped3A_21, %add3A_20, %dma_start3A_145] : memref<3x2560x128xi32, #tpu.memory_space<hbm>> -> memref<1x40x128xi32, #tpu.memory_space<hbm>>
      %dma_start3A_147 = tpu.memref_squeeze %dma_start3A_146 : memref<1x40x128xi32, #tpu.memory_space<hbm>> -> memref<40x128xi32, #tpu.memory_space<hbm>>
      %dma_start3A_148 = arith.constant 0 : i32
      %dma_start3A_149 = arith.constant 0 : i32
      %dma_start3A_150 = tpu.memref_slice %arg9[%dma_start3A_148, %dma_start3A_149] : memref<40x128xi32, #tpu.memory_space<vmem>> -> memref<40x128xi32, #tpu.memory_space<vmem>>
      %dma_start3A_151 = arith.constant 0 : i32
      %dma_start3A_152 = tpu.memref_slice %arg5[%run_scoped3A_21, %add3A_20, %dma_start3A_151] : memref<3x2560x128xi32, #tpu.memory_space<hbm>> -> memref<1x40x128xi32, #tpu.memory_space<hbm>>
      %dma_start3A_153 = tpu.memref_squeeze %dma_start3A_152 : memref<1x40x128xi32, #tpu.memory_space<hbm>> -> memref<40x128xi32, #tpu.memory_space<hbm>>
      tpu.enqueue_dma source(%dma_start3A_153 : memref<40x128xi32, #tpu.memory_space<hbm>>) target(%dma_start3A_150 : memref<40x128xi32, #tpu.memory_space<vmem>>) target_semaphore(%run_scoped3A_141 : memref<!tpu.dma_semaphore, #tpu.memory_space<semaphore_mem>>)
      %dma_wait3A = arith.constant 0 : i32
      %dma_wait3A_154 = arith.constant 0 : i32
      %dma_wait3A_155 = tpu.memref_slice %arg9[%dma_wait3A, %dma_wait3A_154] : memref<40x128xi32, #tpu.memory_space<vmem>> -> memref<40x128xi32, #tpu.memory_space<vmem>>
      %dma_wait3A_156 = arith.constant 0 : i32
      %dma_wait3A_157 = tpu.memref_slice %arg5[%run_scoped3A_21, %add3A_20, %dma_wait3A_156] : memref<3x2560x128xi32, #tpu.memory_space<hbm>> -> memref<1x40x128xi32, #tpu.memory_space<hbm>>
      %dma_wait3A_158 = tpu.memref_squeeze %dma_wait3A_157 : memref<1x40x128xi32, #tpu.memory_space<hbm>> -> memref<40x128xi32, #tpu.memory_space<hbm>>
      %dma_wait3A_159 = arith.constant 0 : i32
      %dma_wait3A_160 = arith.constant 0 : i32
      %dma_wait3A_161 = tpu.memref_slice %arg9[%dma_wait3A_159, %dma_wait3A_160] : memref<40x128xi32, #tpu.memory_space<vmem>> -> memref<40x128xi32, #tpu.memory_space<vmem>>
      %dma_wait3A_162 = arith.constant 0 : i32
      %dma_wait3A_163 = tpu.memref_slice %arg5[%run_scoped3A_21, %add3A_20, %dma_wait3A_162] : memref<3x2560x128xi32, #tpu.memory_space<hbm>> -> memref<1x40x128xi32, #tpu.memory_space<hbm>>
      %dma_wait3A_164 = tpu.memref_squeeze %dma_wait3A_163 : memref<1x40x128xi32, #tpu.memory_space<hbm>> -> memref<40x128xi32, #tpu.memory_space<hbm>>
      tpu.wait_dma2 semaphore(%run_scoped3A_141 : memref<!tpu.dma_semaphore, #tpu.memory_space<semaphore_mem>>) src(%dma_wait3A_164 : memref<40x128xi32, #tpu.memory_space<hbm>>) dst(%dma_wait3A_161 : memref<40x128xi32, #tpu.memory_space<vmem>>)
      tpu.yield
    }) : () -> ()
    %run_scoped3A_22 = arith.constant 0 : i32
    "tpu.region"() ({
      %run_scoped3A_141 = tpu.sem_alloc : memref<!tpu.dma_semaphore, #tpu.memory_space<semaphore_mem>>
      %dma_start3A_142 = arith.constant 0 : i32
      %dma_start3A_143 = arith.constant 0 : i32
      %dma_start3A_144 = tpu.memref_slice %arg10[%dma_start3A_142, %dma_start3A_143] : memref<40x128xi32, #tpu.memory_space<vmem>> -> memref<40x128xi32, #tpu.memory_space<vmem>>
      %dma_start3A_145 = arith.constant 0 : i32
      %dma_start3A_146 = tpu.memref_slice %arg6[%run_scoped3A_22, %add3A_20, %dma_start3A_145] : memref<3x2560x128xi32, #tpu.memory_space<hbm>> -> memref<1x40x128xi32, #tpu.memory_space<hbm>>
      %dma_start3A_147 = tpu.memref_squeeze %dma_start3A_146 : memref<1x40x128xi32, #tpu.memory_space<hbm>> -> memref<40x128xi32, #tpu.memory_space<hbm>>
      %dma_start3A_148 = arith.constant 0 : i32
      %dma_start3A_149 = arith.constant 0 : i32
      %dma_start3A_150 = tpu.memref_slice %arg10[%dma_start3A_148, %dma_start3A_149] : memref<40x128xi32, #tpu.memory_space<vmem>> -> memref<40x128xi32, #tpu.memory_space<vmem>>
      %dma_start3A_151 = arith.constant 0 : i32
      %dma_start3A_152 = tpu.memref_slice %arg6[%run_scoped3A_22, %add3A_20, %dma_start3A_151] : memref<3x2560x128xi32, #tpu.memory_space<hbm>> -> memref<1x40x128xi32, #tpu.memory_space<hbm>>
      %dma_start3A_153 = tpu.memref_squeeze %dma_start3A_152 : memref<1x40x128xi32, #tpu.memory_space<hbm>> -> memref<40x128xi32, #tpu.memory_space<hbm>>
      tpu.enqueue_dma source(%dma_start3A_153 : memref<40x128xi32, #tpu.memory_space<hbm>>) target(%dma_start3A_150 : memref<40x128xi32, #tpu.memory_space<vmem>>) target_semaphore(%run_scoped3A_141 : memref<!tpu.dma_semaphore, #tpu.memory_space<semaphore_mem>>)
      %dma_wait3A = arith.constant 0 : i32
      %dma_wait3A_154 = arith.constant 0 : i32
      %dma_wait3A_155 = tpu.memref_slice %arg10[%dma_wait3A, %dma_wait3A_154] : memref<40x128xi32, #tpu.memory_space<vmem>> -> memref<40x128xi32, #tpu.memory_space<vmem>>
      %dma_wait3A_156 = arith.constant 0 : i32
      %dma_wait3A_157 = tpu.memref_slice %arg6[%run_scoped3A_22, %add3A_20, %dma_wait3A_156] : memref<3x2560x128xi32, #tpu.memory_space<hbm>> -> memref<1x40x128xi32, #tpu.memory_space<hbm>>
      %dma_wait3A_158 = tpu.memref_squeeze %dma_wait3A_157 : memref<1x40x128xi32, #tpu.memory_space<hbm>> -> memref<40x128xi32, #tpu.memory_space<hbm>>
      %dma_wait3A_159 = arith.constant 0 : i32
      %dma_wait3A_160 = arith.constant 0 : i32
      %dma_wait3A_161 = tpu.memref_slice %arg10[%dma_wait3A_159, %dma_wait3A_160] : memref<40x128xi32, #tpu.memory_space<vmem>> -> memref<40x128xi32, #tpu.memory_space<vmem>>
      %dma_wait3A_162 = arith.constant 0 : i32
      %dma_wait3A_163 = tpu.memref_slice %arg6[%run_scoped3A_22, %add3A_20, %dma_wait3A_162] : memref<3x2560x128xi32, #tpu.memory_space<hbm>> -> memref<1x40x128xi32, #tpu.memory_space<hbm>>
      %dma_wait3A_164 = tpu.memref_squeeze %dma_wait3A_163 : memref<1x40x128xi32, #tpu.memory_space<hbm>> -> memref<40x128xi32, #tpu.memory_space<hbm>>
      tpu.wait_dma2 semaphore(%run_scoped3A_141 : memref<!tpu.dma_semaphore, #tpu.memory_space<semaphore_mem>>) src(%dma_wait3A_164 : memref<40x128xi32, #tpu.memory_space<hbm>>) dst(%dma_wait3A_161 : memref<40x128xi32, #tpu.memory_space<vmem>>)
      tpu.yield
    }) : () -> ()
    %dma_start3A_23 = arith.constant 0 : i32
    %dma_start3A_24 = arith.constant 0 : i32
    %dma_start3A_25 = tpu.memref_slice %arg9[%dma_start3A_23, %dma_start3A_24] : memref<40x128xi32, #tpu.memory_space<vmem>> -> memref<1x128xi32, #tpu.memory_space<vmem>>
    %dma_start3A_26 = tpu.memref_squeeze %dma_start3A_25 : memref<1x128xi32, #tpu.memory_space<vmem>> -> memref<128xi32, #tpu.memory_space<vmem>>
    %dma_start3A_27 = arith.constant 0 : i32
    %dma_start3A_28 = arith.constant 0 : i32
    %dma_start3A_29 = tpu.memref_slice %arg2[%dma_start3A_27, %dma_start3A_28] : memref<10240x128xf32, #tpu.memory_space<hbm>> -> memref<10240x128xf32, #tpu.memory_space<hbm>>
    tpu.enqueue_indirect_dma source(%dma_start3A_29 : memref<10240x128xf32, #tpu.memory_space<hbm>>) target(%arg11 : memref<128x128xf32, #tpu.memory_space<vmem>>) offsets(%dma_start3A_26 : memref<128xi32, #tpu.memory_space<vmem>>) semaphore(%arg14 : memref<!tpu.dma_semaphore, #tpu.memory_space<semaphore_mem>>)
    %scan3A_30 = arith.constant 0 : i32
    %scan3A_31 = arith.constant 0 : i32
    %scan3A_32 = arith.constant 20 : i32
    %scan3A_33 = arith.addi %scan3A_31, %scan3A_32 : i32
    %scan3A_34 = arith.constant 1 : i32
    scf.for %scan3A_141 = %scan3A_31 to %scan3A_33 step %scan3A_34  : i32 {
      %mul3A_142 = arith.constant 2 : i32
      %mul3A_143 = arith.muli %mul3A_142, %scan3A_141 : i32
      %mul3A_144 = arith.constant 2 : i32
      %mul3A_145 = arith.muli %mul3A_144, %scan3A_141 : i32
      %add3A_146 = arith.constant 1 : i32
      %add3A_147 = arith.addi %mul3A_145, %add3A_146 : i32
      %lt3A = arith.constant 40 : i32
      %lt3A_148 = arith.cmpi slt, %add3A_147, %lt3A : i32
      %convert_element_type3A = arith.extui %lt3A_148 : i1 to i32
      %cond3A = arith.constant 0 : i32
      %cond3A_149 = arith.cmpi ne, %convert_element_type3A, %cond3A : i32
      scf.if %cond3A_149 {
        %dma_start3A_167 = arith.constant 0 : i32
        %dma_start3A_168 = tpu.memref_slice %arg9[%add3A_147, %dma_start3A_167] : memref<40x128xi32, #tpu.memory_space<vmem>> -> memref<1x128xi32, #tpu.memory_space<vmem>>
        %dma_start3A_169 = tpu.memref_squeeze %dma_start3A_168 : memref<1x128xi32, #tpu.memory_space<vmem>> -> memref<128xi32, #tpu.memory_space<vmem>>
        %dma_start3A_170 = arith.constant 0 : i32
        %dma_start3A_171 = arith.constant 0 : i32
        %dma_start3A_172 = tpu.memref_slice %arg2[%dma_start3A_170, %dma_start3A_171] : memref<10240x128xf32, #tpu.memory_space<hbm>> -> memref<10240x128xf32, #tpu.memory_space<hbm>>
        tpu.enqueue_indirect_dma source(%dma_start3A_172 : memref<10240x128xf32, #tpu.memory_space<hbm>>) target(%arg12 : memref<128x128xf32, #tpu.memory_space<vmem>>) offsets(%dma_start3A_169 : memref<128xi32, #tpu.memory_space<vmem>>) semaphore(%arg15 : memref<!tpu.dma_semaphore, #tpu.memory_space<semaphore_mem>>)
      } else {
      }
      %dma_wait3A = arith.constant 0 : i32
      %dma_wait3A_150 = tpu.memref_slice %arg9[%mul3A_143, %dma_wait3A] : memref<40x128xi32, #tpu.memory_space<vmem>> -> memref<1x128xi32, #tpu.memory_space<vmem>>
      %dma_wait3A_151 = tpu.memref_squeeze %dma_wait3A_150 : memref<1x128xi32, #tpu.memory_space<vmem>> -> memref<128xi32, #tpu.memory_space<vmem>>
      %dma_wait3A_152 = arith.constant 0 : i32
      %dma_wait3A_153 = arith.constant 0 : i32
      %dma_wait3A_154 = tpu.memref_slice %arg2[%dma_wait3A_152, %dma_wait3A_153] : memref<10240x128xf32, #tpu.memory_space<hbm>> -> memref<10240x128xf32, #tpu.memory_space<hbm>>
      tpu.wait_indirect_dma semaphore(%arg14 : memref<!tpu.dma_semaphore, #tpu.memory_space<semaphore_mem>>) src(%dma_wait3A_154 : memref<10240x128xf32, #tpu.memory_space<hbm>>) dst(%arg11 : memref<128x128xf32, #tpu.memory_space<vmem>>)
      "tpu.region"() ({
        %run_scoped3A_167 = tpu.sem_alloc : memref<!tpu.dma_semaphore, #tpu.memory_space<semaphore_mem>>
        %dma_start3A_168 = arith.constant 0 : i32
        %dma_start3A_169 = tpu.memref_slice %arg10[%mul3A_143, %dma_start3A_168] : memref<40x128xi32, #tpu.memory_space<vmem>> -> memref<1x128xi32, #tpu.memory_space<vmem>>
        %dma_start3A_170 = tpu.memref_squeeze %dma_start3A_169 : memref<1x128xi32, #tpu.memory_space<vmem>> -> memref<128xi32, #tpu.memory_space<vmem>>
        %dma_start3A_171 = arith.constant 0 : i32
        %dma_start3A_172 = arith.constant 0 : i32
        %dma_start3A_173 = tpu.memref_slice %arg13[%dma_start3A_171, %dma_start3A_172] : memref<10240x128xf32, #tpu.memory_space<vmem_shared>> -> memref<10240x128xf32, #tpu.memory_space<vmem_shared>>
        tpu.enqueue_indirect_dma source(%arg11 : memref<128x128xf32, #tpu.memory_space<vmem>>) target(%dma_start3A_173 : memref<10240x128xf32, #tpu.memory_space<vmem_shared>>) offsets(%dma_start3A_170 : memref<128xi32, #tpu.memory_space<vmem>>) semaphore(%run_scoped3A_167 : memref<!tpu.dma_semaphore, #tpu.memory_space<semaphore_mem>>) {add = true}
        %dma_wait3A_174 = arith.constant 0 : i32
        %dma_wait3A_175 = tpu.memref_slice %arg10[%mul3A_143, %dma_wait3A_174] : memref<40x128xi32, #tpu.memory_space<vmem>> -> memref<1x128xi32, #tpu.memory_space<vmem>>
        %dma_wait3A_176 = tpu.memref_squeeze %dma_wait3A_175 : memref<1x128xi32, #tpu.memory_space<vmem>> -> memref<128xi32, #tpu.memory_space<vmem>>
        %dma_wait3A_177 = arith.constant 0 : i32
        %dma_wait3A_178 = arith.constant 0 : i32
        %dma_wait3A_179 = tpu.memref_slice %arg13[%dma_wait3A_177, %dma_wait3A_178] : memref<10240x128xf32, #tpu.memory_space<vmem_shared>> -> memref<10240x128xf32, #tpu.memory_space<vmem_shared>>
        tpu.wait_indirect_dma semaphore(%run_scoped3A_167 : memref<!tpu.dma_semaphore, #tpu.memory_space<semaphore_mem>>) src(%arg11 : memref<128x128xf32, #tpu.memory_space<vmem>>) dst(%dma_wait3A_179 : memref<10240x128xf32, #tpu.memory_space<vmem_shared>>)
        tpu.yield
      }) : () -> ()
      %add3A_155 = arith.constant 2 : i32
      %add3A_156 = arith.addi %mul3A_143, %add3A_155 : i32
      %lt3A_157 = arith.constant 40 : i32
      %lt3A_158 = arith.cmpi slt, %add3A_156, %lt3A_157 : i32
      %convert_element_type3A_159 = arith.extui %lt3A_158 : i1 to i32
      %cond3A_160 = arith.constant 0 : i32
      %cond3A_161 = arith.cmpi ne, %convert_element_type3A_159, %cond3A_160 : i32
      scf.if %cond3A_161 {
        %add3A_167 = arith.constant 2 : i32
        %add3A_168 = arith.addi %mul3A_143, %add3A_167 : i32
        %dma_start3A_169 = arith.constant 0 : i32
        %dma_start3A_170 = tpu.memref_slice %arg9[%add3A_168, %dma_start3A_169] : memref<40x128xi32, #tpu.memory_space<vmem>> -> memref<1x128xi32, #tpu.memory_space<vmem>>
        %dma_start3A_171 = tpu.memref_squeeze %dma_start3A_170 : memref<1x128xi32, #tpu.memory_space<vmem>> -> memref<128xi32, #tpu.memory_space<vmem>>
        %dma_start3A_172 = arith.constant 0 : i32
        %dma_start3A_173 = arith.constant 0 : i32
        %dma_start3A_174 = tpu.memref_slice %arg2[%dma_start3A_172, %dma_start3A_173] : memref<10240x128xf32, #tpu.memory_space<hbm>> -> memref<10240x128xf32, #tpu.memory_space<hbm>>
        tpu.enqueue_indirect_dma source(%dma_start3A_174 : memref<10240x128xf32, #tpu.memory_space<hbm>>) target(%arg11 : memref<128x128xf32, #tpu.memory_space<vmem>>) offsets(%dma_start3A_171 : memref<128xi32, #tpu.memory_space<vmem>>) semaphore(%arg14 : memref<!tpu.dma_semaphore, #tpu.memory_space<semaphore_mem>>)
      } else {
      }
      %lt3A_162 = arith.constant 40 : i32
      %lt3A_163 = arith.cmpi slt, %add3A_147, %lt3A_162 : i32
      %convert_element_type3A_164 = arith.extui %lt3A_163 : i1 to i32
      %cond3A_165 = arith.constant 0 : i32
      %cond3A_166 = arith.cmpi ne, %convert_element_type3A_164, %cond3A_165 : i32
      scf.if %cond3A_166 {
        %dma_wait3A_167 = arith.constant 0 : i32
        %dma_wait3A_168 = tpu.memref_slice %arg9[%add3A_147, %dma_wait3A_167] : memref<40x128xi32, #tpu.memory_space<vmem>> -> memref<1x128xi32, #tpu.memory_space<vmem>>
        %dma_wait3A_169 = tpu.memref_squeeze %dma_wait3A_168 : memref<1x128xi32, #tpu.memory_space<vmem>> -> memref<128xi32, #tpu.memory_space<vmem>>
        %dma_wait3A_170 = arith.constant 0 : i32
        %dma_wait3A_171 = arith.constant 0 : i32
        %dma_wait3A_172 = tpu.memref_slice %arg2[%dma_wait3A_170, %dma_wait3A_171] : memref<10240x128xf32, #tpu.memory_space<hbm>> -> memref<10240x128xf32, #tpu.memory_space<hbm>>
        tpu.wait_indirect_dma semaphore(%arg15 : memref<!tpu.dma_semaphore, #tpu.memory_space<semaphore_mem>>) src(%dma_wait3A_172 : memref<10240x128xf32, #tpu.memory_space<hbm>>) dst(%arg12 : memref<128x128xf32, #tpu.memory_space<vmem>>)
        "tpu.region"() ({
          %run_scoped3A_173 = tpu.sem_alloc : memref<!tpu.dma_semaphore, #tpu.memory_space<semaphore_mem>>
          %dma_start3A_174 = arith.constant 0 : i32
          %dma_start3A_175 = tpu.memref_slice %arg10[%add3A_147, %dma_start3A_174] : memref<40x128xi32, #tpu.memory_space<vmem>> -> memref<1x128xi32, #tpu.memory_space<vmem>>
          %dma_start3A_176 = tpu.memref_squeeze %dma_start3A_175 : memref<1x128xi32, #tpu.memory_space<vmem>> -> memref<128xi32, #tpu.memory_space<vmem>>
          %dma_start3A_177 = arith.constant 0 : i32
          %dma_start3A_178 = arith.constant 0 : i32
          %dma_start3A_179 = tpu.memref_slice %arg13[%dma_start3A_177, %dma_start3A_178] : memref<10240x128xf32, #tpu.memory_space<vmem_shared>> -> memref<10240x128xf32, #tpu.memory_space<vmem_shared>>
          tpu.enqueue_indirect_dma source(%arg12 : memref<128x128xf32, #tpu.memory_space<vmem>>) target(%dma_start3A_179 : memref<10240x128xf32, #tpu.memory_space<vmem_shared>>) offsets(%dma_start3A_176 : memref<128xi32, #tpu.memory_space<vmem>>) semaphore(%run_scoped3A_173 : memref<!tpu.dma_semaphore, #tpu.memory_space<semaphore_mem>>) {add = true}
          %dma_wait3A_180 = arith.constant 0 : i32
          %dma_wait3A_181 = tpu.memref_slice %arg10[%add3A_147, %dma_wait3A_180] : memref<40x128xi32, #tpu.memory_space<vmem>> -> memref<1x128xi32, #tpu.memory_space<vmem>>
          %dma_wait3A_182 = tpu.memref_squeeze %dma_wait3A_181 : memref<1x128xi32, #tpu.memory_space<vmem>> -> memref<128xi32, #tpu.memory_space<vmem>>
          %dma_wait3A_183 = arith.constant 0 : i32
          %dma_wait3A_184 = arith.constant 0 : i32
          %dma_wait3A_185 = tpu.memref_slice %arg13[%dma_wait3A_183, %dma_wait3A_184] : memref<10240x128xf32, #tpu.memory_space<vmem_shared>> -> memref<10240x128xf32, #tpu.memory_space<vmem_shared>>
          tpu.wait_indirect_dma semaphore(%run_scoped3A_173 : memref<!tpu.dma_semaphore, #tpu.memory_space<semaphore_mem>>) src(%arg12 : memref<128x128xf32, #tpu.memory_space<vmem>>) dst(%dma_wait3A_185 : memref<10240x128xf32, #tpu.memory_space<vmem_shared>>)
          tpu.yield
        }) : () -> ()
      } else {
      }
    }
    %scan3A_35 = arith.constant 20 : i32
    %barrier3A_36 = arith.constant 0 : index
    tpu.barrier barrier_id(%barrier3A_36)
    %mul3A_37 = arith.constant 640 : i32
    %mul3A_38 = arith.muli %arg1, %mul3A_37 : i32
    %mul3A_39 = arith.constant 640 : i32
    %mul3A_40 = arith.muli %arg1, %mul3A_39 : i32
    %run_scoped3A_41 = arith.constant 0 : i32
    "tpu.region"() ({
      %run_scoped3A_141 = tpu.sem_alloc : memref<!tpu.dma_semaphore, #tpu.memory_space<semaphore_mem>>
      %dma_start3A_142 = arith.constant 0 : i32
      %dma_start3A_143 = tpu.memref_slice %arg8[%arg0, %run_scoped3A_41, %mul3A_40, %dma_start3A_142] : memref<2x3x10240x128xf32, #tpu.memory_space<hbm>> -> memref<1x1x640x128xf32, #tpu.memory_space<hbm>>
      %dma_start3A_144 = tpu.memref_squeeze %dma_start3A_143 : memref<1x1x640x128xf32, #tpu.memory_space<hbm>> -> memref<640x128xf32, #tpu.memory_space<hbm>>
      %dma_start3A_145 = arith.constant 0 : i32
      %dma_start3A_146 = tpu.memref_slice %arg13[%mul3A_38, %dma_start3A_145] : memref<10240x128xf32, #tpu.memory_space<vmem_shared>> -> memref<640x128xf32, #tpu.memory_space<vmem_shared>>
      tpu.enqueue_dma source(%dma_start3A_146 : memref<640x128xf32, #tpu.memory_space<vmem_shared>>) target(%dma_start3A_144 : memref<640x128xf32, #tpu.memory_space<hbm>>) target_semaphore(%run_scoped3A_141 : memref<!tpu.dma_semaphore, #tpu.memory_space<semaphore_mem>>)
      %dma_wait3A = arith.constant 0 : i32
      %dma_wait3A_147 = tpu.memref_slice %arg8[%arg0, %run_scoped3A_41, %mul3A_40, %dma_wait3A] : memref<2x3x10240x128xf32, #tpu.memory_space<hbm>> -> memref<1x1x640x128xf32, #tpu.memory_space<hbm>>
      %dma_wait3A_148 = tpu.memref_squeeze %dma_wait3A_147 : memref<1x1x640x128xf32, #tpu.memory_space<hbm>> -> memref<640x128xf32, #tpu.memory_space<hbm>>
      %dma_wait3A_149 = arith.constant 0 : i32
      %dma_wait3A_150 = tpu.memref_slice %arg13[%mul3A_38, %dma_wait3A_149] : memref<10240x128xf32, #tpu.memory_space<vmem_shared>> -> memref<640x128xf32, #tpu.memory_space<vmem_shared>>
      tpu.wait_dma2 semaphore(%run_scoped3A_141 : memref<!tpu.dma_semaphore, #tpu.memory_space<semaphore_mem>>) src(%dma_wait3A_150 : memref<640x128xf32, #tpu.memory_space<vmem_shared>>) dst(%dma_wait3A_148 : memref<640x128xf32, #tpu.memory_space<hbm>>)
      tpu.yield
    }) : () -> ()
    %barrier3A_42 = arith.constant 0 : index
    tpu.barrier barrier_id(%barrier3A_42)
    %mul3A_43 = arith.constant 640 : i32
    %mul3A_44 = arith.muli %arg1, %mul3A_43 : i32
    "tpu.region"() ({
      %run_scoped3A_141 = tpu.sem_alloc : memref<!tpu.dma_semaphore, #tpu.memory_space<semaphore_mem>>
      %dma_start3A_142 = arith.constant 0 : i32
      %dma_start3A_143 = tpu.memref_slice %arg13[%mul3A_44, %dma_start3A_142] : memref<10240x128xf32, #tpu.memory_space<vmem_shared>> -> memref<640x128xf32, #tpu.memory_space<vmem_shared>>
      tpu.enqueue_dma source(%arg7 : memref<640x128xf32, #tpu.memory_space<hbm>>) target(%dma_start3A_143 : memref<640x128xf32, #tpu.memory_space<vmem_shared>>) target_semaphore(%run_scoped3A_141 : memref<!tpu.dma_semaphore, #tpu.memory_space<semaphore_mem>>)
      %dma_wait3A = arith.constant 0 : i32
      %dma_wait3A_144 = tpu.memref_slice %arg13[%mul3A_44, %dma_wait3A] : memref<10240x128xf32, #tpu.memory_space<vmem_shared>> -> memref<640x128xf32, #tpu.memory_space<vmem_shared>>
      tpu.wait_dma2 semaphore(%run_scoped3A_141 : memref<!tpu.dma_semaphore, #tpu.memory_space<semaphore_mem>>) src(%arg7 : memref<640x128xf32, #tpu.memory_space<hbm>>) dst(%dma_wait3A_144 : memref<640x128xf32, #tpu.memory_space<vmem_shared>>)
      tpu.yield
    }) : () -> ()
    %barrier3A_45 = arith.constant 0 : index
    tpu.barrier barrier_id(%barrier3A_45)
    %mul3A_46 = arith.constant 16 : i32
    %mul3A_47 = arith.muli %arg0, %mul3A_46 : i32
    %add3A_48 = arith.addi %mul3A_47, %arg1 : i32
    %mul3A_49 = arith.constant 80 : i32
    %mul3A_50 = arith.muli %add3A_48, %mul3A_49 : i32
    %add3A_51 = arith.constant 0 : i32
    %add3A_52 = arith.addi %mul3A_50, %add3A_51 : i32
    %run_scoped3A_53 = arith.constant 1 : i32
    "tpu.region"() ({
      %run_scoped3A_141 = tpu.sem_alloc : memref<!tpu.dma_semaphore, #tpu.memory_space<semaphore_mem>>
      %dma_start3A_142 = arith.constant 0 : i32
      %dma_start3A_143 = arith.constant 0 : i32
      %dma_start3A_144 = tpu.memref_slice %arg9[%dma_start3A_142, %dma_start3A_143] : memref<40x128xi32, #tpu.memory_space<vmem>> -> memref<40x128xi32, #tpu.memory_space<vmem>>
      %dma_start3A_145 = arith.constant 0 : i32
      %dma_start3A_146 = tpu.memref_slice %arg5[%run_scoped3A_53, %add3A_52, %dma_start3A_145] : memref<3x2560x128xi32, #tpu.memory_space<hbm>> -> memref<1x40x128xi32, #tpu.memory_space<hbm>>
      %dma_start3A_147 = tpu.memref_squeeze %dma_start3A_146 : memref<1x40x128xi32, #tpu.memory_space<hbm>> -> memref<40x128xi32, #tpu.memory_space<hbm>>
      %dma_start3A_148 = arith.constant 0 : i32
      %dma_start3A_149 = arith.constant 0 : i32
      %dma_start3A_150 = tpu.memref_slice %arg9[%dma_start3A_148, %dma_start3A_149] : memref<40x128xi32, #tpu.memory_space<vmem>> -> memref<40x128xi32, #tpu.memory_space<vmem>>
      %dma_start3A_151 = arith.constant 0 : i32
      %dma_start3A_152 = tpu.memref_slice %arg5[%run_scoped3A_53, %add3A_52, %dma_start3A_151] : memref<3x2560x128xi32, #tpu.memory_space<hbm>> -> memref<1x40x128xi32, #tpu.memory_space<hbm>>
      %dma_start3A_153 = tpu.memref_squeeze %dma_start3A_152 : memref<1x40x128xi32, #tpu.memory_space<hbm>> -> memref<40x128xi32, #tpu.memory_space<hbm>>
      tpu.enqueue_dma source(%dma_start3A_153 : memref<40x128xi32, #tpu.memory_space<hbm>>) target(%dma_start3A_150 : memref<40x128xi32, #tpu.memory_space<vmem>>) target_semaphore(%run_scoped3A_141 : memref<!tpu.dma_semaphore, #tpu.memory_space<semaphore_mem>>)
      %dma_wait3A = arith.constant 0 : i32
      %dma_wait3A_154 = arith.constant 0 : i32
      %dma_wait3A_155 = tpu.memref_slice %arg9[%dma_wait3A, %dma_wait3A_154] : memref<40x128xi32, #tpu.memory_space<vmem>> -> memref<40x128xi32, #tpu.memory_space<vmem>>
      %dma_wait3A_156 = arith.constant 0 : i32
      %dma_wait3A_157 = tpu.memref_slice %arg5[%run_scoped3A_53, %add3A_52, %dma_wait3A_156] : memref<3x2560x128xi32, #tpu.memory_space<hbm>> -> memref<1x40x128xi32, #tpu.memory_space<hbm>>
      %dma_wait3A_158 = tpu.memref_squeeze %dma_wait3A_157 : memref<1x40x128xi32, #tpu.memory_space<hbm>> -> memref<40x128xi32, #tpu.memory_space<hbm>>
      %dma_wait3A_159 = arith.constant 0 : i32
      %dma_wait3A_160 = arith.constant 0 : i32
      %dma_wait3A_161 = tpu.memref_slice %arg9[%dma_wait3A_159, %dma_wait3A_160] : memref<40x128xi32, #tpu.memory_space<vmem>> -> memref<40x128xi32, #tpu.memory_space<vmem>>
      %dma_wait3A_162 = arith.constant 0 : i32
      %dma_wait3A_163 = tpu.memref_slice %arg5[%run_scoped3A_53, %add3A_52, %dma_wait3A_162] : memref<3x2560x128xi32, #tpu.memory_space<hbm>> -> memref<1x40x128xi32, #tpu.memory_space<hbm>>
      %dma_wait3A_164 = tpu.memref_squeeze %dma_wait3A_163 : memref<1x40x128xi32, #tpu.memory_space<hbm>> -> memref<40x128xi32, #tpu.memory_space<hbm>>
      tpu.wait_dma2 semaphore(%run_scoped3A_141 : memref<!tpu.dma_semaphore, #tpu.memory_space<semaphore_mem>>) src(%dma_wait3A_164 : memref<40x128xi32, #tpu.memory_space<hbm>>) dst(%dma_wait3A_161 : memref<40x128xi32, #tpu.memory_space<vmem>>)
      tpu.yield
    }) : () -> ()
    %run_scoped3A_54 = arith.constant 1 : i32
    "tpu.region"() ({
      %run_scoped3A_141 = tpu.sem_alloc : memref<!tpu.dma_semaphore, #tpu.memory_space<semaphore_mem>>
      %dma_start3A_142 = arith.constant 0 : i32
      %dma_start3A_143 = arith.constant 0 : i32
      %dma_start3A_144 = tpu.memref_slice %arg10[%dma_start3A_142, %dma_start3A_143] : memref<40x128xi32, #tpu.memory_space<vmem>> -> memref<40x128xi32, #tpu.memory_space<vmem>>
      %dma_start3A_145 = arith.constant 0 : i32
      %dma_start3A_146 = tpu.memref_slice %arg6[%run_scoped3A_54, %add3A_52, %dma_start3A_145] : memref<3x2560x128xi32, #tpu.memory_space<hbm>> -> memref<1x40x128xi32, #tpu.memory_space<hbm>>
      %dma_start3A_147 = tpu.memref_squeeze %dma_start3A_146 : memref<1x40x128xi32, #tpu.memory_space<hbm>> -> memref<40x128xi32, #tpu.memory_space<hbm>>
      %dma_start3A_148 = arith.constant 0 : i32
      %dma_start3A_149 = arith.constant 0 : i32
      %dma_start3A_150 = tpu.memref_slice %arg10[%dma_start3A_148, %dma_start3A_149] : memref<40x128xi32, #tpu.memory_space<vmem>> -> memref<40x128xi32, #tpu.memory_space<vmem>>
      %dma_start3A_151 = arith.constant 0 : i32
      %dma_start3A_152 = tpu.memref_slice %arg6[%run_scoped3A_54, %add3A_52, %dma_start3A_151] : memref<3x2560x128xi32, #tpu.memory_space<hbm>> -> memref<1x40x128xi32, #tpu.memory_space<hbm>>
      %dma_start3A_153 = tpu.memref_squeeze %dma_start3A_152 : memref<1x40x128xi32, #tpu.memory_space<hbm>> -> memref<40x128xi32, #tpu.memory_space<hbm>>
      tpu.enqueue_dma source(%dma_start3A_153 : memref<40x128xi32, #tpu.memory_space<hbm>>) target(%dma_start3A_150 : memref<40x128xi32, #tpu.memory_space<vmem>>) target_semaphore(%run_scoped3A_141 : memref<!tpu.dma_semaphore, #tpu.memory_space<semaphore_mem>>)
      %dma_wait3A = arith.constant 0 : i32
      %dma_wait3A_154 = arith.constant 0 : i32
      %dma_wait3A_155 = tpu.memref_slice %arg10[%dma_wait3A, %dma_wait3A_154] : memref<40x128xi32, #tpu.memory_space<vmem>> -> memref<40x128xi32, #tpu.memory_space<vmem>>
      %dma_wait3A_156 = arith.constant 0 : i32
      %dma_wait3A_157 = tpu.memref_slice %arg6[%run_scoped3A_54, %add3A_52, %dma_wait3A_156] : memref<3x2560x128xi32, #tpu.memory_space<hbm>> -> memref<1x40x128xi32, #tpu.memory_space<hbm>>
      %dma_wait3A_158 = tpu.memref_squeeze %dma_wait3A_157 : memref<1x40x128xi32, #tpu.memory_space<hbm>> -> memref<40x128xi32, #tpu.memory_space<hbm>>
      %dma_wait3A_159 = arith.constant 0 : i32
      %dma_wait3A_160 = arith.constant 0 : i32
      %dma_wait3A_161 = tpu.memref_slice %arg10[%dma_wait3A_159, %dma_wait3A_160] : memref<40x128xi32, #tpu.memory_space<vmem>> -> memref<40x128xi32, #tpu.memory_space<vmem>>
      %dma_wait3A_162 = arith.constant 0 : i32
      %dma_wait3A_163 = tpu.memref_slice %arg6[%run_scoped3A_54, %add3A_52, %dma_wait3A_162] : memref<3x2560x128xi32, #tpu.memory_space<hbm>> -> memref<1x40x128xi32, #tpu.memory_space<hbm>>
      %dma_wait3A_164 = tpu.memref_squeeze %dma_wait3A_163 : memref<1x40x128xi32, #tpu.memory_space<hbm>> -> memref<40x128xi32, #tpu.memory_space<hbm>>
      tpu.wait_dma2 semaphore(%run_scoped3A_141 : memref<!tpu.dma_semaphore, #tpu.memory_space<semaphore_mem>>) src(%dma_wait3A_164 : memref<40x128xi32, #tpu.memory_space<hbm>>) dst(%dma_wait3A_161 : memref<40x128xi32, #tpu.memory_space<vmem>>)
      tpu.yield
    }) : () -> ()
    %dma_start3A_55 = arith.constant 0 : i32
    %dma_start3A_56 = arith.constant 0 : i32
    %dma_start3A_57 = tpu.memref_slice %arg9[%dma_start3A_55, %dma_start3A_56] : memref<40x128xi32, #tpu.memory_space<vmem>> -> memref<1x128xi32, #tpu.memory_space<vmem>>
    %dma_start3A_58 = tpu.memref_squeeze %dma_start3A_57 : memref<1x128xi32, #tpu.memory_space<vmem>> -> memref<128xi32, #tpu.memory_space<vmem>>
    %dma_start3A_59 = arith.constant 0 : i32
    %dma_start3A_60 = arith.constant 0 : i32
    %dma_start3A_61 = tpu.memref_slice %arg3[%dma_start3A_59, %dma_start3A_60] : memref<10240x128xf32, #tpu.memory_space<hbm>> -> memref<10240x128xf32, #tpu.memory_space<hbm>>
    tpu.enqueue_indirect_dma source(%dma_start3A_61 : memref<10240x128xf32, #tpu.memory_space<hbm>>) target(%arg11 : memref<128x128xf32, #tpu.memory_space<vmem>>) offsets(%dma_start3A_58 : memref<128xi32, #tpu.memory_space<vmem>>) semaphore(%arg14 : memref<!tpu.dma_semaphore, #tpu.memory_space<semaphore_mem>>)
    %scan3A_62 = arith.constant 0 : i32
    %scan3A_63 = arith.constant 0 : i32
    %scan3A_64 = arith.constant 20 : i32
    %scan3A_65 = arith.addi %scan3A_63, %scan3A_64 : i32
    %scan3A_66 = arith.constant 1 : i32
    scf.for %scan3A_141 = %scan3A_63 to %scan3A_65 step %scan3A_66  : i32 {
      %mul3A_142 = arith.constant 2 : i32
      %mul3A_143 = arith.muli %mul3A_142, %scan3A_141 : i32
      %mul3A_144 = arith.constant 2 : i32
      %mul3A_145 = arith.muli %mul3A_144, %scan3A_141 : i32
      %add3A_146 = arith.constant 1 : i32
      %add3A_147 = arith.addi %mul3A_145, %add3A_146 : i32
      %lt3A = arith.constant 40 : i32
      %lt3A_148 = arith.cmpi slt, %add3A_147, %lt3A : i32
      %convert_element_type3A = arith.extui %lt3A_148 : i1 to i32
      %cond3A = arith.constant 0 : i32
      %cond3A_149 = arith.cmpi ne, %convert_element_type3A, %cond3A : i32
      scf.if %cond3A_149 {
        %dma_start3A_167 = arith.constant 0 : i32
        %dma_start3A_168 = tpu.memref_slice %arg9[%add3A_147, %dma_start3A_167] : memref<40x128xi32, #tpu.memory_space<vmem>> -> memref<1x128xi32, #tpu.memory_space<vmem>>
        %dma_start3A_169 = tpu.memref_squeeze %dma_start3A_168 : memref<1x128xi32, #tpu.memory_space<vmem>> -> memref<128xi32, #tpu.memory_space<vmem>>
        %dma_start3A_170 = arith.constant 0 : i32
        %dma_start3A_171 = arith.constant 0 : i32
        %dma_start3A_172 = tpu.memref_slice %arg3[%dma_start3A_170, %dma_start3A_171] : memref<10240x128xf32, #tpu.memory_space<hbm>> -> memref<10240x128xf32, #tpu.memory_space<hbm>>
        tpu.enqueue_indirect_dma source(%dma_start3A_172 : memref<10240x128xf32, #tpu.memory_space<hbm>>) target(%arg12 : memref<128x128xf32, #tpu.memory_space<vmem>>) offsets(%dma_start3A_169 : memref<128xi32, #tpu.memory_space<vmem>>) semaphore(%arg15 : memref<!tpu.dma_semaphore, #tpu.memory_space<semaphore_mem>>)
      } else {
      }
      %dma_wait3A = arith.constant 0 : i32
      %dma_wait3A_150 = tpu.memref_slice %arg9[%mul3A_143, %dma_wait3A] : memref<40x128xi32, #tpu.memory_space<vmem>> -> memref<1x128xi32, #tpu.memory_space<vmem>>
      %dma_wait3A_151 = tpu.memref_squeeze %dma_wait3A_150 : memref<1x128xi32, #tpu.memory_space<vmem>> -> memref<128xi32, #tpu.memory_space<vmem>>
      %dma_wait3A_152 = arith.constant 0 : i32
      %dma_wait3A_153 = arith.constant 0 : i32
      %dma_wait3A_154 = tpu.memref_slice %arg3[%dma_wait3A_152, %dma_wait3A_153] : memref<10240x128xf32, #tpu.memory_space<hbm>> -> memref<10240x128xf32, #tpu.memory_space<hbm>>
      tpu.wait_indirect_dma semaphore(%arg14 : memref<!tpu.dma_semaphore, #tpu.memory_space<semaphore_mem>>) src(%dma_wait3A_154 : memref<10240x128xf32, #tpu.memory_space<hbm>>) dst(%arg11 : memref<128x128xf32, #tpu.memory_space<vmem>>)
      "tpu.region"() ({
        %run_scoped3A_167 = tpu.sem_alloc : memref<!tpu.dma_semaphore, #tpu.memory_space<semaphore_mem>>
        %dma_start3A_168 = arith.constant 0 : i32
        %dma_start3A_169 = tpu.memref_slice %arg10[%mul3A_143, %dma_start3A_168] : memref<40x128xi32, #tpu.memory_space<vmem>> -> memref<1x128xi32, #tpu.memory_space<vmem>>
        %dma_start3A_170 = tpu.memref_squeeze %dma_start3A_169 : memref<1x128xi32, #tpu.memory_space<vmem>> -> memref<128xi32, #tpu.memory_space<vmem>>
        %dma_start3A_171 = arith.constant 0 : i32
        %dma_start3A_172 = arith.constant 0 : i32
        %dma_start3A_173 = tpu.memref_slice %arg13[%dma_start3A_171, %dma_start3A_172] : memref<10240x128xf32, #tpu.memory_space<vmem_shared>> -> memref<10240x128xf32, #tpu.memory_space<vmem_shared>>
        tpu.enqueue_indirect_dma source(%arg11 : memref<128x128xf32, #tpu.memory_space<vmem>>) target(%dma_start3A_173 : memref<10240x128xf32, #tpu.memory_space<vmem_shared>>) offsets(%dma_start3A_170 : memref<128xi32, #tpu.memory_space<vmem>>) semaphore(%run_scoped3A_167 : memref<!tpu.dma_semaphore, #tpu.memory_space<semaphore_mem>>) {add = true}
        %dma_wait3A_174 = arith.constant 0 : i32
        %dma_wait3A_175 = tpu.memref_slice %arg10[%mul3A_143, %dma_wait3A_174] : memref<40x128xi32, #tpu.memory_space<vmem>> -> memref<1x128xi32, #tpu.memory_space<vmem>>
        %dma_wait3A_176 = tpu.memref_squeeze %dma_wait3A_175 : memref<1x128xi32, #tpu.memory_space<vmem>> -> memref<128xi32, #tpu.memory_space<vmem>>
        %dma_wait3A_177 = arith.constant 0 : i32
        %dma_wait3A_178 = arith.constant 0 : i32
        %dma_wait3A_179 = tpu.memref_slice %arg13[%dma_wait3A_177, %dma_wait3A_178] : memref<10240x128xf32, #tpu.memory_space<vmem_shared>> -> memref<10240x128xf32, #tpu.memory_space<vmem_shared>>
        tpu.wait_indirect_dma semaphore(%run_scoped3A_167 : memref<!tpu.dma_semaphore, #tpu.memory_space<semaphore_mem>>) src(%arg11 : memref<128x128xf32, #tpu.memory_space<vmem>>) dst(%dma_wait3A_179 : memref<10240x128xf32, #tpu.memory_space<vmem_shared>>)
        tpu.yield
      }) : () -> ()
      %add3A_155 = arith.constant 2 : i32
      %add3A_156 = arith.addi %mul3A_143, %add3A_155 : i32
      %lt3A_157 = arith.constant 40 : i32
      %lt3A_158 = arith.cmpi slt, %add3A_156, %lt3A_157 : i32
      %convert_element_type3A_159 = arith.extui %lt3A_158 : i1 to i32
      %cond3A_160 = arith.constant 0 : i32
      %cond3A_161 = arith.cmpi ne, %convert_element_type3A_159, %cond3A_160 : i32
      scf.if %cond3A_161 {
        %add3A_167 = arith.constant 2 : i32
        %add3A_168 = arith.addi %mul3A_143, %add3A_167 : i32
        %dma_start3A_169 = arith.constant 0 : i32
        %dma_start3A_170 = tpu.memref_slice %arg9[%add3A_168, %dma_start3A_169] : memref<40x128xi32, #tpu.memory_space<vmem>> -> memref<1x128xi32, #tpu.memory_space<vmem>>
        %dma_start3A_171 = tpu.memref_squeeze %dma_start3A_170 : memref<1x128xi32, #tpu.memory_space<vmem>> -> memref<128xi32, #tpu.memory_space<vmem>>
        %dma_start3A_172 = arith.constant 0 : i32
        %dma_start3A_173 = arith.constant 0 : i32
        %dma_start3A_174 = tpu.memref_slice %arg3[%dma_start3A_172, %dma_start3A_173] : memref<10240x128xf32, #tpu.memory_space<hbm>> -> memref<10240x128xf32, #tpu.memory_space<hbm>>
        tpu.enqueue_indirect_dma source(%dma_start3A_174 : memref<10240x128xf32, #tpu.memory_space<hbm>>) target(%arg11 : memref<128x128xf32, #tpu.memory_space<vmem>>) offsets(%dma_start3A_171 : memref<128xi32, #tpu.memory_space<vmem>>) semaphore(%arg14 : memref<!tpu.dma_semaphore, #tpu.memory_space<semaphore_mem>>)
      } else {
      }
      %lt3A_162 = arith.constant 40 : i32
      %lt3A_163 = arith.cmpi slt, %add3A_147, %lt3A_162 : i32
      %convert_element_type3A_164 = arith.extui %lt3A_163 : i1 to i32
      %cond3A_165 = arith.constant 0 : i32
      %cond3A_166 = arith.cmpi ne, %convert_element_type3A_164, %cond3A_165 : i32
      scf.if %cond3A_166 {
        %dma_wait3A_167 = arith.constant 0 : i32
        %dma_wait3A_168 = tpu.memref_slice %arg9[%add3A_147, %dma_wait3A_167] : memref<40x128xi32, #tpu.memory_space<vmem>> -> memref<1x128xi32, #tpu.memory_space<vmem>>
        %dma_wait3A_169 = tpu.memref_squeeze %dma_wait3A_168 : memref<1x128xi32, #tpu.memory_space<vmem>> -> memref<128xi32, #tpu.memory_space<vmem>>
        %dma_wait3A_170 = arith.constant 0 : i32
        %dma_wait3A_171 = arith.constant 0 : i32
        %dma_wait3A_172 = tpu.memref_slice %arg3[%dma_wait3A_170, %dma_wait3A_171] : memref<10240x128xf32, #tpu.memory_space<hbm>> -> memref<10240x128xf32, #tpu.memory_space<hbm>>
        tpu.wait_indirect_dma semaphore(%arg15 : memref<!tpu.dma_semaphore, #tpu.memory_space<semaphore_mem>>) src(%dma_wait3A_172 : memref<10240x128xf32, #tpu.memory_space<hbm>>) dst(%arg12 : memref<128x128xf32, #tpu.memory_space<vmem>>)
        "tpu.region"() ({
          %run_scoped3A_173 = tpu.sem_alloc : memref<!tpu.dma_semaphore, #tpu.memory_space<semaphore_mem>>
          %dma_start3A_174 = arith.constant 0 : i32
          %dma_start3A_175 = tpu.memref_slice %arg10[%add3A_147, %dma_start3A_174] : memref<40x128xi32, #tpu.memory_space<vmem>> -> memref<1x128xi32, #tpu.memory_space<vmem>>
          %dma_start3A_176 = tpu.memref_squeeze %dma_start3A_175 : memref<1x128xi32, #tpu.memory_space<vmem>> -> memref<128xi32, #tpu.memory_space<vmem>>
          %dma_start3A_177 = arith.constant 0 : i32
          %dma_start3A_178 = arith.constant 0 : i32
          %dma_start3A_179 = tpu.memref_slice %arg13[%dma_start3A_177, %dma_start3A_178] : memref<10240x128xf32, #tpu.memory_space<vmem_shared>> -> memref<10240x128xf32, #tpu.memory_space<vmem_shared>>
          tpu.enqueue_indirect_dma source(%arg12 : memref<128x128xf32, #tpu.memory_space<vmem>>) target(%dma_start3A_179 : memref<10240x128xf32, #tpu.memory_space<vmem_shared>>) offsets(%dma_start3A_176 : memref<128xi32, #tpu.memory_space<vmem>>) semaphore(%run_scoped3A_173 : memref<!tpu.dma_semaphore, #tpu.memory_space<semaphore_mem>>) {add = true}
          %dma_wait3A_180 = arith.constant 0 : i32
          %dma_wait3A_181 = tpu.memref_slice %arg10[%add3A_147, %dma_wait3A_180] : memref<40x128xi32, #tpu.memory_space<vmem>> -> memref<1x128xi32, #tpu.memory_space<vmem>>
          %dma_wait3A_182 = tpu.memref_squeeze %dma_wait3A_181 : memref<1x128xi32, #tpu.memory_space<vmem>> -> memref<128xi32, #tpu.memory_space<vmem>>
          %dma_wait3A_183 = arith.constant 0 : i32
          %dma_wait3A_184 = arith.constant 0 : i32
          %dma_wait3A_185 = tpu.memref_slice %arg13[%dma_wait3A_183, %dma_wait3A_184] : memref<10240x128xf32, #tpu.memory_space<vmem_shared>> -> memref<10240x128xf32, #tpu.memory_space<vmem_shared>>
          tpu.wait_indirect_dma semaphore(%run_scoped3A_173 : memref<!tpu.dma_semaphore, #tpu.memory_space<semaphore_mem>>) src(%arg12 : memref<128x128xf32, #tpu.memory_space<vmem>>) dst(%dma_wait3A_185 : memref<10240x128xf32, #tpu.memory_space<vmem_shared>>)
          tpu.yield
        }) : () -> ()
      } else {
      }
    }
    %scan3A_67 = arith.constant 20 : i32
    %add3A_68 = arith.constant 40 : i32
    %add3A_69 = arith.addi %mul3A_50, %add3A_68 : i32
    %run_scoped3A_70 = arith.constant 1 : i32
    "tpu.region"() ({
      %run_scoped3A_141 = tpu.sem_alloc : memref<!tpu.dma_semaphore, #tpu.memory_space<semaphore_mem>>
      %dma_start3A_142 = arith.constant 0 : i32
      %dma_start3A_143 = arith.constant 0 : i32
      %dma_start3A_144 = tpu.memref_slice %arg9[%dma_start3A_142, %dma_start3A_143] : memref<40x128xi32, #tpu.memory_space<vmem>> -> memref<40x128xi32, #tpu.memory_space<vmem>>
      %dma_start3A_145 = arith.constant 0 : i32
      %dma_start3A_146 = tpu.memref_slice %arg5[%run_scoped3A_70, %add3A_69, %dma_start3A_145] : memref<3x2560x128xi32, #tpu.memory_space<hbm>> -> memref<1x40x128xi32, #tpu.memory_space<hbm>>
      %dma_start3A_147 = tpu.memref_squeeze %dma_start3A_146 : memref<1x40x128xi32, #tpu.memory_space<hbm>> -> memref<40x128xi32, #tpu.memory_space<hbm>>
      %dma_start3A_148 = arith.constant 0 : i32
      %dma_start3A_149 = arith.constant 0 : i32
      %dma_start3A_150 = tpu.memref_slice %arg9[%dma_start3A_148, %dma_start3A_149] : memref<40x128xi32, #tpu.memory_space<vmem>> -> memref<40x128xi32, #tpu.memory_space<vmem>>
      %dma_start3A_151 = arith.constant 0 : i32
      %dma_start3A_152 = tpu.memref_slice %arg5[%run_scoped3A_70, %add3A_69, %dma_start3A_151] : memref<3x2560x128xi32, #tpu.memory_space<hbm>> -> memref<1x40x128xi32, #tpu.memory_space<hbm>>
      %dma_start3A_153 = tpu.memref_squeeze %dma_start3A_152 : memref<1x40x128xi32, #tpu.memory_space<hbm>> -> memref<40x128xi32, #tpu.memory_space<hbm>>
      tpu.enqueue_dma source(%dma_start3A_153 : memref<40x128xi32, #tpu.memory_space<hbm>>) target(%dma_start3A_150 : memref<40x128xi32, #tpu.memory_space<vmem>>) target_semaphore(%run_scoped3A_141 : memref<!tpu.dma_semaphore, #tpu.memory_space<semaphore_mem>>)
      %dma_wait3A = arith.constant 0 : i32
      %dma_wait3A_154 = arith.constant 0 : i32
      %dma_wait3A_155 = tpu.memref_slice %arg9[%dma_wait3A, %dma_wait3A_154] : memref<40x128xi32, #tpu.memory_space<vmem>> -> memref<40x128xi32, #tpu.memory_space<vmem>>
      %dma_wait3A_156 = arith.constant 0 : i32
      %dma_wait3A_157 = tpu.memref_slice %arg5[%run_scoped3A_70, %add3A_69, %dma_wait3A_156] : memref<3x2560x128xi32, #tpu.memory_space<hbm>> -> memref<1x40x128xi32, #tpu.memory_space<hbm>>
      %dma_wait3A_158 = tpu.memref_squeeze %dma_wait3A_157 : memref<1x40x128xi32, #tpu.memory_space<hbm>> -> memref<40x128xi32, #tpu.memory_space<hbm>>
      %dma_wait3A_159 = arith.constant 0 : i32
      %dma_wait3A_160 = arith.constant 0 : i32
      %dma_wait3A_161 = tpu.memref_slice %arg9[%dma_wait3A_159, %dma_wait3A_160] : memref<40x128xi32, #tpu.memory_space<vmem>> -> memref<40x128xi32, #tpu.memory_space<vmem>>
      %dma_wait3A_162 = arith.constant 0 : i32
      %dma_wait3A_163 = tpu.memref_slice %arg5[%run_scoped3A_70, %add3A_69, %dma_wait3A_162] : memref<3x2560x128xi32, #tpu.memory_space<hbm>> -> memref<1x40x128xi32, #tpu.memory_space<hbm>>
      %dma_wait3A_164 = tpu.memref_squeeze %dma_wait3A_163 : memref<1x40x128xi32, #tpu.memory_space<hbm>> -> memref<40x128xi32, #tpu.memory_space<hbm>>
      tpu.wait_dma2 semaphore(%run_scoped3A_141 : memref<!tpu.dma_semaphore, #tpu.memory_space<semaphore_mem>>) src(%dma_wait3A_164 : memref<40x128xi32, #tpu.memory_space<hbm>>) dst(%dma_wait3A_161 : memref<40x128xi32, #tpu.memory_space<vmem>>)
      tpu.yield
    }) : () -> ()
    %run_scoped3A_71 = arith.constant 1 : i32
    "tpu.region"() ({
      %run_scoped3A_141 = tpu.sem_alloc : memref<!tpu.dma_semaphore, #tpu.memory_space<semaphore_mem>>
      %dma_start3A_142 = arith.constant 0 : i32
      %dma_start3A_143 = arith.constant 0 : i32
      %dma_start3A_144 = tpu.memref_slice %arg10[%dma_start3A_142, %dma_start3A_143] : memref<40x128xi32, #tpu.memory_space<vmem>> -> memref<40x128xi32, #tpu.memory_space<vmem>>
      %dma_start3A_145 = arith.constant 0 : i32
      %dma_start3A_146 = tpu.memref_slice %arg6[%run_scoped3A_71, %add3A_69, %dma_start3A_145] : memref<3x2560x128xi32, #tpu.memory_space<hbm>> -> memref<1x40x128xi32, #tpu.memory_space<hbm>>
      %dma_start3A_147 = tpu.memref_squeeze %dma_start3A_146 : memref<1x40x128xi32, #tpu.memory_space<hbm>> -> memref<40x128xi32, #tpu.memory_space<hbm>>
      %dma_start3A_148 = arith.constant 0 : i32
      %dma_start3A_149 = arith.constant 0 : i32
      %dma_start3A_150 = tpu.memref_slice %arg10[%dma_start3A_148, %dma_start3A_149] : memref<40x128xi32, #tpu.memory_space<vmem>> -> memref<40x128xi32, #tpu.memory_space<vmem>>
      %dma_start3A_151 = arith.constant 0 : i32
      %dma_start3A_152 = tpu.memref_slice %arg6[%run_scoped3A_71, %add3A_69, %dma_start3A_151] : memref<3x2560x128xi32, #tpu.memory_space<hbm>> -> memref<1x40x128xi32, #tpu.memory_space<hbm>>
      %dma_start3A_153 = tpu.memref_squeeze %dma_start3A_152 : memref<1x40x128xi32, #tpu.memory_space<hbm>> -> memref<40x128xi32, #tpu.memory_space<hbm>>
      tpu.enqueue_dma source(%dma_start3A_153 : memref<40x128xi32, #tpu.memory_space<hbm>>) target(%dma_start3A_150 : memref<40x128xi32, #tpu.memory_space<vmem>>) target_semaphore(%run_scoped3A_141 : memref<!tpu.dma_semaphore, #tpu.memory_space<semaphore_mem>>)
      %dma_wait3A = arith.constant 0 : i32
      %dma_wait3A_154 = arith.constant 0 : i32
      %dma_wait3A_155 = tpu.memref_slice %arg10[%dma_wait3A, %dma_wait3A_154] : memref<40x128xi32, #tpu.memory_space<vmem>> -> memref<40x128xi32, #tpu.memory_space<vmem>>
      %dma_wait3A_156 = arith.constant 0 : i32
      %dma_wait3A_157 = tpu.memref_slice %arg6[%run_scoped3A_71, %add3A_69, %dma_wait3A_156] : memref<3x2560x128xi32, #tpu.memory_space<hbm>> -> memref<1x40x128xi32, #tpu.memory_space<hbm>>
      %dma_wait3A_158 = tpu.memref_squeeze %dma_wait3A_157 : memref<1x40x128xi32, #tpu.memory_space<hbm>> -> memref<40x128xi32, #tpu.memory_space<hbm>>
      %dma_wait3A_159 = arith.constant 0 : i32
      %dma_wait3A_160 = arith.constant 0 : i32
      %dma_wait3A_161 = tpu.memref_slice %arg10[%dma_wait3A_159, %dma_wait3A_160] : memref<40x128xi32, #tpu.memory_space<vmem>> -> memref<40x128xi32, #tpu.memory_space<vmem>>
      %dma_wait3A_162 = arith.constant 0 : i32
      %dma_wait3A_163 = tpu.memref_slice %arg6[%run_scoped3A_71, %add3A_69, %dma_wait3A_162] : memref<3x2560x128xi32, #tpu.memory_space<hbm>> -> memref<1x40x128xi32, #tpu.memory_space<hbm>>
      %dma_wait3A_164 = tpu.memref_squeeze %dma_wait3A_163 : memref<1x40x128xi32, #tpu.memory_space<hbm>> -> memref<40x128xi32, #tpu.memory_space<hbm>>
      tpu.wait_dma2 semaphore(%run_scoped3A_141 : memref<!tpu.dma_semaphore, #tpu.memory_space<semaphore_mem>>) src(%dma_wait3A_164 : memref<40x128xi32, #tpu.memory_space<hbm>>) dst(%dma_wait3A_161 : memref<40x128xi32, #tpu.memory_space<vmem>>)
      tpu.yield
    }) : () -> ()
    %dma_start3A_72 = arith.constant 0 : i32
    %dma_start3A_73 = arith.constant 0 : i32
    %dma_start3A_74 = tpu.memref_slice %arg9[%dma_start3A_72, %dma_start3A_73] : memref<40x128xi32, #tpu.memory_space<vmem>> -> memref<1x128xi32, #tpu.memory_space<vmem>>
    %dma_start3A_75 = tpu.memref_squeeze %dma_start3A_74 : memref<1x128xi32, #tpu.memory_space<vmem>> -> memref<128xi32, #tpu.memory_space<vmem>>
    %dma_start3A_76 = arith.constant 0 : i32
    %dma_start3A_77 = arith.constant 0 : i32
    %dma_start3A_78 = tpu.memref_slice %arg3[%dma_start3A_76, %dma_start3A_77] : memref<10240x128xf32, #tpu.memory_space<hbm>> -> memref<10240x128xf32, #tpu.memory_space<hbm>>
    tpu.enqueue_indirect_dma source(%dma_start3A_78 : memref<10240x128xf32, #tpu.memory_space<hbm>>) target(%arg11 : memref<128x128xf32, #tpu.memory_space<vmem>>) offsets(%dma_start3A_75 : memref<128xi32, #tpu.memory_space<vmem>>) semaphore(%arg14 : memref<!tpu.dma_semaphore, #tpu.memory_space<semaphore_mem>>)
    %scan3A_79 = arith.constant 0 : i32
    %scan3A_80 = arith.constant 0 : i32
    %scan3A_81 = arith.constant 20 : i32
    %scan3A_82 = arith.addi %scan3A_80, %scan3A_81 : i32
    %scan3A_83 = arith.constant 1 : i32
    scf.for %scan3A_141 = %scan3A_80 to %scan3A_82 step %scan3A_83  : i32 {
      %mul3A_142 = arith.constant 2 : i32
      %mul3A_143 = arith.muli %mul3A_142, %scan3A_141 : i32
      %mul3A_144 = arith.constant 2 : i32
      %mul3A_145 = arith.muli %mul3A_144, %scan3A_141 : i32
      %add3A_146 = arith.constant 1 : i32
      %add3A_147 = arith.addi %mul3A_145, %add3A_146 : i32
      %lt3A = arith.constant 40 : i32
      %lt3A_148 = arith.cmpi slt, %add3A_147, %lt3A : i32
      %convert_element_type3A = arith.extui %lt3A_148 : i1 to i32
      %cond3A = arith.constant 0 : i32
      %cond3A_149 = arith.cmpi ne, %convert_element_type3A, %cond3A : i32
      scf.if %cond3A_149 {
        %dma_start3A_167 = arith.constant 0 : i32
        %dma_start3A_168 = tpu.memref_slice %arg9[%add3A_147, %dma_start3A_167] : memref<40x128xi32, #tpu.memory_space<vmem>> -> memref<1x128xi32, #tpu.memory_space<vmem>>
        %dma_start3A_169 = tpu.memref_squeeze %dma_start3A_168 : memref<1x128xi32, #tpu.memory_space<vmem>> -> memref<128xi32, #tpu.memory_space<vmem>>
        %dma_start3A_170 = arith.constant 0 : i32
        %dma_start3A_171 = arith.constant 0 : i32
        %dma_start3A_172 = tpu.memref_slice %arg3[%dma_start3A_170, %dma_start3A_171] : memref<10240x128xf32, #tpu.memory_space<hbm>> -> memref<10240x128xf32, #tpu.memory_space<hbm>>
        tpu.enqueue_indirect_dma source(%dma_start3A_172 : memref<10240x128xf32, #tpu.memory_space<hbm>>) target(%arg12 : memref<128x128xf32, #tpu.memory_space<vmem>>) offsets(%dma_start3A_169 : memref<128xi32, #tpu.memory_space<vmem>>) semaphore(%arg15 : memref<!tpu.dma_semaphore, #tpu.memory_space<semaphore_mem>>)
      } else {
      }
      %dma_wait3A = arith.constant 0 : i32
      %dma_wait3A_150 = tpu.memref_slice %arg9[%mul3A_143, %dma_wait3A] : memref<40x128xi32, #tpu.memory_space<vmem>> -> memref<1x128xi32, #tpu.memory_space<vmem>>
      %dma_wait3A_151 = tpu.memref_squeeze %dma_wait3A_150 : memref<1x128xi32, #tpu.memory_space<vmem>> -> memref<128xi32, #tpu.memory_space<vmem>>
      %dma_wait3A_152 = arith.constant 0 : i32
      %dma_wait3A_153 = arith.constant 0 : i32
      %dma_wait3A_154 = tpu.memref_slice %arg3[%dma_wait3A_152, %dma_wait3A_153] : memref<10240x128xf32, #tpu.memory_space<hbm>> -> memref<10240x128xf32, #tpu.memory_space<hbm>>
      tpu.wait_indirect_dma semaphore(%arg14 : memref<!tpu.dma_semaphore, #tpu.memory_space<semaphore_mem>>) src(%dma_wait3A_154 : memref<10240x128xf32, #tpu.memory_space<hbm>>) dst(%arg11 : memref<128x128xf32, #tpu.memory_space<vmem>>)
      "tpu.region"() ({
        %run_scoped3A_167 = tpu.sem_alloc : memref<!tpu.dma_semaphore, #tpu.memory_space<semaphore_mem>>
        %dma_start3A_168 = arith.constant 0 : i32
        %dma_start3A_169 = tpu.memref_slice %arg10[%mul3A_143, %dma_start3A_168] : memref<40x128xi32, #tpu.memory_space<vmem>> -> memref<1x128xi32, #tpu.memory_space<vmem>>
        %dma_start3A_170 = tpu.memref_squeeze %dma_start3A_169 : memref<1x128xi32, #tpu.memory_space<vmem>> -> memref<128xi32, #tpu.memory_space<vmem>>
        %dma_start3A_171 = arith.constant 0 : i32
        %dma_start3A_172 = arith.constant 0 : i32
        %dma_start3A_173 = tpu.memref_slice %arg13[%dma_start3A_171, %dma_start3A_172] : memref<10240x128xf32, #tpu.memory_space<vmem_shared>> -> memref<10240x128xf32, #tpu.memory_space<vmem_shared>>
        tpu.enqueue_indirect_dma source(%arg11 : memref<128x128xf32, #tpu.memory_space<vmem>>) target(%dma_start3A_173 : memref<10240x128xf32, #tpu.memory_space<vmem_shared>>) offsets(%dma_start3A_170 : memref<128xi32, #tpu.memory_space<vmem>>) semaphore(%run_scoped3A_167 : memref<!tpu.dma_semaphore, #tpu.memory_space<semaphore_mem>>) {add = true}
        %dma_wait3A_174 = arith.constant 0 : i32
        %dma_wait3A_175 = tpu.memref_slice %arg10[%mul3A_143, %dma_wait3A_174] : memref<40x128xi32, #tpu.memory_space<vmem>> -> memref<1x128xi32, #tpu.memory_space<vmem>>
        %dma_wait3A_176 = tpu.memref_squeeze %dma_wait3A_175 : memref<1x128xi32, #tpu.memory_space<vmem>> -> memref<128xi32, #tpu.memory_space<vmem>>
        %dma_wait3A_177 = arith.constant 0 : i32
        %dma_wait3A_178 = arith.constant 0 : i32
        %dma_wait3A_179 = tpu.memref_slice %arg13[%dma_wait3A_177, %dma_wait3A_178] : memref<10240x128xf32, #tpu.memory_space<vmem_shared>> -> memref<10240x128xf32, #tpu.memory_space<vmem_shared>>
        tpu.wait_indirect_dma semaphore(%run_scoped3A_167 : memref<!tpu.dma_semaphore, #tpu.memory_space<semaphore_mem>>) src(%arg11 : memref<128x128xf32, #tpu.memory_space<vmem>>) dst(%dma_wait3A_179 : memref<10240x128xf32, #tpu.memory_space<vmem_shared>>)
        tpu.yield
      }) : () -> ()
      %add3A_155 = arith.constant 2 : i32
      %add3A_156 = arith.addi %mul3A_143, %add3A_155 : i32
      %lt3A_157 = arith.constant 40 : i32
      %lt3A_158 = arith.cmpi slt, %add3A_156, %lt3A_157 : i32
      %convert_element_type3A_159 = arith.extui %lt3A_158 : i1 to i32
      %cond3A_160 = arith.constant 0 : i32
      %cond3A_161 = arith.cmpi ne, %convert_element_type3A_159, %cond3A_160 : i32
      scf.if %cond3A_161 {
        %add3A_167 = arith.constant 2 : i32
        %add3A_168 = arith.addi %mul3A_143, %add3A_167 : i32
        %dma_start3A_169 = arith.constant 0 : i32
        %dma_start3A_170 = tpu.memref_slice %arg9[%add3A_168, %dma_start3A_169] : memref<40x128xi32, #tpu.memory_space<vmem>> -> memref<1x128xi32, #tpu.memory_space<vmem>>
        %dma_start3A_171 = tpu.memref_squeeze %dma_start3A_170 : memref<1x128xi32, #tpu.memory_space<vmem>> -> memref<128xi32, #tpu.memory_space<vmem>>
        %dma_start3A_172 = arith.constant 0 : i32
        %dma_start3A_173 = arith.constant 0 : i32
        %dma_start3A_174 = tpu.memref_slice %arg3[%dma_start3A_172, %dma_start3A_173] : memref<10240x128xf32, #tpu.memory_space<hbm>> -> memref<10240x128xf32, #tpu.memory_space<hbm>>
        tpu.enqueue_indirect_dma source(%dma_start3A_174 : memref<10240x128xf32, #tpu.memory_space<hbm>>) target(%arg11 : memref<128x128xf32, #tpu.memory_space<vmem>>) offsets(%dma_start3A_171 : memref<128xi32, #tpu.memory_space<vmem>>) semaphore(%arg14 : memref<!tpu.dma_semaphore, #tpu.memory_space<semaphore_mem>>)
      } else {
      }
      %lt3A_162 = arith.constant 40 : i32
      %lt3A_163 = arith.cmpi slt, %add3A_147, %lt3A_162 : i32
      %convert_element_type3A_164 = arith.extui %lt3A_163 : i1 to i32
      %cond3A_165 = arith.constant 0 : i32
      %cond3A_166 = arith.cmpi ne, %convert_element_type3A_164, %cond3A_165 : i32
      scf.if %cond3A_166 {
        %dma_wait3A_167 = arith.constant 0 : i32
        %dma_wait3A_168 = tpu.memref_slice %arg9[%add3A_147, %dma_wait3A_167] : memref<40x128xi32, #tpu.memory_space<vmem>> -> memref<1x128xi32, #tpu.memory_space<vmem>>
        %dma_wait3A_169 = tpu.memref_squeeze %dma_wait3A_168 : memref<1x128xi32, #tpu.memory_space<vmem>> -> memref<128xi32, #tpu.memory_space<vmem>>
        %dma_wait3A_170 = arith.constant 0 : i32
        %dma_wait3A_171 = arith.constant 0 : i32
        %dma_wait3A_172 = tpu.memref_slice %arg3[%dma_wait3A_170, %dma_wait3A_171] : memref<10240x128xf32, #tpu.memory_space<hbm>> -> memref<10240x128xf32, #tpu.memory_space<hbm>>
        tpu.wait_indirect_dma semaphore(%arg15 : memref<!tpu.dma_semaphore, #tpu.memory_space<semaphore_mem>>) src(%dma_wait3A_172 : memref<10240x128xf32, #tpu.memory_space<hbm>>) dst(%arg12 : memref<128x128xf32, #tpu.memory_space<vmem>>)
        "tpu.region"() ({
          %run_scoped3A_173 = tpu.sem_alloc : memref<!tpu.dma_semaphore, #tpu.memory_space<semaphore_mem>>
          %dma_start3A_174 = arith.constant 0 : i32
          %dma_start3A_175 = tpu.memref_slice %arg10[%add3A_147, %dma_start3A_174] : memref<40x128xi32, #tpu.memory_space<vmem>> -> memref<1x128xi32, #tpu.memory_space<vmem>>
          %dma_start3A_176 = tpu.memref_squeeze %dma_start3A_175 : memref<1x128xi32, #tpu.memory_space<vmem>> -> memref<128xi32, #tpu.memory_space<vmem>>
          %dma_start3A_177 = arith.constant 0 : i32
          %dma_start3A_178 = arith.constant 0 : i32
          %dma_start3A_179 = tpu.memref_slice %arg13[%dma_start3A_177, %dma_start3A_178] : memref<10240x128xf32, #tpu.memory_space<vmem_shared>> -> memref<10240x128xf32, #tpu.memory_space<vmem_shared>>
          tpu.enqueue_indirect_dma source(%arg12 : memref<128x128xf32, #tpu.memory_space<vmem>>) target(%dma_start3A_179 : memref<10240x128xf32, #tpu.memory_space<vmem_shared>>) offsets(%dma_start3A_176 : memref<128xi32, #tpu.memory_space<vmem>>) semaphore(%run_scoped3A_173 : memref<!tpu.dma_semaphore, #tpu.memory_space<semaphore_mem>>) {add = true}
          %dma_wait3A_180 = arith.constant 0 : i32
          %dma_wait3A_181 = tpu.memref_slice %arg10[%add3A_147, %dma_wait3A_180] : memref<40x128xi32, #tpu.memory_space<vmem>> -> memref<1x128xi32, #tpu.memory_space<vmem>>
          %dma_wait3A_182 = tpu.memref_squeeze %dma_wait3A_181 : memref<1x128xi32, #tpu.memory_space<vmem>> -> memref<128xi32, #tpu.memory_space<vmem>>
          %dma_wait3A_183 = arith.constant 0 : i32
          %dma_wait3A_184 = arith.constant 0 : i32
          %dma_wait3A_185 = tpu.memref_slice %arg13[%dma_wait3A_183, %dma_wait3A_184] : memref<10240x128xf32, #tpu.memory_space<vmem_shared>> -> memref<10240x128xf32, #tpu.memory_space<vmem_shared>>
          tpu.wait_indirect_dma semaphore(%run_scoped3A_173 : memref<!tpu.dma_semaphore, #tpu.memory_space<semaphore_mem>>) src(%arg12 : memref<128x128xf32, #tpu.memory_space<vmem>>) dst(%dma_wait3A_185 : memref<10240x128xf32, #tpu.memory_space<vmem_shared>>)
          tpu.yield
        }) : () -> ()
      } else {
      }
    }
    %scan3A_84 = arith.constant 20 : i32
    %barrier3A_85 = arith.constant 0 : index
    tpu.barrier barrier_id(%barrier3A_85)
    %mul3A_86 = arith.constant 640 : i32
    %mul3A_87 = arith.muli %arg1, %mul3A_86 : i32
    %mul3A_88 = arith.constant 640 : i32
    %mul3A_89 = arith.muli %arg1, %mul3A_88 : i32
    %run_scoped3A_90 = arith.constant 1 : i32
    "tpu.region"() ({
      %run_scoped3A_141 = tpu.sem_alloc : memref<!tpu.dma_semaphore, #tpu.memory_space<semaphore_mem>>
      %dma_start3A_142 = arith.constant 0 : i32
      %dma_start3A_143 = tpu.memref_slice %arg8[%arg0, %run_scoped3A_90, %mul3A_89, %dma_start3A_142] : memref<2x3x10240x128xf32, #tpu.memory_space<hbm>> -> memref<1x1x640x128xf32, #tpu.memory_space<hbm>>
      %dma_start3A_144 = tpu.memref_squeeze %dma_start3A_143 : memref<1x1x640x128xf32, #tpu.memory_space<hbm>> -> memref<640x128xf32, #tpu.memory_space<hbm>>
      %dma_start3A_145 = arith.constant 0 : i32
      %dma_start3A_146 = tpu.memref_slice %arg13[%mul3A_87, %dma_start3A_145] : memref<10240x128xf32, #tpu.memory_space<vmem_shared>> -> memref<640x128xf32, #tpu.memory_space<vmem_shared>>
      tpu.enqueue_dma source(%dma_start3A_146 : memref<640x128xf32, #tpu.memory_space<vmem_shared>>) target(%dma_start3A_144 : memref<640x128xf32, #tpu.memory_space<hbm>>) target_semaphore(%run_scoped3A_141 : memref<!tpu.dma_semaphore, #tpu.memory_space<semaphore_mem>>)
      %dma_wait3A = arith.constant 0 : i32
      %dma_wait3A_147 = tpu.memref_slice %arg8[%arg0, %run_scoped3A_90, %mul3A_89, %dma_wait3A] : memref<2x3x10240x128xf32, #tpu.memory_space<hbm>> -> memref<1x1x640x128xf32, #tpu.memory_space<hbm>>
      %dma_wait3A_148 = tpu.memref_squeeze %dma_wait3A_147 : memref<1x1x640x128xf32, #tpu.memory_space<hbm>> -> memref<640x128xf32, #tpu.memory_space<hbm>>
      %dma_wait3A_149 = arith.constant 0 : i32
      %dma_wait3A_150 = tpu.memref_slice %arg13[%mul3A_87, %dma_wait3A_149] : memref<10240x128xf32, #tpu.memory_space<vmem_shared>> -> memref<640x128xf32, #tpu.memory_space<vmem_shared>>
      tpu.wait_dma2 semaphore(%run_scoped3A_141 : memref<!tpu.dma_semaphore, #tpu.memory_space<semaphore_mem>>) src(%dma_wait3A_150 : memref<640x128xf32, #tpu.memory_space<vmem_shared>>) dst(%dma_wait3A_148 : memref<640x128xf32, #tpu.memory_space<hbm>>)
      tpu.yield
    }) : () -> ()
    %barrier3A_91 = arith.constant 0 : index
    tpu.barrier barrier_id(%barrier3A_91)
    %mul3A_92 = arith.constant 640 : i32
    %mul3A_93 = arith.muli %arg1, %mul3A_92 : i32
    "tpu.region"() ({
      %run_scoped3A_141 = tpu.sem_alloc : memref<!tpu.dma_semaphore, #tpu.memory_space<semaphore_mem>>
      %dma_start3A_142 = arith.constant 0 : i32
      %dma_start3A_143 = tpu.memref_slice %arg13[%mul3A_93, %dma_start3A_142] : memref<10240x128xf32, #tpu.memory_space<vmem_shared>> -> memref<640x128xf32, #tpu.memory_space<vmem_shared>>
      tpu.enqueue_dma source(%arg7 : memref<640x128xf32, #tpu.memory_space<hbm>>) target(%dma_start3A_143 : memref<640x128xf32, #tpu.memory_space<vmem_shared>>) target_semaphore(%run_scoped3A_141 : memref<!tpu.dma_semaphore, #tpu.memory_space<semaphore_mem>>)
      %dma_wait3A = arith.constant 0 : i32
      %dma_wait3A_144 = tpu.memref_slice %arg13[%mul3A_93, %dma_wait3A] : memref<10240x128xf32, #tpu.memory_space<vmem_shared>> -> memref<640x128xf32, #tpu.memory_space<vmem_shared>>
      tpu.wait_dma2 semaphore(%run_scoped3A_141 : memref<!tpu.dma_semaphore, #tpu.memory_space<semaphore_mem>>) src(%arg7 : memref<640x128xf32, #tpu.memory_space<hbm>>) dst(%dma_wait3A_144 : memref<640x128xf32, #tpu.memory_space<vmem_shared>>)
      tpu.yield
    }) : () -> ()
    %barrier3A_94 = arith.constant 0 : index
    tpu.barrier barrier_id(%barrier3A_94)
    %mul3A_95 = arith.constant 16 : i32
    %mul3A_96 = arith.muli %arg0, %mul3A_95 : i32
    %add3A_97 = arith.addi %mul3A_96, %arg1 : i32
    %mul3A_98 = arith.constant 80 : i32
    %mul3A_99 = arith.muli %add3A_97, %mul3A_98 : i32
    %add3A_100 = arith.constant 0 : i32
    %add3A_101 = arith.addi %mul3A_99, %add3A_100 : i32
    %run_scoped3A_102 = arith.constant 2 : i32
    "tpu.region"() ({
      %run_scoped3A_141 = tpu.sem_alloc : memref<!tpu.dma_semaphore, #tpu.memory_space<semaphore_mem>>
      %dma_start3A_142 = arith.constant 0 : i32
      %dma_start3A_143 = arith.constant 0 : i32
      %dma_start3A_144 = tpu.memref_slice %arg9[%dma_start3A_142, %dma_start3A_143] : memref<40x128xi32, #tpu.memory_space<vmem>> -> memref<40x128xi32, #tpu.memory_space<vmem>>
      %dma_start3A_145 = arith.constant 0 : i32
      %dma_start3A_146 = tpu.memref_slice %arg5[%run_scoped3A_102, %add3A_101, %dma_start3A_145] : memref<3x2560x128xi32, #tpu.memory_space<hbm>> -> memref<1x40x128xi32, #tpu.memory_space<hbm>>
      %dma_start3A_147 = tpu.memref_squeeze %dma_start3A_146 : memref<1x40x128xi32, #tpu.memory_space<hbm>> -> memref<40x128xi32, #tpu.memory_space<hbm>>
      %dma_start3A_148 = arith.constant 0 : i32
      %dma_start3A_149 = arith.constant 0 : i32
      %dma_start3A_150 = tpu.memref_slice %arg9[%dma_start3A_148, %dma_start3A_149] : memref<40x128xi32, #tpu.memory_space<vmem>> -> memref<40x128xi32, #tpu.memory_space<vmem>>
      %dma_start3A_151 = arith.constant 0 : i32
      %dma_start3A_152 = tpu.memref_slice %arg5[%run_scoped3A_102, %add3A_101, %dma_start3A_151] : memref<3x2560x128xi32, #tpu.memory_space<hbm>> -> memref<1x40x128xi32, #tpu.memory_space<hbm>>
      %dma_start3A_153 = tpu.memref_squeeze %dma_start3A_152 : memref<1x40x128xi32, #tpu.memory_space<hbm>> -> memref<40x128xi32, #tpu.memory_space<hbm>>
      tpu.enqueue_dma source(%dma_start3A_153 : memref<40x128xi32, #tpu.memory_space<hbm>>) target(%dma_start3A_150 : memref<40x128xi32, #tpu.memory_space<vmem>>) target_semaphore(%run_scoped3A_141 : memref<!tpu.dma_semaphore, #tpu.memory_space<semaphore_mem>>)
      %dma_wait3A = arith.constant 0 : i32
      %dma_wait3A_154 = arith.constant 0 : i32
      %dma_wait3A_155 = tpu.memref_slice %arg9[%dma_wait3A, %dma_wait3A_154] : memref<40x128xi32, #tpu.memory_space<vmem>> -> memref<40x128xi32, #tpu.memory_space<vmem>>
      %dma_wait3A_156 = arith.constant 0 : i32
      %dma_wait3A_157 = tpu.memref_slice %arg5[%run_scoped3A_102, %add3A_101, %dma_wait3A_156] : memref<3x2560x128xi32, #tpu.memory_space<hbm>> -> memref<1x40x128xi32, #tpu.memory_space<hbm>>
      %dma_wait3A_158 = tpu.memref_squeeze %dma_wait3A_157 : memref<1x40x128xi32, #tpu.memory_space<hbm>> -> memref<40x128xi32, #tpu.memory_space<hbm>>
      %dma_wait3A_159 = arith.constant 0 : i32
      %dma_wait3A_160 = arith.constant 0 : i32
      %dma_wait3A_161 = tpu.memref_slice %arg9[%dma_wait3A_159, %dma_wait3A_160] : memref<40x128xi32, #tpu.memory_space<vmem>> -> memref<40x128xi32, #tpu.memory_space<vmem>>
      %dma_wait3A_162 = arith.constant 0 : i32
      %dma_wait3A_163 = tpu.memref_slice %arg5[%run_scoped3A_102, %add3A_101, %dma_wait3A_162] : memref<3x2560x128xi32, #tpu.memory_space<hbm>> -> memref<1x40x128xi32, #tpu.memory_space<hbm>>
      %dma_wait3A_164 = tpu.memref_squeeze %dma_wait3A_163 : memref<1x40x128xi32, #tpu.memory_space<hbm>> -> memref<40x128xi32, #tpu.memory_space<hbm>>
      tpu.wait_dma2 semaphore(%run_scoped3A_141 : memref<!tpu.dma_semaphore, #tpu.memory_space<semaphore_mem>>) src(%dma_wait3A_164 : memref<40x128xi32, #tpu.memory_space<hbm>>) dst(%dma_wait3A_161 : memref<40x128xi32, #tpu.memory_space<vmem>>)
      tpu.yield
    }) : () -> ()
    %run_scoped3A_103 = arith.constant 2 : i32
    "tpu.region"() ({
      %run_scoped3A_141 = tpu.sem_alloc : memref<!tpu.dma_semaphore, #tpu.memory_space<semaphore_mem>>
      %dma_start3A_142 = arith.constant 0 : i32
      %dma_start3A_143 = arith.constant 0 : i32
      %dma_start3A_144 = tpu.memref_slice %arg10[%dma_start3A_142, %dma_start3A_143] : memref<40x128xi32, #tpu.memory_space<vmem>> -> memref<40x128xi32, #tpu.memory_space<vmem>>
      %dma_start3A_145 = arith.constant 0 : i32
      %dma_start3A_146 = tpu.memref_slice %arg6[%run_scoped3A_103, %add3A_101, %dma_start3A_145] : memref<3x2560x128xi32, #tpu.memory_space<hbm>> -> memref<1x40x128xi32, #tpu.memory_space<hbm>>
      %dma_start3A_147 = tpu.memref_squeeze %dma_start3A_146 : memref<1x40x128xi32, #tpu.memory_space<hbm>> -> memref<40x128xi32, #tpu.memory_space<hbm>>
      %dma_start3A_148 = arith.constant 0 : i32
      %dma_start3A_149 = arith.constant 0 : i32
      %dma_start3A_150 = tpu.memref_slice %arg10[%dma_start3A_148, %dma_start3A_149] : memref<40x128xi32, #tpu.memory_space<vmem>> -> memref<40x128xi32, #tpu.memory_space<vmem>>
      %dma_start3A_151 = arith.constant 0 : i32
      %dma_start3A_152 = tpu.memref_slice %arg6[%run_scoped3A_103, %add3A_101, %dma_start3A_151] : memref<3x2560x128xi32, #tpu.memory_space<hbm>> -> memref<1x40x128xi32, #tpu.memory_space<hbm>>
      %dma_start3A_153 = tpu.memref_squeeze %dma_start3A_152 : memref<1x40x128xi32, #tpu.memory_space<hbm>> -> memref<40x128xi32, #tpu.memory_space<hbm>>
      tpu.enqueue_dma source(%dma_start3A_153 : memref<40x128xi32, #tpu.memory_space<hbm>>) target(%dma_start3A_150 : memref<40x128xi32, #tpu.memory_space<vmem>>) target_semaphore(%run_scoped3A_141 : memref<!tpu.dma_semaphore, #tpu.memory_space<semaphore_mem>>)
      %dma_wait3A = arith.constant 0 : i32
      %dma_wait3A_154 = arith.constant 0 : i32
      %dma_wait3A_155 = tpu.memref_slice %arg10[%dma_wait3A, %dma_wait3A_154] : memref<40x128xi32, #tpu.memory_space<vmem>> -> memref<40x128xi32, #tpu.memory_space<vmem>>
      %dma_wait3A_156 = arith.constant 0 : i32
      %dma_wait3A_157 = tpu.memref_slice %arg6[%run_scoped3A_103, %add3A_101, %dma_wait3A_156] : memref<3x2560x128xi32, #tpu.memory_space<hbm>> -> memref<1x40x128xi32, #tpu.memory_space<hbm>>
      %dma_wait3A_158 = tpu.memref_squeeze %dma_wait3A_157 : memref<1x40x128xi32, #tpu.memory_space<hbm>> -> memref<40x128xi32, #tpu.memory_space<hbm>>
      %dma_wait3A_159 = arith.constant 0 : i32
      %dma_wait3A_160 = arith.constant 0 : i32
      %dma_wait3A_161 = tpu.memref_slice %arg10[%dma_wait3A_159, %dma_wait3A_160] : memref<40x128xi32, #tpu.memory_space<vmem>> -> memref<40x128xi32, #tpu.memory_space<vmem>>
      %dma_wait3A_162 = arith.constant 0 : i32
      %dma_wait3A_163 = tpu.memref_slice %arg6[%run_scoped3A_103, %add3A_101, %dma_wait3A_162] : memref<3x2560x128xi32, #tpu.memory_space<hbm>> -> memref<1x40x128xi32, #tpu.memory_space<hbm>>
      %dma_wait3A_164 = tpu.memref_squeeze %dma_wait3A_163 : memref<1x40x128xi32, #tpu.memory_space<hbm>> -> memref<40x128xi32, #tpu.memory_space<hbm>>
      tpu.wait_dma2 semaphore(%run_scoped3A_141 : memref<!tpu.dma_semaphore, #tpu.memory_space<semaphore_mem>>) src(%dma_wait3A_164 : memref<40x128xi32, #tpu.memory_space<hbm>>) dst(%dma_wait3A_161 : memref<40x128xi32, #tpu.memory_space<vmem>>)
      tpu.yield
    }) : () -> ()
    %dma_start3A_104 = arith.constant 0 : i32
    %dma_start3A_105 = arith.constant 0 : i32
    %dma_start3A_106 = tpu.memref_slice %arg9[%dma_start3A_104, %dma_start3A_105] : memref<40x128xi32, #tpu.memory_space<vmem>> -> memref<1x128xi32, #tpu.memory_space<vmem>>
    %dma_start3A_107 = tpu.memref_squeeze %dma_start3A_106 : memref<1x128xi32, #tpu.memory_space<vmem>> -> memref<128xi32, #tpu.memory_space<vmem>>
    %dma_start3A_108 = arith.constant 0 : i32
    %dma_start3A_109 = arith.constant 0 : i32
    %dma_start3A_110 = tpu.memref_slice %arg4[%dma_start3A_108, %dma_start3A_109] : memref<10240x128xf32, #tpu.memory_space<hbm>> -> memref<10240x128xf32, #tpu.memory_space<hbm>>
    tpu.enqueue_indirect_dma source(%dma_start3A_110 : memref<10240x128xf32, #tpu.memory_space<hbm>>) target(%arg11 : memref<128x128xf32, #tpu.memory_space<vmem>>) offsets(%dma_start3A_107 : memref<128xi32, #tpu.memory_space<vmem>>) semaphore(%arg14 : memref<!tpu.dma_semaphore, #tpu.memory_space<semaphore_mem>>)
    %scan3A_111 = arith.constant 0 : i32
    %scan3A_112 = arith.constant 0 : i32
    %scan3A_113 = arith.constant 20 : i32
    %scan3A_114 = arith.addi %scan3A_112, %scan3A_113 : i32
    %scan3A_115 = arith.constant 1 : i32
    scf.for %scan3A_141 = %scan3A_112 to %scan3A_114 step %scan3A_115  : i32 {
      %mul3A_142 = arith.constant 2 : i32
      %mul3A_143 = arith.muli %mul3A_142, %scan3A_141 : i32
      %mul3A_144 = arith.constant 2 : i32
      %mul3A_145 = arith.muli %mul3A_144, %scan3A_141 : i32
      %add3A_146 = arith.constant 1 : i32
      %add3A_147 = arith.addi %mul3A_145, %add3A_146 : i32
      %lt3A = arith.constant 40 : i32
      %lt3A_148 = arith.cmpi slt, %add3A_147, %lt3A : i32
      %convert_element_type3A = arith.extui %lt3A_148 : i1 to i32
      %cond3A = arith.constant 0 : i32
      %cond3A_149 = arith.cmpi ne, %convert_element_type3A, %cond3A : i32
      scf.if %cond3A_149 {
        %dma_start3A_167 = arith.constant 0 : i32
        %dma_start3A_168 = tpu.memref_slice %arg9[%add3A_147, %dma_start3A_167] : memref<40x128xi32, #tpu.memory_space<vmem>> -> memref<1x128xi32, #tpu.memory_space<vmem>>
        %dma_start3A_169 = tpu.memref_squeeze %dma_start3A_168 : memref<1x128xi32, #tpu.memory_space<vmem>> -> memref<128xi32, #tpu.memory_space<vmem>>
        %dma_start3A_170 = arith.constant 0 : i32
        %dma_start3A_171 = arith.constant 0 : i32
        %dma_start3A_172 = tpu.memref_slice %arg4[%dma_start3A_170, %dma_start3A_171] : memref<10240x128xf32, #tpu.memory_space<hbm>> -> memref<10240x128xf32, #tpu.memory_space<hbm>>
        tpu.enqueue_indirect_dma source(%dma_start3A_172 : memref<10240x128xf32, #tpu.memory_space<hbm>>) target(%arg12 : memref<128x128xf32, #tpu.memory_space<vmem>>) offsets(%dma_start3A_169 : memref<128xi32, #tpu.memory_space<vmem>>) semaphore(%arg15 : memref<!tpu.dma_semaphore, #tpu.memory_space<semaphore_mem>>)
      } else {
      }
      %dma_wait3A = arith.constant 0 : i32
      %dma_wait3A_150 = tpu.memref_slice %arg9[%mul3A_143, %dma_wait3A] : memref<40x128xi32, #tpu.memory_space<vmem>> -> memref<1x128xi32, #tpu.memory_space<vmem>>
      %dma_wait3A_151 = tpu.memref_squeeze %dma_wait3A_150 : memref<1x128xi32, #tpu.memory_space<vmem>> -> memref<128xi32, #tpu.memory_space<vmem>>
      %dma_wait3A_152 = arith.constant 0 : i32
      %dma_wait3A_153 = arith.constant 0 : i32
      %dma_wait3A_154 = tpu.memref_slice %arg4[%dma_wait3A_152, %dma_wait3A_153] : memref<10240x128xf32, #tpu.memory_space<hbm>> -> memref<10240x128xf32, #tpu.memory_space<hbm>>
      tpu.wait_indirect_dma semaphore(%arg14 : memref<!tpu.dma_semaphore, #tpu.memory_space<semaphore_mem>>) src(%dma_wait3A_154 : memref<10240x128xf32, #tpu.memory_space<hbm>>) dst(%arg11 : memref<128x128xf32, #tpu.memory_space<vmem>>)
      "tpu.region"() ({
        %run_scoped3A_167 = tpu.sem_alloc : memref<!tpu.dma_semaphore, #tpu.memory_space<semaphore_mem>>
        %dma_start3A_168 = arith.constant 0 : i32
        %dma_start3A_169 = tpu.memref_slice %arg10[%mul3A_143, %dma_start3A_168] : memref<40x128xi32, #tpu.memory_space<vmem>> -> memref<1x128xi32, #tpu.memory_space<vmem>>
        %dma_start3A_170 = tpu.memref_squeeze %dma_start3A_169 : memref<1x128xi32, #tpu.memory_space<vmem>> -> memref<128xi32, #tpu.memory_space<vmem>>
        %dma_start3A_171 = arith.constant 0 : i32
        %dma_start3A_172 = arith.constant 0 : i32
        %dma_start3A_173 = tpu.memref_slice %arg13[%dma_start3A_171, %dma_start3A_172] : memref<10240x128xf32, #tpu.memory_space<vmem_shared>> -> memref<10240x128xf32, #tpu.memory_space<vmem_shared>>
        tpu.enqueue_indirect_dma source(%arg11 : memref<128x128xf32, #tpu.memory_space<vmem>>) target(%dma_start3A_173 : memref<10240x128xf32, #tpu.memory_space<vmem_shared>>) offsets(%dma_start3A_170 : memref<128xi32, #tpu.memory_space<vmem>>) semaphore(%run_scoped3A_167 : memref<!tpu.dma_semaphore, #tpu.memory_space<semaphore_mem>>) {add = true}
        %dma_wait3A_174 = arith.constant 0 : i32
        %dma_wait3A_175 = tpu.memref_slice %arg10[%mul3A_143, %dma_wait3A_174] : memref<40x128xi32, #tpu.memory_space<vmem>> -> memref<1x128xi32, #tpu.memory_space<vmem>>
        %dma_wait3A_176 = tpu.memref_squeeze %dma_wait3A_175 : memref<1x128xi32, #tpu.memory_space<vmem>> -> memref<128xi32, #tpu.memory_space<vmem>>
        %dma_wait3A_177 = arith.constant 0 : i32
        %dma_wait3A_178 = arith.constant 0 : i32
        %dma_wait3A_179 = tpu.memref_slice %arg13[%dma_wait3A_177, %dma_wait3A_178] : memref<10240x128xf32, #tpu.memory_space<vmem_shared>> -> memref<10240x128xf32, #tpu.memory_space<vmem_shared>>
        tpu.wait_indirect_dma semaphore(%run_scoped3A_167 : memref<!tpu.dma_semaphore, #tpu.memory_space<semaphore_mem>>) src(%arg11 : memref<128x128xf32, #tpu.memory_space<vmem>>) dst(%dma_wait3A_179 : memref<10240x128xf32, #tpu.memory_space<vmem_shared>>)
        tpu.yield
      }) : () -> ()
      %add3A_155 = arith.constant 2 : i32
      %add3A_156 = arith.addi %mul3A_143, %add3A_155 : i32
      %lt3A_157 = arith.constant 40 : i32
      %lt3A_158 = arith.cmpi slt, %add3A_156, %lt3A_157 : i32
      %convert_element_type3A_159 = arith.extui %lt3A_158 : i1 to i32
      %cond3A_160 = arith.constant 0 : i32
      %cond3A_161 = arith.cmpi ne, %convert_element_type3A_159, %cond3A_160 : i32
      scf.if %cond3A_161 {
        %add3A_167 = arith.constant 2 : i32
        %add3A_168 = arith.addi %mul3A_143, %add3A_167 : i32
        %dma_start3A_169 = arith.constant 0 : i32
        %dma_start3A_170 = tpu.memref_slice %arg9[%add3A_168, %dma_start3A_169] : memref<40x128xi32, #tpu.memory_space<vmem>> -> memref<1x128xi32, #tpu.memory_space<vmem>>
        %dma_start3A_171 = tpu.memref_squeeze %dma_start3A_170 : memref<1x128xi32, #tpu.memory_space<vmem>> -> memref<128xi32, #tpu.memory_space<vmem>>
        %dma_start3A_172 = arith.constant 0 : i32
        %dma_start3A_173 = arith.constant 0 : i32
        %dma_start3A_174 = tpu.memref_slice %arg4[%dma_start3A_172, %dma_start3A_173] : memref<10240x128xf32, #tpu.memory_space<hbm>> -> memref<10240x128xf32, #tpu.memory_space<hbm>>
        tpu.enqueue_indirect_dma source(%dma_start3A_174 : memref<10240x128xf32, #tpu.memory_space<hbm>>) target(%arg11 : memref<128x128xf32, #tpu.memory_space<vmem>>) offsets(%dma_start3A_171 : memref<128xi32, #tpu.memory_space<vmem>>) semaphore(%arg14 : memref<!tpu.dma_semaphore, #tpu.memory_space<semaphore_mem>>)
      } else {
      }
      %lt3A_162 = arith.constant 40 : i32
      %lt3A_163 = arith.cmpi slt, %add3A_147, %lt3A_162 : i32
      %convert_element_type3A_164 = arith.extui %lt3A_163 : i1 to i32
      %cond3A_165 = arith.constant 0 : i32
      %cond3A_166 = arith.cmpi ne, %convert_element_type3A_164, %cond3A_165 : i32
      scf.if %cond3A_166 {
        %dma_wait3A_167 = arith.constant 0 : i32
        %dma_wait3A_168 = tpu.memref_slice %arg9[%add3A_147, %dma_wait3A_167] : memref<40x128xi32, #tpu.memory_space<vmem>> -> memref<1x128xi32, #tpu.memory_space<vmem>>
        %dma_wait3A_169 = tpu.memref_squeeze %dma_wait3A_168 : memref<1x128xi32, #tpu.memory_space<vmem>> -> memref<128xi32, #tpu.memory_space<vmem>>
        %dma_wait3A_170 = arith.constant 0 : i32
        %dma_wait3A_171 = arith.constant 0 : i32
        %dma_wait3A_172 = tpu.memref_slice %arg4[%dma_wait3A_170, %dma_wait3A_171] : memref<10240x128xf32, #tpu.memory_space<hbm>> -> memref<10240x128xf32, #tpu.memory_space<hbm>>
        tpu.wait_indirect_dma semaphore(%arg15 : memref<!tpu.dma_semaphore, #tpu.memory_space<semaphore_mem>>) src(%dma_wait3A_172 : memref<10240x128xf32, #tpu.memory_space<hbm>>) dst(%arg12 : memref<128x128xf32, #tpu.memory_space<vmem>>)
        "tpu.region"() ({
          %run_scoped3A_173 = tpu.sem_alloc : memref<!tpu.dma_semaphore, #tpu.memory_space<semaphore_mem>>
          %dma_start3A_174 = arith.constant 0 : i32
          %dma_start3A_175 = tpu.memref_slice %arg10[%add3A_147, %dma_start3A_174] : memref<40x128xi32, #tpu.memory_space<vmem>> -> memref<1x128xi32, #tpu.memory_space<vmem>>
          %dma_start3A_176 = tpu.memref_squeeze %dma_start3A_175 : memref<1x128xi32, #tpu.memory_space<vmem>> -> memref<128xi32, #tpu.memory_space<vmem>>
          %dma_start3A_177 = arith.constant 0 : i32
          %dma_start3A_178 = arith.constant 0 : i32
          %dma_start3A_179 = tpu.memref_slice %arg13[%dma_start3A_177, %dma_start3A_178] : memref<10240x128xf32, #tpu.memory_space<vmem_shared>> -> memref<10240x128xf32, #tpu.memory_space<vmem_shared>>
          tpu.enqueue_indirect_dma source(%arg12 : memref<128x128xf32, #tpu.memory_space<vmem>>) target(%dma_start3A_179 : memref<10240x128xf32, #tpu.memory_space<vmem_shared>>) offsets(%dma_start3A_176 : memref<128xi32, #tpu.memory_space<vmem>>) semaphore(%run_scoped3A_173 : memref<!tpu.dma_semaphore, #tpu.memory_space<semaphore_mem>>) {add = true}
          %dma_wait3A_180 = arith.constant 0 : i32
          %dma_wait3A_181 = tpu.memref_slice %arg10[%add3A_147, %dma_wait3A_180] : memref<40x128xi32, #tpu.memory_space<vmem>> -> memref<1x128xi32, #tpu.memory_space<vmem>>
          %dma_wait3A_182 = tpu.memref_squeeze %dma_wait3A_181 : memref<1x128xi32, #tpu.memory_space<vmem>> -> memref<128xi32, #tpu.memory_space<vmem>>
          %dma_wait3A_183 = arith.constant 0 : i32
          %dma_wait3A_184 = arith.constant 0 : i32
          %dma_wait3A_185 = tpu.memref_slice %arg13[%dma_wait3A_183, %dma_wait3A_184] : memref<10240x128xf32, #tpu.memory_space<vmem_shared>> -> memref<10240x128xf32, #tpu.memory_space<vmem_shared>>
          tpu.wait_indirect_dma semaphore(%run_scoped3A_173 : memref<!tpu.dma_semaphore, #tpu.memory_space<semaphore_mem>>) src(%arg12 : memref<128x128xf32, #tpu.memory_space<vmem>>) dst(%dma_wait3A_185 : memref<10240x128xf32, #tpu.memory_space<vmem_shared>>)
          tpu.yield
        }) : () -> ()
      } else {
      }
    }
    %scan3A_116 = arith.constant 20 : i32
    %add3A_117 = arith.constant 40 : i32
    %add3A_118 = arith.addi %mul3A_99, %add3A_117 : i32
    %run_scoped3A_119 = arith.constant 2 : i32
    "tpu.region"() ({
      %run_scoped3A_141 = tpu.sem_alloc : memref<!tpu.dma_semaphore, #tpu.memory_space<semaphore_mem>>
      %dma_start3A_142 = arith.constant 0 : i32
      %dma_start3A_143 = arith.constant 0 : i32
      %dma_start3A_144 = tpu.memref_slice %arg9[%dma_start3A_142, %dma_start3A_143] : memref<40x128xi32, #tpu.memory_space<vmem>> -> memref<40x128xi32, #tpu.memory_space<vmem>>
      %dma_start3A_145 = arith.constant 0 : i32
      %dma_start3A_146 = tpu.memref_slice %arg5[%run_scoped3A_119, %add3A_118, %dma_start3A_145] : memref<3x2560x128xi32, #tpu.memory_space<hbm>> -> memref<1x40x128xi32, #tpu.memory_space<hbm>>
      %dma_start3A_147 = tpu.memref_squeeze %dma_start3A_146 : memref<1x40x128xi32, #tpu.memory_space<hbm>> -> memref<40x128xi32, #tpu.memory_space<hbm>>
      %dma_start3A_148 = arith.constant 0 : i32
      %dma_start3A_149 = arith.constant 0 : i32
      %dma_start3A_150 = tpu.memref_slice %arg9[%dma_start3A_148, %dma_start3A_149] : memref<40x128xi32, #tpu.memory_space<vmem>> -> memref<40x128xi32, #tpu.memory_space<vmem>>
      %dma_start3A_151 = arith.constant 0 : i32
      %dma_start3A_152 = tpu.memref_slice %arg5[%run_scoped3A_119, %add3A_118, %dma_start3A_151] : memref<3x2560x128xi32, #tpu.memory_space<hbm>> -> memref<1x40x128xi32, #tpu.memory_space<hbm>>
      %dma_start3A_153 = tpu.memref_squeeze %dma_start3A_152 : memref<1x40x128xi32, #tpu.memory_space<hbm>> -> memref<40x128xi32, #tpu.memory_space<hbm>>
      tpu.enqueue_dma source(%dma_start3A_153 : memref<40x128xi32, #tpu.memory_space<hbm>>) target(%dma_start3A_150 : memref<40x128xi32, #tpu.memory_space<vmem>>) target_semaphore(%run_scoped3A_141 : memref<!tpu.dma_semaphore, #tpu.memory_space<semaphore_mem>>)
      %dma_wait3A = arith.constant 0 : i32
      %dma_wait3A_154 = arith.constant 0 : i32
      %dma_wait3A_155 = tpu.memref_slice %arg9[%dma_wait3A, %dma_wait3A_154] : memref<40x128xi32, #tpu.memory_space<vmem>> -> memref<40x128xi32, #tpu.memory_space<vmem>>
      %dma_wait3A_156 = arith.constant 0 : i32
      %dma_wait3A_157 = tpu.memref_slice %arg5[%run_scoped3A_119, %add3A_118, %dma_wait3A_156] : memref<3x2560x128xi32, #tpu.memory_space<hbm>> -> memref<1x40x128xi32, #tpu.memory_space<hbm>>
      %dma_wait3A_158 = tpu.memref_squeeze %dma_wait3A_157 : memref<1x40x128xi32, #tpu.memory_space<hbm>> -> memref<40x128xi32, #tpu.memory_space<hbm>>
      %dma_wait3A_159 = arith.constant 0 : i32
      %dma_wait3A_160 = arith.constant 0 : i32
      %dma_wait3A_161 = tpu.memref_slice %arg9[%dma_wait3A_159, %dma_wait3A_160] : memref<40x128xi32, #tpu.memory_space<vmem>> -> memref<40x128xi32, #tpu.memory_space<vmem>>
      %dma_wait3A_162 = arith.constant 0 : i32
      %dma_wait3A_163 = tpu.memref_slice %arg5[%run_scoped3A_119, %add3A_118, %dma_wait3A_162] : memref<3x2560x128xi32, #tpu.memory_space<hbm>> -> memref<1x40x128xi32, #tpu.memory_space<hbm>>
      %dma_wait3A_164 = tpu.memref_squeeze %dma_wait3A_163 : memref<1x40x128xi32, #tpu.memory_space<hbm>> -> memref<40x128xi32, #tpu.memory_space<hbm>>
      tpu.wait_dma2 semaphore(%run_scoped3A_141 : memref<!tpu.dma_semaphore, #tpu.memory_space<semaphore_mem>>) src(%dma_wait3A_164 : memref<40x128xi32, #tpu.memory_space<hbm>>) dst(%dma_wait3A_161 : memref<40x128xi32, #tpu.memory_space<vmem>>)
      tpu.yield
    }) : () -> ()
    %run_scoped3A_120 = arith.constant 2 : i32
    "tpu.region"() ({
      %run_scoped3A_141 = tpu.sem_alloc : memref<!tpu.dma_semaphore, #tpu.memory_space<semaphore_mem>>
      %dma_start3A_142 = arith.constant 0 : i32
      %dma_start3A_143 = arith.constant 0 : i32
      %dma_start3A_144 = tpu.memref_slice %arg10[%dma_start3A_142, %dma_start3A_143] : memref<40x128xi32, #tpu.memory_space<vmem>> -> memref<40x128xi32, #tpu.memory_space<vmem>>
      %dma_start3A_145 = arith.constant 0 : i32
      %dma_start3A_146 = tpu.memref_slice %arg6[%run_scoped3A_120, %add3A_118, %dma_start3A_145] : memref<3x2560x128xi32, #tpu.memory_space<hbm>> -> memref<1x40x128xi32, #tpu.memory_space<hbm>>
      %dma_start3A_147 = tpu.memref_squeeze %dma_start3A_146 : memref<1x40x128xi32, #tpu.memory_space<hbm>> -> memref<40x128xi32, #tpu.memory_space<hbm>>
      %dma_start3A_148 = arith.constant 0 : i32
      %dma_start3A_149 = arith.constant 0 : i32
      %dma_start3A_150 = tpu.memref_slice %arg10[%dma_start3A_148, %dma_start3A_149] : memref<40x128xi32, #tpu.memory_space<vmem>> -> memref<40x128xi32, #tpu.memory_space<vmem>>
      %dma_start3A_151 = arith.constant 0 : i32
      %dma_start3A_152 = tpu.memref_slice %arg6[%run_scoped3A_120, %add3A_118, %dma_start3A_151] : memref<3x2560x128xi32, #tpu.memory_space<hbm>> -> memref<1x40x128xi32, #tpu.memory_space<hbm>>
      %dma_start3A_153 = tpu.memref_squeeze %dma_start3A_152 : memref<1x40x128xi32, #tpu.memory_space<hbm>> -> memref<40x128xi32, #tpu.memory_space<hbm>>
      tpu.enqueue_dma source(%dma_start3A_153 : memref<40x128xi32, #tpu.memory_space<hbm>>) target(%dma_start3A_150 : memref<40x128xi32, #tpu.memory_space<vmem>>) target_semaphore(%run_scoped3A_141 : memref<!tpu.dma_semaphore, #tpu.memory_space<semaphore_mem>>)
      %dma_wait3A = arith.constant 0 : i32
      %dma_wait3A_154 = arith.constant 0 : i32
      %dma_wait3A_155 = tpu.memref_slice %arg10[%dma_wait3A, %dma_wait3A_154] : memref<40x128xi32, #tpu.memory_space<vmem>> -> memref<40x128xi32, #tpu.memory_space<vmem>>
      %dma_wait3A_156 = arith.constant 0 : i32
      %dma_wait3A_157 = tpu.memref_slice %arg6[%run_scoped3A_120, %add3A_118, %dma_wait3A_156] : memref<3x2560x128xi32, #tpu.memory_space<hbm>> -> memref<1x40x128xi32, #tpu.memory_space<hbm>>
      %dma_wait3A_158 = tpu.memref_squeeze %dma_wait3A_157 : memref<1x40x128xi32, #tpu.memory_space<hbm>> -> memref<40x128xi32, #tpu.memory_space<hbm>>
      %dma_wait3A_159 = arith.constant 0 : i32
      %dma_wait3A_160 = arith.constant 0 : i32
      %dma_wait3A_161 = tpu.memref_slice %arg10[%dma_wait3A_159, %dma_wait3A_160] : memref<40x128xi32, #tpu.memory_space<vmem>> -> memref<40x128xi32, #tpu.memory_space<vmem>>
      %dma_wait3A_162 = arith.constant 0 : i32
      %dma_wait3A_163 = tpu.memref_slice %arg6[%run_scoped3A_120, %add3A_118, %dma_wait3A_162] : memref<3x2560x128xi32, #tpu.memory_space<hbm>> -> memref<1x40x128xi32, #tpu.memory_space<hbm>>
      %dma_wait3A_164 = tpu.memref_squeeze %dma_wait3A_163 : memref<1x40x128xi32, #tpu.memory_space<hbm>> -> memref<40x128xi32, #tpu.memory_space<hbm>>
      tpu.wait_dma2 semaphore(%run_scoped3A_141 : memref<!tpu.dma_semaphore, #tpu.memory_space<semaphore_mem>>) src(%dma_wait3A_164 : memref<40x128xi32, #tpu.memory_space<hbm>>) dst(%dma_wait3A_161 : memref<40x128xi32, #tpu.memory_space<vmem>>)
      tpu.yield
    }) : () -> ()
    %dma_start3A_121 = arith.constant 0 : i32
    %dma_start3A_122 = arith.constant 0 : i32
    %dma_start3A_123 = tpu.memref_slice %arg9[%dma_start3A_121, %dma_start3A_122] : memref<40x128xi32, #tpu.memory_space<vmem>> -> memref<1x128xi32, #tpu.memory_space<vmem>>
    %dma_start3A_124 = tpu.memref_squeeze %dma_start3A_123 : memref<1x128xi32, #tpu.memory_space<vmem>> -> memref<128xi32, #tpu.memory_space<vmem>>
    %dma_start3A_125 = arith.constant 0 : i32
    %dma_start3A_126 = arith.constant 0 : i32
    %dma_start3A_127 = tpu.memref_slice %arg4[%dma_start3A_125, %dma_start3A_126] : memref<10240x128xf32, #tpu.memory_space<hbm>> -> memref<10240x128xf32, #tpu.memory_space<hbm>>
    tpu.enqueue_indirect_dma source(%dma_start3A_127 : memref<10240x128xf32, #tpu.memory_space<hbm>>) target(%arg11 : memref<128x128xf32, #tpu.memory_space<vmem>>) offsets(%dma_start3A_124 : memref<128xi32, #tpu.memory_space<vmem>>) semaphore(%arg14 : memref<!tpu.dma_semaphore, #tpu.memory_space<semaphore_mem>>)
    %scan3A_128 = arith.constant 0 : i32
    %scan3A_129 = arith.constant 0 : i32
    %scan3A_130 = arith.constant 20 : i32
    %scan3A_131 = arith.addi %scan3A_129, %scan3A_130 : i32
    %scan3A_132 = arith.constant 1 : i32
    scf.for %scan3A_141 = %scan3A_129 to %scan3A_131 step %scan3A_132  : i32 {
      %mul3A_142 = arith.constant 2 : i32
      %mul3A_143 = arith.muli %mul3A_142, %scan3A_141 : i32
      %mul3A_144 = arith.constant 2 : i32
      %mul3A_145 = arith.muli %mul3A_144, %scan3A_141 : i32
      %add3A_146 = arith.constant 1 : i32
      %add3A_147 = arith.addi %mul3A_145, %add3A_146 : i32
      %lt3A = arith.constant 40 : i32
      %lt3A_148 = arith.cmpi slt, %add3A_147, %lt3A : i32
      %convert_element_type3A = arith.extui %lt3A_148 : i1 to i32
      %cond3A = arith.constant 0 : i32
      %cond3A_149 = arith.cmpi ne, %convert_element_type3A, %cond3A : i32
      scf.if %cond3A_149 {
        %dma_start3A_167 = arith.constant 0 : i32
        %dma_start3A_168 = tpu.memref_slice %arg9[%add3A_147, %dma_start3A_167] : memref<40x128xi32, #tpu.memory_space<vmem>> -> memref<1x128xi32, #tpu.memory_space<vmem>>
        %dma_start3A_169 = tpu.memref_squeeze %dma_start3A_168 : memref<1x128xi32, #tpu.memory_space<vmem>> -> memref<128xi32, #tpu.memory_space<vmem>>
        %dma_start3A_170 = arith.constant 0 : i32
        %dma_start3A_171 = arith.constant 0 : i32
        %dma_start3A_172 = tpu.memref_slice %arg4[%dma_start3A_170, %dma_start3A_171] : memref<10240x128xf32, #tpu.memory_space<hbm>> -> memref<10240x128xf32, #tpu.memory_space<hbm>>
        tpu.enqueue_indirect_dma source(%dma_start3A_172 : memref<10240x128xf32, #tpu.memory_space<hbm>>) target(%arg12 : memref<128x128xf32, #tpu.memory_space<vmem>>) offsets(%dma_start3A_169 : memref<128xi32, #tpu.memory_space<vmem>>) semaphore(%arg15 : memref<!tpu.dma_semaphore, #tpu.memory_space<semaphore_mem>>)
      } else {
      }
      %dma_wait3A = arith.constant 0 : i32
      %dma_wait3A_150 = tpu.memref_slice %arg9[%mul3A_143, %dma_wait3A] : memref<40x128xi32, #tpu.memory_space<vmem>> -> memref<1x128xi32, #tpu.memory_space<vmem>>
      %dma_wait3A_151 = tpu.memref_squeeze %dma_wait3A_150 : memref<1x128xi32, #tpu.memory_space<vmem>> -> memref<128xi32, #tpu.memory_space<vmem>>
      %dma_wait3A_152 = arith.constant 0 : i32
      %dma_wait3A_153 = arith.constant 0 : i32
      %dma_wait3A_154 = tpu.memref_slice %arg4[%dma_wait3A_152, %dma_wait3A_153] : memref<10240x128xf32, #tpu.memory_space<hbm>> -> memref<10240x128xf32, #tpu.memory_space<hbm>>
      tpu.wait_indirect_dma semaphore(%arg14 : memref<!tpu.dma_semaphore, #tpu.memory_space<semaphore_mem>>) src(%dma_wait3A_154 : memref<10240x128xf32, #tpu.memory_space<hbm>>) dst(%arg11 : memref<128x128xf32, #tpu.memory_space<vmem>>)
      "tpu.region"() ({
        %run_scoped3A_167 = tpu.sem_alloc : memref<!tpu.dma_semaphore, #tpu.memory_space<semaphore_mem>>
        %dma_start3A_168 = arith.constant 0 : i32
        %dma_start3A_169 = tpu.memref_slice %arg10[%mul3A_143, %dma_start3A_168] : memref<40x128xi32, #tpu.memory_space<vmem>> -> memref<1x128xi32, #tpu.memory_space<vmem>>
        %dma_start3A_170 = tpu.memref_squeeze %dma_start3A_169 : memref<1x128xi32, #tpu.memory_space<vmem>> -> memref<128xi32, #tpu.memory_space<vmem>>
        %dma_start3A_171 = arith.constant 0 : i32
        %dma_start3A_172 = arith.constant 0 : i32
        %dma_start3A_173 = tpu.memref_slice %arg13[%dma_start3A_171, %dma_start3A_172] : memref<10240x128xf32, #tpu.memory_space<vmem_shared>> -> memref<10240x128xf32, #tpu.memory_space<vmem_shared>>
        tpu.enqueue_indirect_dma source(%arg11 : memref<128x128xf32, #tpu.memory_space<vmem>>) target(%dma_start3A_173 : memref<10240x128xf32, #tpu.memory_space<vmem_shared>>) offsets(%dma_start3A_170 : memref<128xi32, #tpu.memory_space<vmem>>) semaphore(%run_scoped3A_167 : memref<!tpu.dma_semaphore, #tpu.memory_space<semaphore_mem>>) {add = true}
        %dma_wait3A_174 = arith.constant 0 : i32
        %dma_wait3A_175 = tpu.memref_slice %arg10[%mul3A_143, %dma_wait3A_174] : memref<40x128xi32, #tpu.memory_space<vmem>> -> memref<1x128xi32, #tpu.memory_space<vmem>>
        %dma_wait3A_176 = tpu.memref_squeeze %dma_wait3A_175 : memref<1x128xi32, #tpu.memory_space<vmem>> -> memref<128xi32, #tpu.memory_space<vmem>>
        %dma_wait3A_177 = arith.constant 0 : i32
        %dma_wait3A_178 = arith.constant 0 : i32
        %dma_wait3A_179 = tpu.memref_slice %arg13[%dma_wait3A_177, %dma_wait3A_178] : memref<10240x128xf32, #tpu.memory_space<vmem_shared>> -> memref<10240x128xf32, #tpu.memory_space<vmem_shared>>
        tpu.wait_indirect_dma semaphore(%run_scoped3A_167 : memref<!tpu.dma_semaphore, #tpu.memory_space<semaphore_mem>>) src(%arg11 : memref<128x128xf32, #tpu.memory_space<vmem>>) dst(%dma_wait3A_179 : memref<10240x128xf32, #tpu.memory_space<vmem_shared>>)
        tpu.yield
      }) : () -> ()
      %add3A_155 = arith.constant 2 : i32
      %add3A_156 = arith.addi %mul3A_143, %add3A_155 : i32
      %lt3A_157 = arith.constant 40 : i32
      %lt3A_158 = arith.cmpi slt, %add3A_156, %lt3A_157 : i32
      %convert_element_type3A_159 = arith.extui %lt3A_158 : i1 to i32
      %cond3A_160 = arith.constant 0 : i32
      %cond3A_161 = arith.cmpi ne, %convert_element_type3A_159, %cond3A_160 : i32
      scf.if %cond3A_161 {
        %add3A_167 = arith.constant 2 : i32
        %add3A_168 = arith.addi %mul3A_143, %add3A_167 : i32
        %dma_start3A_169 = arith.constant 0 : i32
        %dma_start3A_170 = tpu.memref_slice %arg9[%add3A_168, %dma_start3A_169] : memref<40x128xi32, #tpu.memory_space<vmem>> -> memref<1x128xi32, #tpu.memory_space<vmem>>
        %dma_start3A_171 = tpu.memref_squeeze %dma_start3A_170 : memref<1x128xi32, #tpu.memory_space<vmem>> -> memref<128xi32, #tpu.memory_space<vmem>>
        %dma_start3A_172 = arith.constant 0 : i32
        %dma_start3A_173 = arith.constant 0 : i32
        %dma_start3A_174 = tpu.memref_slice %arg4[%dma_start3A_172, %dma_start3A_173] : memref<10240x128xf32, #tpu.memory_space<hbm>> -> memref<10240x128xf32, #tpu.memory_space<hbm>>
        tpu.enqueue_indirect_dma source(%dma_start3A_174 : memref<10240x128xf32, #tpu.memory_space<hbm>>) target(%arg11 : memref<128x128xf32, #tpu.memory_space<vmem>>) offsets(%dma_start3A_171 : memref<128xi32, #tpu.memory_space<vmem>>) semaphore(%arg14 : memref<!tpu.dma_semaphore, #tpu.memory_space<semaphore_mem>>)
      } else {
      }
      %lt3A_162 = arith.constant 40 : i32
      %lt3A_163 = arith.cmpi slt, %add3A_147, %lt3A_162 : i32
      %convert_element_type3A_164 = arith.extui %lt3A_163 : i1 to i32
      %cond3A_165 = arith.constant 0 : i32
      %cond3A_166 = arith.cmpi ne, %convert_element_type3A_164, %cond3A_165 : i32
      scf.if %cond3A_166 {
        %dma_wait3A_167 = arith.constant 0 : i32
        %dma_wait3A_168 = tpu.memref_slice %arg9[%add3A_147, %dma_wait3A_167] : memref<40x128xi32, #tpu.memory_space<vmem>> -> memref<1x128xi32, #tpu.memory_space<vmem>>
        %dma_wait3A_169 = tpu.memref_squeeze %dma_wait3A_168 : memref<1x128xi32, #tpu.memory_space<vmem>> -> memref<128xi32, #tpu.memory_space<vmem>>
        %dma_wait3A_170 = arith.constant 0 : i32
        %dma_wait3A_171 = arith.constant 0 : i32
        %dma_wait3A_172 = tpu.memref_slice %arg4[%dma_wait3A_170, %dma_wait3A_171] : memref<10240x128xf32, #tpu.memory_space<hbm>> -> memref<10240x128xf32, #tpu.memory_space<hbm>>
        tpu.wait_indirect_dma semaphore(%arg15 : memref<!tpu.dma_semaphore, #tpu.memory_space<semaphore_mem>>) src(%dma_wait3A_172 : memref<10240x128xf32, #tpu.memory_space<hbm>>) dst(%arg12 : memref<128x128xf32, #tpu.memory_space<vmem>>)
        "tpu.region"() ({
          %run_scoped3A_173 = tpu.sem_alloc : memref<!tpu.dma_semaphore, #tpu.memory_space<semaphore_mem>>
          %dma_start3A_174 = arith.constant 0 : i32
          %dma_start3A_175 = tpu.memref_slice %arg10[%add3A_147, %dma_start3A_174] : memref<40x128xi32, #tpu.memory_space<vmem>> -> memref<1x128xi32, #tpu.memory_space<vmem>>
          %dma_start3A_176 = tpu.memref_squeeze %dma_start3A_175 : memref<1x128xi32, #tpu.memory_space<vmem>> -> memref<128xi32, #tpu.memory_space<vmem>>
          %dma_start3A_177 = arith.constant 0 : i32
          %dma_start3A_178 = arith.constant 0 : i32
          %dma_start3A_179 = tpu.memref_slice %arg13[%dma_start3A_177, %dma_start3A_178] : memref<10240x128xf32, #tpu.memory_space<vmem_shared>> -> memref<10240x128xf32, #tpu.memory_space<vmem_shared>>
          tpu.enqueue_indirect_dma source(%arg12 : memref<128x128xf32, #tpu.memory_space<vmem>>) target(%dma_start3A_179 : memref<10240x128xf32, #tpu.memory_space<vmem_shared>>) offsets(%dma_start3A_176 : memref<128xi32, #tpu.memory_space<vmem>>) semaphore(%run_scoped3A_173 : memref<!tpu.dma_semaphore, #tpu.memory_space<semaphore_mem>>) {add = true}
          %dma_wait3A_180 = arith.constant 0 : i32
          %dma_wait3A_181 = tpu.memref_slice %arg10[%add3A_147, %dma_wait3A_180] : memref<40x128xi32, #tpu.memory_space<vmem>> -> memref<1x128xi32, #tpu.memory_space<vmem>>
          %dma_wait3A_182 = tpu.memref_squeeze %dma_wait3A_181 : memref<1x128xi32, #tpu.memory_space<vmem>> -> memref<128xi32, #tpu.memory_space<vmem>>
          %dma_wait3A_183 = arith.constant 0 : i32
          %dma_wait3A_184 = arith.constant 0 : i32
          %dma_wait3A_185 = tpu.memref_slice %arg13[%dma_wait3A_183, %dma_wait3A_184] : memref<10240x128xf32, #tpu.memory_space<vmem_shared>> -> memref<10240x128xf32, #tpu.memory_space<vmem_shared>>
          tpu.wait_indirect_dma semaphore(%run_scoped3A_173 : memref<!tpu.dma_semaphore, #tpu.memory_space<semaphore_mem>>) src(%arg12 : memref<128x128xf32, #tpu.memory_space<vmem>>) dst(%dma_wait3A_185 : memref<10240x128xf32, #tpu.memory_space<vmem_shared>>)
          tpu.yield
        }) : () -> ()
      } else {
      }
    }
    %scan3A_133 = arith.constant 20 : i32
    %barrier3A_134 = arith.constant 0 : index
    tpu.barrier barrier_id(%barrier3A_134)
    %mul3A_135 = arith.constant 640 : i32
    %mul3A_136 = arith.muli %arg1, %mul3A_135 : i32
    %mul3A_137 = arith.constant 640 : i32
    %mul3A_138 = arith.muli %arg1, %mul3A_137 : i32
    %run_scoped3A_139 = arith.constant 2 : i32
    "tpu.region"() ({
      %run_scoped3A_141 = tpu.sem_alloc : memref<!tpu.dma_semaphore, #tpu.memory_space<semaphore_mem>>
      %dma_start3A_142 = arith.constant 0 : i32
      %dma_start3A_143 = tpu.memref_slice %arg8[%arg0, %run_scoped3A_139, %mul3A_138, %dma_start3A_142] : memref<2x3x10240x128xf32, #tpu.memory_space<hbm>> -> memref<1x1x640x128xf32, #tpu.memory_space<hbm>>
      %dma_start3A_144 = tpu.memref_squeeze %dma_start3A_143 : memref<1x1x640x128xf32, #tpu.memory_space<hbm>> -> memref<640x128xf32, #tpu.memory_space<hbm>>
      %dma_start3A_145 = arith.constant 0 : i32
      %dma_start3A_146 = tpu.memref_slice %arg13[%mul3A_136, %dma_start3A_145] : memref<10240x128xf32, #tpu.memory_space<vmem_shared>> -> memref<640x128xf32, #tpu.memory_space<vmem_shared>>
      tpu.enqueue_dma source(%dma_start3A_146 : memref<640x128xf32, #tpu.memory_space<vmem_shared>>) target(%dma_start3A_144 : memref<640x128xf32, #tpu.memory_space<hbm>>) target_semaphore(%run_scoped3A_141 : memref<!tpu.dma_semaphore, #tpu.memory_space<semaphore_mem>>)
      %dma_wait3A = arith.constant 0 : i32
      %dma_wait3A_147 = tpu.memref_slice %arg8[%arg0, %run_scoped3A_139, %mul3A_138, %dma_wait3A] : memref<2x3x10240x128xf32, #tpu.memory_space<hbm>> -> memref<1x1x640x128xf32, #tpu.memory_space<hbm>>
      %dma_wait3A_148 = tpu.memref_squeeze %dma_wait3A_147 : memref<1x1x640x128xf32, #tpu.memory_space<hbm>> -> memref<640x128xf32, #tpu.memory_space<hbm>>
      %dma_wait3A_149 = arith.constant 0 : i32
      %dma_wait3A_150 = tpu.memref_slice %arg13[%mul3A_136, %dma_wait3A_149] : memref<10240x128xf32, #tpu.memory_space<vmem_shared>> -> memref<640x128xf32, #tpu.memory_space<vmem_shared>>
      tpu.wait_dma2 semaphore(%run_scoped3A_141 : memref<!tpu.dma_semaphore, #tpu.memory_space<semaphore_mem>>) src(%dma_wait3A_150 : memref<640x128xf32, #tpu.memory_space<vmem_shared>>) dst(%dma_wait3A_148 : memref<640x128xf32, #tpu.memory_space<hbm>>)
      tpu.yield
    }) : () -> ()
    %barrier3A_140 = arith.constant 0 : index
    tpu.barrier barrier_id(%barrier3A_140)
    return
  }
}

#map = affine_map<(d0, d1) -> (0, 0, 0)>
#map1 = affine_map<(d0, d1) -> (0)>
#map2 = affine_map<(d0, d1) -> (0, 0)>
module attributes {stable_mosaic.version = 14 : i64} {
  func.func @_sc_degrees(%arg0: i32, %arg1: i32, %arg2: memref<3x2560x128xi32, #tpu.memory_space<hbm>>, %arg3: memref<3x2560x128xi32, #tpu.memory_space<hbm>>, %arg4: memref<128xf32, #tpu.memory_space<hbm>>, %arg5: memref<5120xf32, #tpu.memory_space<hbm>>, %arg6: memref<2x81920xf32, #tpu.memory_space<hbm>>, %arg7: memref<480x128xi32, #tpu.memory_space<vmem>>, %arg8: memref<128xf32, #tpu.memory_space<vmem>>, %arg9: memref<81920xf32, #tpu.memory_space<vmem_shared>>) attributes {dimension_semantics = [#tpu.dimension_semantics<core_parallel>, #tpu.dimension_semantics<subcore_parallel>], iteration_bounds = array<i64: 2, 16>, scalar_prefetch = 0 : i64, scratch_operands = 3 : i64, tpu.core_type = #tpu.core_type<sc_vector_subcore>, window_params = [{transform_indices = #map}, {transform_indices = #map}, {transform_indices = #map1}, {transform_indices = #map1}, {transform_indices = #map2}]} {
    %mul3A = arith.constant 16 : i32
    %mul3A_0 = arith.muli %arg0, %mul3A : i32
    %add3A = arith.addi %mul3A_0, %arg1 : i32
    %mul3A_1 = arith.constant 5120 : i32
    %mul3A_2 = arith.muli %arg1, %mul3A_1 : i32
    "tpu.region"() ({
      %run_scoped3A_30 = tpu.sem_alloc : memref<!tpu.dma_semaphore, #tpu.memory_space<semaphore_mem>>
      %dma_start3A = tpu.memref_slice %arg9[%mul3A_2] : memref<81920xf32, #tpu.memory_space<vmem_shared>> -> memref<5120xf32, #tpu.memory_space<vmem_shared>>
      tpu.enqueue_dma source(%arg5 : memref<5120xf32, #tpu.memory_space<hbm>>) target(%dma_start3A : memref<5120xf32, #tpu.memory_space<vmem_shared>>) target_semaphore(%run_scoped3A_30 : memref<!tpu.dma_semaphore, #tpu.memory_space<semaphore_mem>>)
      %dma_wait3A = tpu.memref_slice %arg9[%mul3A_2] : memref<81920xf32, #tpu.memory_space<vmem_shared>> -> memref<5120xf32, #tpu.memory_space<vmem_shared>>
      tpu.wait_dma2 semaphore(%run_scoped3A_30 : memref<!tpu.dma_semaphore, #tpu.memory_space<semaphore_mem>>) src(%arg5 : memref<5120xf32, #tpu.memory_space<hbm>>) dst(%dma_wait3A : memref<5120xf32, #tpu.memory_space<vmem_shared>>)
      tpu.yield
    }) : () -> ()
    "tpu.region"() ({
      %run_scoped3A_30 = tpu.sem_alloc : memref<!tpu.dma_semaphore, #tpu.memory_space<semaphore_mem>>
      tpu.enqueue_dma source(%arg4 : memref<128xf32, #tpu.memory_space<hbm>>) target(%arg8 : memref<128xf32, #tpu.memory_space<vmem>>) target_semaphore(%run_scoped3A_30 : memref<!tpu.dma_semaphore, #tpu.memory_space<semaphore_mem>>)
      tpu.wait_dma2 semaphore(%run_scoped3A_30 : memref<!tpu.dma_semaphore, #tpu.memory_space<semaphore_mem>>) src(%arg4 : memref<128xf32, #tpu.memory_space<hbm>>) dst(%arg8 : memref<128xf32, #tpu.memory_space<vmem>>)
      tpu.yield
    }) : () -> ()
    %mul3A_3 = arith.constant 80 : i32
    %mul3A_4 = arith.muli %add3A, %mul3A_3 : i32
    %run_scoped3A = arith.constant 0 : i32
    "tpu.region"() ({
      %run_scoped3A_30 = tpu.sem_alloc : memref<!tpu.dma_semaphore, #tpu.memory_space<semaphore_mem>>
      %dma_start3A = arith.constant 0 : i32
      %dma_start3A_31 = arith.constant 0 : i32
      %dma_start3A_32 = tpu.memref_slice %arg7[%dma_start3A, %dma_start3A_31] : memref<480x128xi32, #tpu.memory_space<vmem>> -> memref<80x128xi32, #tpu.memory_space<vmem>>
      %dma_start3A_33 = arith.constant 0 : i32
      %dma_start3A_34 = tpu.memref_slice %arg2[%run_scoped3A, %mul3A_4, %dma_start3A_33] : memref<3x2560x128xi32, #tpu.memory_space<hbm>> -> memref<1x80x128xi32, #tpu.memory_space<hbm>>
      %dma_start3A_35 = tpu.memref_squeeze %dma_start3A_34 : memref<1x80x128xi32, #tpu.memory_space<hbm>> -> memref<80x128xi32, #tpu.memory_space<hbm>>
      %dma_start3A_36 = arith.constant 0 : i32
      %dma_start3A_37 = arith.constant 0 : i32
      %dma_start3A_38 = tpu.memref_slice %arg7[%dma_start3A_36, %dma_start3A_37] : memref<480x128xi32, #tpu.memory_space<vmem>> -> memref<80x128xi32, #tpu.memory_space<vmem>>
      %dma_start3A_39 = arith.constant 0 : i32
      %dma_start3A_40 = tpu.memref_slice %arg2[%run_scoped3A, %mul3A_4, %dma_start3A_39] : memref<3x2560x128xi32, #tpu.memory_space<hbm>> -> memref<1x80x128xi32, #tpu.memory_space<hbm>>
      %dma_start3A_41 = tpu.memref_squeeze %dma_start3A_40 : memref<1x80x128xi32, #tpu.memory_space<hbm>> -> memref<80x128xi32, #tpu.memory_space<hbm>>
      tpu.enqueue_dma source(%dma_start3A_41 : memref<80x128xi32, #tpu.memory_space<hbm>>) target(%dma_start3A_38 : memref<80x128xi32, #tpu.memory_space<vmem>>) target_semaphore(%run_scoped3A_30 : memref<!tpu.dma_semaphore, #tpu.memory_space<semaphore_mem>>)
      %dma_wait3A = arith.constant 0 : i32
      %dma_wait3A_42 = arith.constant 0 : i32
      %dma_wait3A_43 = tpu.memref_slice %arg7[%dma_wait3A, %dma_wait3A_42] : memref<480x128xi32, #tpu.memory_space<vmem>> -> memref<80x128xi32, #tpu.memory_space<vmem>>
      %dma_wait3A_44 = arith.constant 0 : i32
      %dma_wait3A_45 = tpu.memref_slice %arg2[%run_scoped3A, %mul3A_4, %dma_wait3A_44] : memref<3x2560x128xi32, #tpu.memory_space<hbm>> -> memref<1x80x128xi32, #tpu.memory_space<hbm>>
      %dma_wait3A_46 = tpu.memref_squeeze %dma_wait3A_45 : memref<1x80x128xi32, #tpu.memory_space<hbm>> -> memref<80x128xi32, #tpu.memory_space<hbm>>
      %dma_wait3A_47 = arith.constant 0 : i32
      %dma_wait3A_48 = arith.constant 0 : i32
      %dma_wait3A_49 = tpu.memref_slice %arg7[%dma_wait3A_47, %dma_wait3A_48] : memref<480x128xi32, #tpu.memory_space<vmem>> -> memref<80x128xi32, #tpu.memory_space<vmem>>
      %dma_wait3A_50 = arith.constant 0 : i32
      %dma_wait3A_51 = tpu.memref_slice %arg2[%run_scoped3A, %mul3A_4, %dma_wait3A_50] : memref<3x2560x128xi32, #tpu.memory_space<hbm>> -> memref<1x80x128xi32, #tpu.memory_space<hbm>>
      %dma_wait3A_52 = tpu.memref_squeeze %dma_wait3A_51 : memref<1x80x128xi32, #tpu.memory_space<hbm>> -> memref<80x128xi32, #tpu.memory_space<hbm>>
      tpu.wait_dma2 semaphore(%run_scoped3A_30 : memref<!tpu.dma_semaphore, #tpu.memory_space<semaphore_mem>>) src(%dma_wait3A_52 : memref<80x128xi32, #tpu.memory_space<hbm>>) dst(%dma_wait3A_49 : memref<80x128xi32, #tpu.memory_space<vmem>>)
      tpu.yield
    }) : () -> ()
    %mul3A_5 = arith.constant 80 : i32
    %mul3A_6 = arith.muli %add3A, %mul3A_5 : i32
    %run_scoped3A_7 = arith.constant 0 : i32
    "tpu.region"() ({
      %run_scoped3A_30 = tpu.sem_alloc : memref<!tpu.dma_semaphore, #tpu.memory_space<semaphore_mem>>
      %dma_start3A = arith.constant 240 : i32
      %dma_start3A_31 = arith.constant 0 : i32
      %dma_start3A_32 = tpu.memref_slice %arg7[%dma_start3A, %dma_start3A_31] : memref<480x128xi32, #tpu.memory_space<vmem>> -> memref<80x128xi32, #tpu.memory_space<vmem>>
      %dma_start3A_33 = arith.constant 0 : i32
      %dma_start3A_34 = tpu.memref_slice %arg3[%run_scoped3A_7, %mul3A_6, %dma_start3A_33] : memref<3x2560x128xi32, #tpu.memory_space<hbm>> -> memref<1x80x128xi32, #tpu.memory_space<hbm>>
      %dma_start3A_35 = tpu.memref_squeeze %dma_start3A_34 : memref<1x80x128xi32, #tpu.memory_space<hbm>> -> memref<80x128xi32, #tpu.memory_space<hbm>>
      %dma_start3A_36 = arith.constant 240 : i32
      %dma_start3A_37 = arith.constant 0 : i32
      %dma_start3A_38 = tpu.memref_slice %arg7[%dma_start3A_36, %dma_start3A_37] : memref<480x128xi32, #tpu.memory_space<vmem>> -> memref<80x128xi32, #tpu.memory_space<vmem>>
      %dma_start3A_39 = arith.constant 0 : i32
      %dma_start3A_40 = tpu.memref_slice %arg3[%run_scoped3A_7, %mul3A_6, %dma_start3A_39] : memref<3x2560x128xi32, #tpu.memory_space<hbm>> -> memref<1x80x128xi32, #tpu.memory_space<hbm>>
      %dma_start3A_41 = tpu.memref_squeeze %dma_start3A_40 : memref<1x80x128xi32, #tpu.memory_space<hbm>> -> memref<80x128xi32, #tpu.memory_space<hbm>>
      tpu.enqueue_dma source(%dma_start3A_41 : memref<80x128xi32, #tpu.memory_space<hbm>>) target(%dma_start3A_38 : memref<80x128xi32, #tpu.memory_space<vmem>>) target_semaphore(%run_scoped3A_30 : memref<!tpu.dma_semaphore, #tpu.memory_space<semaphore_mem>>)
      %dma_wait3A = arith.constant 240 : i32
      %dma_wait3A_42 = arith.constant 0 : i32
      %dma_wait3A_43 = tpu.memref_slice %arg7[%dma_wait3A, %dma_wait3A_42] : memref<480x128xi32, #tpu.memory_space<vmem>> -> memref<80x128xi32, #tpu.memory_space<vmem>>
      %dma_wait3A_44 = arith.constant 0 : i32
      %dma_wait3A_45 = tpu.memref_slice %arg3[%run_scoped3A_7, %mul3A_6, %dma_wait3A_44] : memref<3x2560x128xi32, #tpu.memory_space<hbm>> -> memref<1x80x128xi32, #tpu.memory_space<hbm>>
      %dma_wait3A_46 = tpu.memref_squeeze %dma_wait3A_45 : memref<1x80x128xi32, #tpu.memory_space<hbm>> -> memref<80x128xi32, #tpu.memory_space<hbm>>
      %dma_wait3A_47 = arith.constant 240 : i32
      %dma_wait3A_48 = arith.constant 0 : i32
      %dma_wait3A_49 = tpu.memref_slice %arg7[%dma_wait3A_47, %dma_wait3A_48] : memref<480x128xi32, #tpu.memory_space<vmem>> -> memref<80x128xi32, #tpu.memory_space<vmem>>
      %dma_wait3A_50 = arith.constant 0 : i32
      %dma_wait3A_51 = tpu.memref_slice %arg3[%run_scoped3A_7, %mul3A_6, %dma_wait3A_50] : memref<3x2560x128xi32, #tpu.memory_space<hbm>> -> memref<1x80x128xi32, #tpu.memory_space<hbm>>
      %dma_wait3A_52 = tpu.memref_squeeze %dma_wait3A_51 : memref<1x80x128xi32, #tpu.memory_space<hbm>> -> memref<80x128xi32, #tpu.memory_space<hbm>>
      tpu.wait_dma2 semaphore(%run_scoped3A_30 : memref<!tpu.dma_semaphore, #tpu.memory_space<semaphore_mem>>) src(%dma_wait3A_52 : memref<80x128xi32, #tpu.memory_space<hbm>>) dst(%dma_wait3A_49 : memref<80x128xi32, #tpu.memory_space<vmem>>)
      tpu.yield
    }) : () -> ()
    %mul3A_8 = arith.constant 80 : i32
    %mul3A_9 = arith.muli %add3A, %mul3A_8 : i32
    %run_scoped3A_10 = arith.constant 1 : i32
    "tpu.region"() ({
      %run_scoped3A_30 = tpu.sem_alloc : memref<!tpu.dma_semaphore, #tpu.memory_space<semaphore_mem>>
      %dma_start3A = arith.constant 80 : i32
      %dma_start3A_31 = arith.constant 0 : i32
      %dma_start3A_32 = tpu.memref_slice %arg7[%dma_start3A, %dma_start3A_31] : memref<480x128xi32, #tpu.memory_space<vmem>> -> memref<80x128xi32, #tpu.memory_space<vmem>>
      %dma_start3A_33 = arith.constant 0 : i32
      %dma_start3A_34 = tpu.memref_slice %arg2[%run_scoped3A_10, %mul3A_9, %dma_start3A_33] : memref<3x2560x128xi32, #tpu.memory_space<hbm>> -> memref<1x80x128xi32, #tpu.memory_space<hbm>>
      %dma_start3A_35 = tpu.memref_squeeze %dma_start3A_34 : memref<1x80x128xi32, #tpu.memory_space<hbm>> -> memref<80x128xi32, #tpu.memory_space<hbm>>
      %dma_start3A_36 = arith.constant 80 : i32
      %dma_start3A_37 = arith.constant 0 : i32
      %dma_start3A_38 = tpu.memref_slice %arg7[%dma_start3A_36, %dma_start3A_37] : memref<480x128xi32, #tpu.memory_space<vmem>> -> memref<80x128xi32, #tpu.memory_space<vmem>>
      %dma_start3A_39 = arith.constant 0 : i32
      %dma_start3A_40 = tpu.memref_slice %arg2[%run_scoped3A_10, %mul3A_9, %dma_start3A_39] : memref<3x2560x128xi32, #tpu.memory_space<hbm>> -> memref<1x80x128xi32, #tpu.memory_space<hbm>>
      %dma_start3A_41 = tpu.memref_squeeze %dma_start3A_40 : memref<1x80x128xi32, #tpu.memory_space<hbm>> -> memref<80x128xi32, #tpu.memory_space<hbm>>
      tpu.enqueue_dma source(%dma_start3A_41 : memref<80x128xi32, #tpu.memory_space<hbm>>) target(%dma_start3A_38 : memref<80x128xi32, #tpu.memory_space<vmem>>) target_semaphore(%run_scoped3A_30 : memref<!tpu.dma_semaphore, #tpu.memory_space<semaphore_mem>>)
      %dma_wait3A = arith.constant 80 : i32
      %dma_wait3A_42 = arith.constant 0 : i32
      %dma_wait3A_43 = tpu.memref_slice %arg7[%dma_wait3A, %dma_wait3A_42] : memref<480x128xi32, #tpu.memory_space<vmem>> -> memref<80x128xi32, #tpu.memory_space<vmem>>
      %dma_wait3A_44 = arith.constant 0 : i32
      %dma_wait3A_45 = tpu.memref_slice %arg2[%run_scoped3A_10, %mul3A_9, %dma_wait3A_44] : memref<3x2560x128xi32, #tpu.memory_space<hbm>> -> memref<1x80x128xi32, #tpu.memory_space<hbm>>
      %dma_wait3A_46 = tpu.memref_squeeze %dma_wait3A_45 : memref<1x80x128xi32, #tpu.memory_space<hbm>> -> memref<80x128xi32, #tpu.memory_space<hbm>>
      %dma_wait3A_47 = arith.constant 80 : i32
      %dma_wait3A_48 = arith.constant 0 : i32
      %dma_wait3A_49 = tpu.memref_slice %arg7[%dma_wait3A_47, %dma_wait3A_48] : memref<480x128xi32, #tpu.memory_space<vmem>> -> memref<80x128xi32, #tpu.memory_space<vmem>>
      %dma_wait3A_50 = arith.constant 0 : i32
      %dma_wait3A_51 = tpu.memref_slice %arg2[%run_scoped3A_10, %mul3A_9, %dma_wait3A_50] : memref<3x2560x128xi32, #tpu.memory_space<hbm>> -> memref<1x80x128xi32, #tpu.memory_space<hbm>>
      %dma_wait3A_52 = tpu.memref_squeeze %dma_wait3A_51 : memref<1x80x128xi32, #tpu.memory_space<hbm>> -> memref<80x128xi32, #tpu.memory_space<hbm>>
      tpu.wait_dma2 semaphore(%run_scoped3A_30 : memref<!tpu.dma_semaphore, #tpu.memory_space<semaphore_mem>>) src(%dma_wait3A_52 : memref<80x128xi32, #tpu.memory_space<hbm>>) dst(%dma_wait3A_49 : memref<80x128xi32, #tpu.memory_space<vmem>>)
      tpu.yield
    }) : () -> ()
    %mul3A_11 = arith.constant 80 : i32
    %mul3A_12 = arith.muli %add3A, %mul3A_11 : i32
    %run_scoped3A_13 = arith.constant 1 : i32
    "tpu.region"() ({
      %run_scoped3A_30 = tpu.sem_alloc : memref<!tpu.dma_semaphore, #tpu.memory_space<semaphore_mem>>
      %dma_start3A = arith.constant 320 : i32
      %dma_start3A_31 = arith.constant 0 : i32
      %dma_start3A_32 = tpu.memref_slice %arg7[%dma_start3A, %dma_start3A_31] : memref<480x128xi32, #tpu.memory_space<vmem>> -> memref<80x128xi32, #tpu.memory_space<vmem>>
      %dma_start3A_33 = arith.constant 0 : i32
      %dma_start3A_34 = tpu.memref_slice %arg3[%run_scoped3A_13, %mul3A_12, %dma_start3A_33] : memref<3x2560x128xi32, #tpu.memory_space<hbm>> -> memref<1x80x128xi32, #tpu.memory_space<hbm>>
      %dma_start3A_35 = tpu.memref_squeeze %dma_start3A_34 : memref<1x80x128xi32, #tpu.memory_space<hbm>> -> memref<80x128xi32, #tpu.memory_space<hbm>>
      %dma_start3A_36 = arith.constant 320 : i32
      %dma_start3A_37 = arith.constant 0 : i32
      %dma_start3A_38 = tpu.memref_slice %arg7[%dma_start3A_36, %dma_start3A_37] : memref<480x128xi32, #tpu.memory_space<vmem>> -> memref<80x128xi32, #tpu.memory_space<vmem>>
      %dma_start3A_39 = arith.constant 0 : i32
      %dma_start3A_40 = tpu.memref_slice %arg3[%run_scoped3A_13, %mul3A_12, %dma_start3A_39] : memref<3x2560x128xi32, #tpu.memory_space<hbm>> -> memref<1x80x128xi32, #tpu.memory_space<hbm>>
      %dma_start3A_41 = tpu.memref_squeeze %dma_start3A_40 : memref<1x80x128xi32, #tpu.memory_space<hbm>> -> memref<80x128xi32, #tpu.memory_space<hbm>>
      tpu.enqueue_dma source(%dma_start3A_41 : memref<80x128xi32, #tpu.memory_space<hbm>>) target(%dma_start3A_38 : memref<80x128xi32, #tpu.memory_space<vmem>>) target_semaphore(%run_scoped3A_30 : memref<!tpu.dma_semaphore, #tpu.memory_space<semaphore_mem>>)
      %dma_wait3A = arith.constant 320 : i32
      %dma_wait3A_42 = arith.constant 0 : i32
      %dma_wait3A_43 = tpu.memref_slice %arg7[%dma_wait3A, %dma_wait3A_42] : memref<480x128xi32, #tpu.memory_space<vmem>> -> memref<80x128xi32, #tpu.memory_space<vmem>>
      %dma_wait3A_44 = arith.constant 0 : i32
      %dma_wait3A_45 = tpu.memref_slice %arg3[%run_scoped3A_13, %mul3A_12, %dma_wait3A_44] : memref<3x2560x128xi32, #tpu.memory_space<hbm>> -> memref<1x80x128xi32, #tpu.memory_space<hbm>>
      %dma_wait3A_46 = tpu.memref_squeeze %dma_wait3A_45 : memref<1x80x128xi32, #tpu.memory_space<hbm>> -> memref<80x128xi32, #tpu.memory_space<hbm>>
      %dma_wait3A_47 = arith.constant 320 : i32
      %dma_wait3A_48 = arith.constant 0 : i32
      %dma_wait3A_49 = tpu.memref_slice %arg7[%dma_wait3A_47, %dma_wait3A_48] : memref<480x128xi32, #tpu.memory_space<vmem>> -> memref<80x128xi32, #tpu.memory_space<vmem>>
      %dma_wait3A_50 = arith.constant 0 : i32
      %dma_wait3A_51 = tpu.memref_slice %arg3[%run_scoped3A_13, %mul3A_12, %dma_wait3A_50] : memref<3x2560x128xi32, #tpu.memory_space<hbm>> -> memref<1x80x128xi32, #tpu.memory_space<hbm>>
      %dma_wait3A_52 = tpu.memref_squeeze %dma_wait3A_51 : memref<1x80x128xi32, #tpu.memory_space<hbm>> -> memref<80x128xi32, #tpu.memory_space<hbm>>
      tpu.wait_dma2 semaphore(%run_scoped3A_30 : memref<!tpu.dma_semaphore, #tpu.memory_space<semaphore_mem>>) src(%dma_wait3A_52 : memref<80x128xi32, #tpu.memory_space<hbm>>) dst(%dma_wait3A_49 : memref<80x128xi32, #tpu.memory_space<vmem>>)
      tpu.yield
    }) : () -> ()
    %mul3A_14 = arith.constant 80 : i32
    %mul3A_15 = arith.muli %add3A, %mul3A_14 : i32
    %run_scoped3A_16 = arith.constant 2 : i32
    "tpu.region"() ({
      %run_scoped3A_30 = tpu.sem_alloc : memref<!tpu.dma_semaphore, #tpu.memory_space<semaphore_mem>>
      %dma_start3A = arith.constant 160 : i32
      %dma_start3A_31 = arith.constant 0 : i32
      %dma_start3A_32 = tpu.memref_slice %arg7[%dma_start3A, %dma_start3A_31] : memref<480x128xi32, #tpu.memory_space<vmem>> -> memref<80x128xi32, #tpu.memory_space<vmem>>
      %dma_start3A_33 = arith.constant 0 : i32
      %dma_start3A_34 = tpu.memref_slice %arg2[%run_scoped3A_16, %mul3A_15, %dma_start3A_33] : memref<3x2560x128xi32, #tpu.memory_space<hbm>> -> memref<1x80x128xi32, #tpu.memory_space<hbm>>
      %dma_start3A_35 = tpu.memref_squeeze %dma_start3A_34 : memref<1x80x128xi32, #tpu.memory_space<hbm>> -> memref<80x128xi32, #tpu.memory_space<hbm>>
      %dma_start3A_36 = arith.constant 160 : i32
      %dma_start3A_37 = arith.constant 0 : i32
      %dma_start3A_38 = tpu.memref_slice %arg7[%dma_start3A_36, %dma_start3A_37] : memref<480x128xi32, #tpu.memory_space<vmem>> -> memref<80x128xi32, #tpu.memory_space<vmem>>
      %dma_start3A_39 = arith.constant 0 : i32
      %dma_start3A_40 = tpu.memref_slice %arg2[%run_scoped3A_16, %mul3A_15, %dma_start3A_39] : memref<3x2560x128xi32, #tpu.memory_space<hbm>> -> memref<1x80x128xi32, #tpu.memory_space<hbm>>
      %dma_start3A_41 = tpu.memref_squeeze %dma_start3A_40 : memref<1x80x128xi32, #tpu.memory_space<hbm>> -> memref<80x128xi32, #tpu.memory_space<hbm>>
      tpu.enqueue_dma source(%dma_start3A_41 : memref<80x128xi32, #tpu.memory_space<hbm>>) target(%dma_start3A_38 : memref<80x128xi32, #tpu.memory_space<vmem>>) target_semaphore(%run_scoped3A_30 : memref<!tpu.dma_semaphore, #tpu.memory_space<semaphore_mem>>)
      %dma_wait3A = arith.constant 160 : i32
      %dma_wait3A_42 = arith.constant 0 : i32
      %dma_wait3A_43 = tpu.memref_slice %arg7[%dma_wait3A, %dma_wait3A_42] : memref<480x128xi32, #tpu.memory_space<vmem>> -> memref<80x128xi32, #tpu.memory_space<vmem>>
      %dma_wait3A_44 = arith.constant 0 : i32
      %dma_wait3A_45 = tpu.memref_slice %arg2[%run_scoped3A_16, %mul3A_15, %dma_wait3A_44] : memref<3x2560x128xi32, #tpu.memory_space<hbm>> -> memref<1x80x128xi32, #tpu.memory_space<hbm>>
      %dma_wait3A_46 = tpu.memref_squeeze %dma_wait3A_45 : memref<1x80x128xi32, #tpu.memory_space<hbm>> -> memref<80x128xi32, #tpu.memory_space<hbm>>
      %dma_wait3A_47 = arith.constant 160 : i32
      %dma_wait3A_48 = arith.constant 0 : i32
      %dma_wait3A_49 = tpu.memref_slice %arg7[%dma_wait3A_47, %dma_wait3A_48] : memref<480x128xi32, #tpu.memory_space<vmem>> -> memref<80x128xi32, #tpu.memory_space<vmem>>
      %dma_wait3A_50 = arith.constant 0 : i32
      %dma_wait3A_51 = tpu.memref_slice %arg2[%run_scoped3A_16, %mul3A_15, %dma_wait3A_50] : memref<3x2560x128xi32, #tpu.memory_space<hbm>> -> memref<1x80x128xi32, #tpu.memory_space<hbm>>
      %dma_wait3A_52 = tpu.memref_squeeze %dma_wait3A_51 : memref<1x80x128xi32, #tpu.memory_space<hbm>> -> memref<80x128xi32, #tpu.memory_space<hbm>>
      tpu.wait_dma2 semaphore(%run_scoped3A_30 : memref<!tpu.dma_semaphore, #tpu.memory_space<semaphore_mem>>) src(%dma_wait3A_52 : memref<80x128xi32, #tpu.memory_space<hbm>>) dst(%dma_wait3A_49 : memref<80x128xi32, #tpu.memory_space<vmem>>)
      tpu.yield
    }) : () -> ()
    %mul3A_17 = arith.constant 80 : i32
    %mul3A_18 = arith.muli %add3A, %mul3A_17 : i32
    %run_scoped3A_19 = arith.constant 2 : i32
    "tpu.region"() ({
      %run_scoped3A_30 = tpu.sem_alloc : memref<!tpu.dma_semaphore, #tpu.memory_space<semaphore_mem>>
      %dma_start3A = arith.constant 400 : i32
      %dma_start3A_31 = arith.constant 0 : i32
      %dma_start3A_32 = tpu.memref_slice %arg7[%dma_start3A, %dma_start3A_31] : memref<480x128xi32, #tpu.memory_space<vmem>> -> memref<80x128xi32, #tpu.memory_space<vmem>>
      %dma_start3A_33 = arith.constant 0 : i32
      %dma_start3A_34 = tpu.memref_slice %arg3[%run_scoped3A_19, %mul3A_18, %dma_start3A_33] : memref<3x2560x128xi32, #tpu.memory_space<hbm>> -> memref<1x80x128xi32, #tpu.memory_space<hbm>>
      %dma_start3A_35 = tpu.memref_squeeze %dma_start3A_34 : memref<1x80x128xi32, #tpu.memory_space<hbm>> -> memref<80x128xi32, #tpu.memory_space<hbm>>
      %dma_start3A_36 = arith.constant 400 : i32
      %dma_start3A_37 = arith.constant 0 : i32
      %dma_start3A_38 = tpu.memref_slice %arg7[%dma_start3A_36, %dma_start3A_37] : memref<480x128xi32, #tpu.memory_space<vmem>> -> memref<80x128xi32, #tpu.memory_space<vmem>>
      %dma_start3A_39 = arith.constant 0 : i32
      %dma_start3A_40 = tpu.memref_slice %arg3[%run_scoped3A_19, %mul3A_18, %dma_start3A_39] : memref<3x2560x128xi32, #tpu.memory_space<hbm>> -> memref<1x80x128xi32, #tpu.memory_space<hbm>>
      %dma_start3A_41 = tpu.memref_squeeze %dma_start3A_40 : memref<1x80x128xi32, #tpu.memory_space<hbm>> -> memref<80x128xi32, #tpu.memory_space<hbm>>
      tpu.enqueue_dma source(%dma_start3A_41 : memref<80x128xi32, #tpu.memory_space<hbm>>) target(%dma_start3A_38 : memref<80x128xi32, #tpu.memory_space<vmem>>) target_semaphore(%run_scoped3A_30 : memref<!tpu.dma_semaphore, #tpu.memory_space<semaphore_mem>>)
      %dma_wait3A = arith.constant 400 : i32
      %dma_wait3A_42 = arith.constant 0 : i32
      %dma_wait3A_43 = tpu.memref_slice %arg7[%dma_wait3A, %dma_wait3A_42] : memref<480x128xi32, #tpu.memory_space<vmem>> -> memref<80x128xi32, #tpu.memory_space<vmem>>
      %dma_wait3A_44 = arith.constant 0 : i32
      %dma_wait3A_45 = tpu.memref_slice %arg3[%run_scoped3A_19, %mul3A_18, %dma_wait3A_44] : memref<3x2560x128xi32, #tpu.memory_space<hbm>> -> memref<1x80x128xi32, #tpu.memory_space<hbm>>
      %dma_wait3A_46 = tpu.memref_squeeze %dma_wait3A_45 : memref<1x80x128xi32, #tpu.memory_space<hbm>> -> memref<80x128xi32, #tpu.memory_space<hbm>>
      %dma_wait3A_47 = arith.constant 400 : i32
      %dma_wait3A_48 = arith.constant 0 : i32
      %dma_wait3A_49 = tpu.memref_slice %arg7[%dma_wait3A_47, %dma_wait3A_48] : memref<480x128xi32, #tpu.memory_space<vmem>> -> memref<80x128xi32, #tpu.memory_space<vmem>>
      %dma_wait3A_50 = arith.constant 0 : i32
      %dma_wait3A_51 = tpu.memref_slice %arg3[%run_scoped3A_19, %mul3A_18, %dma_wait3A_50] : memref<3x2560x128xi32, #tpu.memory_space<hbm>> -> memref<1x80x128xi32, #tpu.memory_space<hbm>>
      %dma_wait3A_52 = tpu.memref_squeeze %dma_wait3A_51 : memref<1x80x128xi32, #tpu.memory_space<hbm>> -> memref<80x128xi32, #tpu.memory_space<hbm>>
      tpu.wait_dma2 semaphore(%run_scoped3A_30 : memref<!tpu.dma_semaphore, #tpu.memory_space<semaphore_mem>>) src(%dma_wait3A_52 : memref<80x128xi32, #tpu.memory_space<hbm>>) dst(%dma_wait3A_49 : memref<80x128xi32, #tpu.memory_space<vmem>>)
      tpu.yield
    }) : () -> ()
    %barrier3A = arith.constant 0 : index
    tpu.barrier barrier_id(%barrier3A)
    %scan3A = arith.constant 0 : i32
    %scan3A_20 = arith.constant 0 : i32
    %scan3A_21 = arith.constant 480 : i32
    %scan3A_22 = arith.addi %scan3A_20, %scan3A_21 : i32
    %scan3A_23 = arith.constant 1 : i32
    scf.for %scan3A_30 = %scan3A_20 to %scan3A_22 step %scan3A_23  : i32 {
      "tpu.region"() ({
        %run_scoped3A_31 = tpu.sem_alloc : memref<!tpu.dma_semaphore, #tpu.memory_space<semaphore_mem>>
        %dma_start3A = arith.constant 0 : i32
        %dma_start3A_32 = tpu.memref_slice %arg7[%scan3A_30, %dma_start3A] : memref<480x128xi32, #tpu.memory_space<vmem>> -> memref<1x128xi32, #tpu.memory_space<vmem>>
        %dma_start3A_33 = tpu.memref_squeeze %dma_start3A_32 : memref<1x128xi32, #tpu.memory_space<vmem>> -> memref<128xi32, #tpu.memory_space<vmem>>
        %dma_start3A_34 = arith.constant 0 : i32
        %dma_start3A_35 = tpu.memref_slice %arg9[%dma_start3A_34] : memref<81920xf32, #tpu.memory_space<vmem_shared>> -> memref<81920xf32, #tpu.memory_space<vmem_shared>>
        tpu.enqueue_indirect_dma source(%arg8 : memref<128xf32, #tpu.memory_space<vmem>>) target(%dma_start3A_35 : memref<81920xf32, #tpu.memory_space<vmem_shared>>) offsets(%dma_start3A_33 : memref<128xi32, #tpu.memory_space<vmem>>) semaphore(%run_scoped3A_31 : memref<!tpu.dma_semaphore, #tpu.memory_space<semaphore_mem>>) {add = true}
        %dma_wait3A = arith.constant 0 : i32
        %dma_wait3A_36 = tpu.memref_slice %arg7[%scan3A_30, %dma_wait3A] : memref<480x128xi32, #tpu.memory_space<vmem>> -> memref<1x128xi32, #tpu.memory_space<vmem>>
        %dma_wait3A_37 = tpu.memref_squeeze %dma_wait3A_36 : memref<1x128xi32, #tpu.memory_space<vmem>> -> memref<128xi32, #tpu.memory_space<vmem>>
        %dma_wait3A_38 = arith.constant 0 : i32
        %dma_wait3A_39 = tpu.memref_slice %arg9[%dma_wait3A_38] : memref<81920xf32, #tpu.memory_space<vmem_shared>> -> memref<81920xf32, #tpu.memory_space<vmem_shared>>
        tpu.wait_indirect_dma semaphore(%run_scoped3A_31 : memref<!tpu.dma_semaphore, #tpu.memory_space<semaphore_mem>>) src(%arg8 : memref<128xf32, #tpu.memory_space<vmem>>) dst(%dma_wait3A_39 : memref<81920xf32, #tpu.memory_space<vmem_shared>>)
        tpu.yield
      }) : () -> ()
    }
    %scan3A_24 = arith.constant 480 : i32
    %barrier3A_25 = arith.constant 0 : index
    tpu.barrier barrier_id(%barrier3A_25)
    %mul3A_26 = arith.constant 5120 : i32
    %mul3A_27 = arith.muli %arg1, %mul3A_26 : i32
    %mul3A_28 = arith.constant 5120 : i32
    %mul3A_29 = arith.muli %arg1, %mul3A_28 : i32
    "tpu.region"() ({
      %run_scoped3A_30 = tpu.sem_alloc : memref<!tpu.dma_semaphore, #tpu.memory_space<semaphore_mem>>
      %dma_start3A = tpu.memref_slice %arg6[%arg0, %mul3A_29] : memref<2x81920xf32, #tpu.memory_space<hbm>> -> memref<1x5120xf32, #tpu.memory_space<hbm>>
      %dma_start3A_31 = tpu.memref_squeeze %dma_start3A : memref<1x5120xf32, #tpu.memory_space<hbm>> -> memref<5120xf32, #tpu.memory_space<hbm>>
      %dma_start3A_32 = tpu.memref_slice %arg9[%mul3A_27] : memref<81920xf32, #tpu.memory_space<vmem_shared>> -> memref<5120xf32, #tpu.memory_space<vmem_shared>>
      tpu.enqueue_dma source(%dma_start3A_32 : memref<5120xf32, #tpu.memory_space<vmem_shared>>) target(%dma_start3A_31 : memref<5120xf32, #tpu.memory_space<hbm>>) target_semaphore(%run_scoped3A_30 : memref<!tpu.dma_semaphore, #tpu.memory_space<semaphore_mem>>)
      %dma_wait3A = tpu.memref_slice %arg6[%arg0, %mul3A_29] : memref<2x81920xf32, #tpu.memory_space<hbm>> -> memref<1x5120xf32, #tpu.memory_space<hbm>>
      %dma_wait3A_33 = tpu.memref_squeeze %dma_wait3A : memref<1x5120xf32, #tpu.memory_space<hbm>> -> memref<5120xf32, #tpu.memory_space<hbm>>
      %dma_wait3A_34 = tpu.memref_slice %arg9[%mul3A_27] : memref<81920xf32, #tpu.memory_space<vmem_shared>> -> memref<5120xf32, #tpu.memory_space<vmem_shared>>
      tpu.wait_dma2 semaphore(%run_scoped3A_30 : memref<!tpu.dma_semaphore, #tpu.memory_space<semaphore_mem>>) src(%dma_wait3A_34 : memref<5120xf32, #tpu.memory_space<vmem_shared>>) dst(%dma_wait3A_33 : memref<5120xf32, #tpu.memory_space<hbm>>)
      tpu.yield
    }) : () -> ()
    return
  }
}

module attributes {stable_mosaic.version = 14 : i64} {
  func.func @_tc_prep_body(%arg0: i32, %arg1: memref<2x40960xi32, #tpu.memory_space<vmem>>, %arg2: memref<2x40960xi32, #tpu.memory_space<vmem>>, %arg3: memref<2x40960xi32, #tpu.memory_space<vmem>>, %arg4: memref<3x320x128xi32, #tpu.memory_space<vmem>>, %arg5: memref<3x320x128xi32, #tpu.memory_space<vmem>>, %arg6: memref<3x320x128xi32, #tpu.memory_space<vmem>>, %arg7: memref<3x320x128xi32, #tpu.memory_space<vmem>>) attributes {dimension_semantics = [#tpu.dimension_semantics<arbitrary>], iteration_bounds = array<i64: 8>, scalar_prefetch = 0 : i64, scratch_operands = 0 : i64, tpu.core_type = #tpu.core_type<tc>, window_params = [{transform_indices = @transform_0, window_bounds = array<i64: 2, 40960>}, {transform_indices = @transform_1, window_bounds = array<i64: 2, 40960>}, {transform_indices = @transform_2, window_bounds = array<i64: 2, 40960>}, {transform_indices = @transform_3, window_bounds = array<i64: 3, 320, 128>}, {transform_indices = @transform_4, window_bounds = array<i64: 3, 320, 128>}, {transform_indices = @transform_5, window_bounds = array<i64: 3, 320, 128>}, {transform_indices = @transform_6, window_bounds = array<i64: 3, 320, 128>}]} {
    %iota3A = tpu.iota {dimensions = array<i32: 2>} : vector<3x320x128xi32>
    %iota3A_0 = tpu.iota {dimensions = array<i32: 1>} : vector<3x320x128xi32>
    %iota3A_1 = tpu.iota {dimensions = array<i32: 0>} : vector<3x320x128xi32>
    %jit3A = arith.constant 128 : i32
    %eq3A = arith.constant 0 : i32
    %eq3A_2 = arith.cmpi eq, %jit3A, %eq3A : i32
    %jit3A_3 = arith.constant 1 : i32
    %select_n3A = arith.select %eq3A_2, %jit3A_3, %jit3A : i32
    %rem3A = vector.broadcast %select_n3A : i32 to vector<3x320x128xi32>
    %rem3A_4 = arith.remsi %iota3A, %rem3A : vector<3x320x128xi32>
    %ne3A = arith.constant 0 : i32
    %ne3A_5 = vector.broadcast %ne3A : i32 to vector<3x320x128xi32>
    %ne3A_6 = arith.cmpi ne, %rem3A_4, %ne3A_5 : vector<3x320x128xi32>
    %lt3A = arith.constant 0 : i32
    %lt3A_7 = vector.broadcast %lt3A : i32 to vector<3x320x128xi32>
    %lt3A_8 = arith.cmpi slt, %rem3A_4, %lt3A_7 : vector<3x320x128xi32>
    %lt3A_9 = arith.constant 0 : i32
    %lt3A_10 = arith.cmpi slt, %select_n3A, %lt3A_9 : i32
    %ne3A_11 = vector.broadcast %lt3A_10 : i1 to vector<3x320x128xi1>
    %ne3A_12 = vector.broadcast %ne3A_11 : vector<3x320x128xi1> to vector<3x320x128xi1>
    %ne3A_13 = arith.xori %lt3A_8, %ne3A_12 : vector<3x320x128xi1>
    %and3A = arith.andi %ne3A_13, %ne3A_6 : vector<3x320x128xi1>
    %add3A = vector.broadcast %select_n3A : i32 to vector<3x320x128xi32>
    %add3A_14 = arith.addi %rem3A_4, %add3A : vector<3x320x128xi32>
    %select_n3A_15 = arith.select %and3A, %add3A_14, %rem3A_4 : vector<3x320x128xi1>, vector<3x320x128xi32>
    %add3A_16 = arith.constant 10000 : i32
    %add3A_17 = vector.broadcast %add3A_16 : i32 to vector<3x320x128xi32>
    %add3A_18 = arith.addi %add3A_17, %select_n3A_15 : vector<3x320x128xi32>
    %mul3A = arith.constant 320 : i32
    %mul3A_19 = arith.muli %arg0, %mul3A : i32
    %add3A_20 = vector.broadcast %mul3A_19 : i32 to vector<3x320x128xi32>
    %add3A_21 = arith.addi %add3A_20, %iota3A_0 : vector<3x320x128xi32>
    %lt3A_22 = arith.constant 2500 : i32
    %lt3A_23 = vector.broadcast %lt3A_22 : i32 to vector<3x320x128xi32>
    %lt3A_24 = arith.cmpi slt, %add3A_21, %lt3A_23 : vector<3x320x128xi32>
    %get3A = arith.constant 0 : index
    %get3A_25 = arith.constant 0 : index
    %get3A_26 = vector.load %arg1[%get3A, %get3A_25] : memref<2x40960xi32, #tpu.memory_space<vmem>>, vector<1x40960xi32>
    %get3A_27 = vector.shape_cast %get3A_26 : vector<1x40960xi32> to vector<40960xi32>
    %reshape3A = vector.shape_cast %get3A_27 : vector<40960xi32> to vector<320x128xi32>
    %get3A_28 = arith.constant 0 : index
    %get3A_29 = arith.constant 0 : index
    %get3A_30 = vector.load %arg2[%get3A_28, %get3A_29] : memref<2x40960xi32, #tpu.memory_space<vmem>>, vector<1x40960xi32>
    %get3A_31 = vector.shape_cast %get3A_30 : vector<1x40960xi32> to vector<40960xi32>
    %reshape3A_32 = vector.shape_cast %get3A_31 : vector<40960xi32> to vector<320x128xi32>
    %get3A_33 = arith.constant 0 : index
    %get3A_34 = arith.constant 0 : index
    %get3A_35 = vector.load %arg3[%get3A_33, %get3A_34] : memref<2x40960xi32, #tpu.memory_space<vmem>>, vector<1x40960xi32>
    %get3A_36 = vector.shape_cast %get3A_35 : vector<1x40960xi32> to vector<40960xi32>
    %reshape3A_37 = vector.shape_cast %get3A_36 : vector<40960xi32> to vector<320x128xi32>
    %stack3A = vector.shape_cast %reshape3A : vector<320x128xi32> to vector<1x320x128xi32>
    %stack3A_38 = vector.shape_cast %reshape3A_32 : vector<320x128xi32> to vector<1x320x128xi32>
    %stack3A_39 = vector.shape_cast %reshape3A_37 : vector<320x128xi32> to vector<1x320x128xi32>
    %stack3A_40 = tpu.concatenate %stack3A, %stack3A_38, %stack3A_39 in 0 : vector<1x320x128xi32>, vector<1x320x128xi32>, vector<1x320x128xi32> -> vector<3x320x128xi32>
    %select_n3A_41 = arith.select %lt3A_24, %stack3A_40, %add3A_18 : vector<3x320x128xi1>, vector<3x320x128xi32>
    %get3A_42 = arith.constant 1 : index
    %get3A_43 = arith.constant 0 : index
    %get3A_44 = vector.load %arg1[%get3A_42, %get3A_43] : memref<2x40960xi32, #tpu.memory_space<vmem>>, vector<1x40960xi32>
    %get3A_45 = vector.shape_cast %get3A_44 : vector<1x40960xi32> to vector<40960xi32>
    %reshape3A_46 = vector.shape_cast %get3A_45 : vector<40960xi32> to vector<320x128xi32>
    %get3A_47 = arith.constant 1 : index
    %get3A_48 = arith.constant 0 : index
    %get3A_49 = vector.load %arg2[%get3A_47, %get3A_48] : memref<2x40960xi32, #tpu.memory_space<vmem>>, vector<1x40960xi32>
    %get3A_50 = vector.shape_cast %get3A_49 : vector<1x40960xi32> to vector<40960xi32>
    %reshape3A_51 = vector.shape_cast %get3A_50 : vector<40960xi32> to vector<320x128xi32>
    %get3A_52 = arith.constant 1 : index
    %get3A_53 = arith.constant 0 : index
    %get3A_54 = vector.load %arg3[%get3A_52, %get3A_53] : memref<2x40960xi32, #tpu.memory_space<vmem>>, vector<1x40960xi32>
    %get3A_55 = vector.shape_cast %get3A_54 : vector<1x40960xi32> to vector<40960xi32>
    %reshape3A_56 = vector.shape_cast %get3A_55 : vector<40960xi32> to vector<320x128xi32>
    %stack3A_57 = vector.shape_cast %reshape3A_46 : vector<320x128xi32> to vector<1x320x128xi32>
    %stack3A_58 = vector.shape_cast %reshape3A_51 : vector<320x128xi32> to vector<1x320x128xi32>
    %stack3A_59 = vector.shape_cast %reshape3A_56 : vector<320x128xi32> to vector<1x320x128xi32>
    %stack3A_60 = tpu.concatenate %stack3A_57, %stack3A_58, %stack3A_59 in 0 : vector<1x320x128xi32>, vector<1x320x128xi32>, vector<1x320x128xi32> -> vector<3x320x128xi32>
    %select_n3A_61 = arith.select %lt3A_24, %stack3A_60, %add3A_18 : vector<3x320x128xi1>, vector<3x320x128xi32>
    %swap3A = arith.constant 0 : index
    %swap3A_62 = arith.constant 0 : index
    %swap3A_63 = arith.constant 0 : index
    %swap3A_64 = vector.load %arg4[%swap3A, %swap3A_62, %swap3A_63] : memref<3x320x128xi32, #tpu.memory_space<vmem>>, vector<3x320x128xi32>
    tpu.vector_store %arg4[%swap3A, %swap3A_62, %swap3A_63], %select_n3A_41 {strides = array<i32>} : memref<3x320x128xi32, #tpu.memory_space<vmem>>, vector<3x320x128xi32>,
    %swap3A_65 = arith.constant 0 : index
    %swap3A_66 = arith.constant 0 : index
    %swap3A_67 = arith.constant 0 : index
    %swap3A_68 = vector.load %arg5[%swap3A_65, %swap3A_66, %swap3A_67] : memref<3x320x128xi32, #tpu.memory_space<vmem>>, vector<3x320x128xi32>
    tpu.vector_store %arg5[%swap3A_65, %swap3A_66, %swap3A_67], %select_n3A_61 {strides = array<i32>} : memref<3x320x128xi32, #tpu.memory_space<vmem>>, vector<3x320x128xi32>,
    %mul3A_69 = arith.constant 10240 : i32
    %mul3A_70 = vector.broadcast %mul3A_69 : i32 to vector<3x320x128xi32>
    %mul3A_71 = arith.muli %iota3A_1, %mul3A_70 : vector<3x320x128xi32>
    %add3A_72 = arith.addi %select_n3A_41, %mul3A_71 : vector<3x320x128xi32>
    %swap3A_73 = arith.constant 0 : index
    %swap3A_74 = arith.constant 0 : index
    %swap3A_75 = arith.constant 0 : index
    %swap3A_76 = vector.load %arg6[%swap3A_73, %swap3A_74, %swap3A_75] : memref<3x320x128xi32, #tpu.memory_space<vmem>>, vector<3x320x128xi32>
    tpu.vector_store %arg6[%swap3A_73, %swap3A_74, %swap3A_75], %add3A_72 {strides = array<i32>} : memref<3x320x128xi32, #tpu.memory_space<vmem>>, vector<3x320x128xi32>,
    %add3A_77 = arith.constant 3 : i32
    %add3A_78 = vector.broadcast %add3A_77 : i32 to vector<3x320x128xi32>
    %add3A_79 = arith.addi %add3A_78, %iota3A_1 : vector<3x320x128xi32>
    %mul3A_80 = arith.constant 10240 : i32
    %mul3A_81 = vector.broadcast %mul3A_80 : i32 to vector<3x320x128xi32>
    %mul3A_82 = arith.muli %add3A_79, %mul3A_81 : vector<3x320x128xi32>
    %add3A_83 = arith.addi %select_n3A_61, %mul3A_82 : vector<3x320x128xi32>
    %swap3A_84 = arith.constant 0 : index
    %swap3A_85 = arith.constant 0 : index
    %swap3A_86 = arith.constant 0 : index
    %swap3A_87 = vector.load %arg7[%swap3A_84, %swap3A_85, %swap3A_86] : memref<3x320x128xi32, #tpu.memory_space<vmem>>, vector<3x320x128xi32>
    tpu.vector_store %arg7[%swap3A_84, %swap3A_85, %swap3A_86], %add3A_83 {strides = array<i32>} : memref<3x320x128xi32, #tpu.memory_space<vmem>>, vector<3x320x128xi32>,
    return
  }
  func.func @transform_0(%arg0: i32) -> (i32, i32) {
    %c0_i32 = arith.constant 0 : i32
    %c0_i32_0 = arith.constant 0 : i32
    return %c0_i32, %arg0 : i32, i32
  }
  func.func @transform_1(%arg0: i32) -> (i32, i32) {
    %c0_i32 = arith.constant 0 : i32
    %c0_i32_0 = arith.constant 0 : i32
    return %c0_i32, %arg0 : i32, i32
  }
  func.func @transform_2(%arg0: i32) -> (i32, i32) {
    %c0_i32 = arith.constant 0 : i32
    %c0_i32_0 = arith.constant 0 : i32
    return %c0_i32, %arg0 : i32, i32
  }
  func.func @transform_3(%arg0: i32) -> (i32, i32, i32) {
    %c0_i32 = arith.constant 0 : i32
    %c0_i32_0 = arith.constant 0 : i32
    %c0_i32_1 = arith.constant 0 : i32
    return %c0_i32, %arg0, %c0_i32_0 : i32, i32, i32
  }
  func.func @transform_4(%arg0: i32) -> (i32, i32, i32) {
    %c0_i32 = arith.constant 0 : i32
    %c0_i32_0 = arith.constant 0 : i32
    %c0_i32_1 = arith.constant 0 : i32
    return %c0_i32, %arg0, %c0_i32_0 : i32, i32, i32
  }
  func.func @transform_5(%arg0: i32) -> (i32, i32, i32) {
    %c0_i32 = arith.constant 0 : i32
    %c0_i32_0 = arith.constant 0 : i32
    %c0_i32_1 = arith.constant 0 : i32
    return %c0_i32, %arg0, %c0_i32_0 : i32, i32, i32
  }
  func.func @transform_6(%arg0: i32) -> (i32, i32, i32) {
    %c0_i32 = arith.constant 0 : i32
    %c0_i32_0 = arith.constant 0 : i32
    %c0_i32_1 = arith.constant 0 : i32
    return %c0_i32, %arg0, %c0_i32_0 : i32, i32, i32
  }
}

module attributes {stable_mosaic.version = 14 : i64} {
  func.func @_tc_norm_body(%arg0: i32, %arg1: memref<512x128xf32, #tpu.memory_space<vmem>>, %arg2: memref<2x8x512xf32, #tpu.memory_space<vmem>>, %arg3: memref<512x128xf32, #tpu.memory_space<vmem>>, %arg4: memref<512x128xf32, #tpu.memory_space<vmem>>, %arg5: memref<512x128xf32, #tpu.memory_space<vmem>>, %arg6: memref<8x512xf32, #tpu.memory_space<vmem>>) attributes {dimension_semantics = [#tpu.dimension_semantics<arbitrary>], iteration_bounds = array<i64: 20>, scalar_prefetch = 0 : i64, scratch_operands = 0 : i64, tpu.core_type = #tpu.core_type<tc>, window_params = [{transform_indices = @transform_0, window_bounds = array<i64: 512, 128>}, {transform_indices = @transform_1, window_bounds = array<i64: 2, 8, 512>}, {transform_indices = @transform_2, window_bounds = array<i64: 512, 128>}, {transform_indices = @transform_3, window_bounds = array<i64: 512, 128>}, {transform_indices = @transform_4, window_bounds = array<i64: 512, 128>}, {transform_indices = @transform_5, window_bounds = array<i64: 8, 512>}]} {
    %get3A = arith.constant 0 : index
    %get3A_0 = arith.constant 0 : index
    %get3A_1 = arith.constant 0 : index
    %get3A_2 = vector.load %arg2[%get3A, %get3A_0, %get3A_1] : memref<2x8x512xf32, #tpu.memory_space<vmem>>, vector<1x8x512xf32>
    %get3A_3 = vector.shape_cast %get3A_2 : vector<1x8x512xf32> to vector<8x512xf32>
    %get3A_4 = arith.constant 1 : index
    %get3A_5 = arith.constant 0 : index
    %get3A_6 = arith.constant 0 : index
    %get3A_7 = vector.load %arg2[%get3A_4, %get3A_5, %get3A_6] : memref<2x8x512xf32, #tpu.memory_space<vmem>>, vector<1x8x512xf32>
    %get3A_8 = vector.shape_cast %get3A_7 : vector<1x8x512xf32> to vector<8x512xf32>
    %add3A = arith.addf %get3A_3, %get3A_8 : vector<8x512xf32>
    %max3A = arith.constant 1.000000e+00 : f32
    %max3A_9 = vector.broadcast %max3A : f32 to vector<8x512xf32>
    %max3A_10 = arith.maximumf %add3A, %max3A_9 : vector<8x512xf32>
    %rsqrt3A = math.rsqrt %max3A_10 : vector<8x512xf32>
    %swap3A = arith.constant 0 : index
    %swap3A_11 = arith.constant 0 : index
    %swap3A_12 = vector.load %arg6[%swap3A, %swap3A_11] : memref<8x512xf32, #tpu.memory_space<vmem>>, vector<8x512xf32>
    tpu.vector_store %arg6[%swap3A, %swap3A_11], %rsqrt3A {strides = array<i32>} : memref<8x512xf32, #tpu.memory_space<vmem>>, vector<8x512xf32>,
    %get3A_13 = arith.constant 0 : index
    %get3A_14 = arith.constant 0 : index
    %get3A_15 = vector.load %arg1[%get3A_13, %get3A_14] : memref<512x128xf32, #tpu.memory_space<vmem>>, vector<512x128xf32>
    %slice3A = vector.extract_strided_slice %rsqrt3A {offsets = [0, 0], sizes = [1, 512], strides = [1, 1]} : vector<8x512xf32> to vector<1x512xf32>
    %squeeze3A = vector.shape_cast %slice3A : vector<1x512xf32> to vector<512xf32>
    %broadcast_in_dim3A = vector.shape_cast %squeeze3A : vector<512xf32> to vector<512x1xf32>
    %mul3A = vector.broadcast %broadcast_in_dim3A : vector<512x1xf32> to vector<512x128xf32>
    %mul3A_16 = arith.mulf %get3A_15, %mul3A : vector<512x128xf32>
    %swap3A_17 = arith.constant 0 : index
    %swap3A_18 = arith.constant 0 : index
    %swap3A_19 = vector.load %arg3[%swap3A_17, %swap3A_18] : memref<512x128xf32, #tpu.memory_space<vmem>>, vector<512x128xf32>
    tpu.vector_store %arg3[%swap3A_17, %swap3A_18], %mul3A_16 {strides = array<i32>} : memref<512x128xf32, #tpu.memory_space<vmem>>, vector<512x128xf32>,
    %slice3A_20 = vector.extract_strided_slice %rsqrt3A {offsets = [1, 0], sizes = [1, 512], strides = [1, 1]} : vector<8x512xf32> to vector<1x512xf32>
    %squeeze3A_21 = vector.shape_cast %slice3A_20 : vector<1x512xf32> to vector<512xf32>
    %broadcast_in_dim3A_22 = vector.shape_cast %squeeze3A_21 : vector<512xf32> to vector<512x1xf32>
    %mul3A_23 = vector.broadcast %broadcast_in_dim3A_22 : vector<512x1xf32> to vector<512x128xf32>
    %mul3A_24 = arith.mulf %get3A_15, %mul3A_23 : vector<512x128xf32>
    %swap3A_25 = arith.constant 0 : index
    %swap3A_26 = arith.constant 0 : index
    %swap3A_27 = vector.load %arg4[%swap3A_25, %swap3A_26] : memref<512x128xf32, #tpu.memory_space<vmem>>, vector<512x128xf32>
    tpu.vector_store %arg4[%swap3A_25, %swap3A_26], %mul3A_24 {strides = array<i32>} : memref<512x128xf32, #tpu.memory_space<vmem>>, vector<512x128xf32>,
    %slice3A_28 = vector.extract_strided_slice %rsqrt3A {offsets = [2, 0], sizes = [1, 512], strides = [1, 1]} : vector<8x512xf32> to vector<1x512xf32>
    %squeeze3A_29 = vector.shape_cast %slice3A_28 : vector<1x512xf32> to vector<512xf32>
    %broadcast_in_dim3A_30 = vector.shape_cast %squeeze3A_29 : vector<512xf32> to vector<512x1xf32>
    %mul3A_31 = vector.broadcast %broadcast_in_dim3A_30 : vector<512x1xf32> to vector<512x128xf32>
    %mul3A_32 = arith.mulf %get3A_15, %mul3A_31 : vector<512x128xf32>
    %swap3A_33 = arith.constant 0 : index
    %swap3A_34 = arith.constant 0 : index
    %swap3A_35 = vector.load %arg5[%swap3A_33, %swap3A_34] : memref<512x128xf32, #tpu.memory_space<vmem>>, vector<512x128xf32>
    tpu.vector_store %arg5[%swap3A_33, %swap3A_34], %mul3A_32 {strides = array<i32>} : memref<512x128xf32, #tpu.memory_space<vmem>>, vector<512x128xf32>,
    return
  }
  func.func @transform_0(%arg0: i32) -> (i32, i32) {
    %c0_i32 = arith.constant 0 : i32
    %c0_i32_0 = arith.constant 0 : i32
    return %arg0, %c0_i32 : i32, i32
  }
  func.func @transform_1(%arg0: i32) -> (i32, i32, i32) {
    %c0_i32 = arith.constant 0 : i32
    %c0_i32_0 = arith.constant 0 : i32
    %c0_i32_1 = arith.constant 0 : i32
    return %c0_i32, %c0_i32_0, %arg0 : i32, i32, i32
  }
  func.func @transform_2(%arg0: i32) -> (i32, i32) {
    %c0_i32 = arith.constant 0 : i32
    %c0_i32_0 = arith.constant 0 : i32
    return %arg0, %c0_i32 : i32, i32
  }
  func.func @transform_3(%arg0: i32) -> (i32, i32) {
    %c0_i32 = arith.constant 0 : i32
    %c0_i32_0 = arith.constant 0 : i32
    return %arg0, %c0_i32 : i32, i32
  }
  func.func @transform_4(%arg0: i32) -> (i32, i32) {
    %c0_i32 = arith.constant 0 : i32
    %c0_i32_0 = arith.constant 0 : i32
    return %arg0, %c0_i32 : i32, i32
  }
  func.func @transform_5(%arg0: i32) -> (i32, i32) {
    %c0_i32 = arith.constant 0 : i32
    %c0_i32_0 = arith.constant 0 : i32
    return %c0_i32, %arg0 : i32, i32
  }
}

module attributes {stable_mosaic.version = 14 : i64} {
  func.func @_tc_final_body(%arg0: i32, %arg1: memref<2x3x512x128xf32, #tpu.memory_space<vmem>>, %arg2: memref<8x512xf32, #tpu.memory_space<vmem>>, %arg3: memref<3x128x128xf32, #tpu.memory_space<vmem>>, %arg4: memref<3x128xf32, #tpu.memory_space<vmem>>, %arg5: memref<128x128xf32, #tpu.memory_space<vmem>>, %arg6: memref<1x128xf32, #tpu.memory_space<vmem>>, %arg7: memref<1x128xf32, #tpu.memory_space<vmem>>, %arg8: memref<512x128xf32, #tpu.memory_space<vmem>>) attributes {dimension_semantics = [#tpu.dimension_semantics<arbitrary>], iteration_bounds = array<i64: 20>, scalar_prefetch = 0 : i64, scratch_operands = 0 : i64, tpu.core_type = #tpu.core_type<tc>, window_params = [{transform_indices = @transform_0, window_bounds = array<i64: 2, 3, 512, 128>}, {transform_indices = @transform_1, window_bounds = array<i64: 8, 512>}, {pipeline_mode = #tpu.pipeline_mode<synchronous>, transform_indices = @transform_2, window_bounds = array<i64: 3, 128, 128>}, {pipeline_mode = #tpu.pipeline_mode<synchronous>, transform_indices = @transform_3, window_bounds = array<i64: 3, 128>}, {pipeline_mode = #tpu.pipeline_mode<synchronous>, transform_indices = @transform_4, window_bounds = array<i64: 128, 128>}, {pipeline_mode = #tpu.pipeline_mode<synchronous>, transform_indices = @transform_5, window_bounds = array<i64: 1, 128>}, {pipeline_mode = #tpu.pipeline_mode<synchronous>, transform_indices = @transform_6, window_bounds = array<i64: 1, 128>}, {transform_indices = @transform_7, window_bounds = array<i64: 512, 128>}]} {
    %get3A = arith.constant 0 : index
    %get3A_0 = arith.constant 0 : index
    %get3A_1 = arith.constant 0 : index
    %get3A_2 = arith.constant 0 : index
    %get3A_3 = vector.load %arg1[%get3A, %get3A_0, %get3A_1, %get3A_2] : memref<2x3x512x128xf32, #tpu.memory_space<vmem>>, vector<1x3x512x128xf32>
    %get3A_4 = vector.shape_cast %get3A_3 : vector<1x3x512x128xf32> to vector<3x512x128xf32>
    %get3A_5 = arith.constant 1 : index
    %get3A_6 = arith.constant 0 : index
    %get3A_7 = arith.constant 0 : index
    %get3A_8 = arith.constant 0 : index
    %get3A_9 = vector.load %arg1[%get3A_5, %get3A_6, %get3A_7, %get3A_8] : memref<2x3x512x128xf32, #tpu.memory_space<vmem>>, vector<1x3x512x128xf32>
    %get3A_10 = vector.shape_cast %get3A_9 : vector<1x3x512x128xf32> to vector<3x512x128xf32>
    %add3A = arith.addf %get3A_4, %get3A_10 : vector<3x512x128xf32>
    %get3A_11 = arith.constant 0 : index
    %get3A_12 = arith.constant 0 : index
    %get3A_13 = vector.load %arg2[%get3A_11, %get3A_12] : memref<8x512xf32, #tpu.memory_space<vmem>>, vector<8x512xf32>
    %get3A_14 = arith.constant 0 : index
    %get3A_15 = arith.constant 0 : index
    %get3A_16 = vector.load %arg5[%get3A_14, %get3A_15] : memref<128x128xf32, #tpu.memory_space<vmem>>, vector<128x128xf32>
    %get3A_17 = arith.constant 0 : index
    %get3A_18 = arith.constant 0 : index
    %get3A_19 = vector.load %arg6[%get3A_17, %get3A_18] : memref<1x128xf32, #tpu.memory_space<vmem>>, vector<1x128xf32>
    %get3A_20 = arith.constant 0 : index
    %get3A_21 = arith.constant 0 : index
    %get3A_22 = vector.load %arg7[%get3A_20, %get3A_21] : memref<1x128xf32, #tpu.memory_space<vmem>>, vector<1x128xf32>
    %slice3A = vector.extract_strided_slice %add3A {offsets = [0, 0, 0], sizes = [1, 512, 128], strides = [1, 1, 1]} : vector<3x512x128xf32> to vector<1x512x128xf32>
    %squeeze3A = vector.shape_cast %slice3A : vector<1x512x128xf32> to vector<512x128xf32>
    %get3A_23 = arith.constant 0 : index
    %get3A_24 = arith.constant 0 : index
    %get3A_25 = arith.constant 0 : index
    %get3A_26 = vector.load %arg3[%get3A_23, %get3A_24, %get3A_25] : memref<3x128x128xf32, #tpu.memory_space<vmem>>, vector<1x128x128xf32>
    %get3A_27 = vector.shape_cast %get3A_26 : vector<1x128x128xf32> to vector<128x128xf32>
    %dot_general3A = arith.constant dense<0.000000e+00> : vector<512x128xf32>
    %dot_general3A_28 = tpu.matmul %squeeze3A, %get3A_27, %dot_general3A {dimension_numbers = #tpu.dot_dimension_numbers<[1], [0], [0], [1], [0, 0, 1, 1], [], []>, transpose_lhs_hint = false} : vector<512x128xf32>, vector<128x128xf32>, vector<512x128xf32> -> vector<512x128xf32>
    %slice3A_29 = vector.extract_strided_slice %get3A_13 {offsets = [3, 0], sizes = [1, 512], strides = [1, 1]} : vector<8x512xf32> to vector<1x512xf32>
    %squeeze3A_30 = vector.shape_cast %slice3A_29 : vector<1x512xf32> to vector<512xf32>
    %broadcast_in_dim3A = vector.shape_cast %squeeze3A_30 : vector<512xf32> to vector<512x1xf32>
    %mul3A = vector.broadcast %broadcast_in_dim3A : vector<512x1xf32> to vector<512x128xf32>
    %mul3A_31 = arith.mulf %dot_general3A_28, %mul3A : vector<512x128xf32>
    %get3A_32 = arith.constant 0 : index
    %get3A_33 = arith.constant 0 : index
    %get3A_34 = vector.load %arg4[%get3A_32, %get3A_33] : memref<3x128xf32, #tpu.memory_space<vmem>>, vector<1x128xf32>
    %get3A_35 = vector.shape_cast %get3A_34 : vector<1x128xf32> to vector<128xf32>
    %broadcast_in_dim3A_36 = vector.shape_cast %get3A_35 : vector<128xf32> to vector<1x128xf32>
    %add3A_37 = vector.broadcast %broadcast_in_dim3A_36 : vector<1x128xf32> to vector<512x128xf32>
    %add3A_38 = arith.addf %mul3A_31, %add3A_37 : vector<512x128xf32>
    %dot_general3A_39 = arith.constant dense<0.000000e+00> : vector<512x128xf32>
    %dot_general3A_40 = tpu.matmul %add3A_38, %get3A_16, %dot_general3A_39 {dimension_numbers = #tpu.dot_dimension_numbers<[1], [0], [0], [1], [0, 0, 1, 1], [], []>, transpose_lhs_hint = false} : vector<512x128xf32>, vector<128x128xf32>, vector<512x128xf32> -> vector<512x128xf32>
    %add3A_41 = vector.broadcast %get3A_19 : vector<1x128xf32> to vector<512x128xf32>
    %add3A_42 = arith.addf %dot_general3A_40, %add3A_41 : vector<512x128xf32>
    %tanh3A = math.tanh %add3A_42 : vector<512x128xf32>
    %mul3A_43 = vector.broadcast %get3A_22 : vector<1x128xf32> to vector<512x128xf32>
    %mul3A_44 = arith.mulf %tanh3A, %mul3A_43 : vector<512x128xf32>
    %reduce_sum3A = arith.constant dense<0.000000e+00> : vector<512xf32>
    %reduce_sum3A_45 = vector.multi_reduction <add>, %mul3A_44, %reduce_sum3A [1] : vector<512x128xf32> to vector<512xf32>
    %slice3A_46 = vector.extract_strided_slice %add3A {offsets = [1, 0, 0], sizes = [1, 512, 128], strides = [1, 1, 1]} : vector<3x512x128xf32> to vector<1x512x128xf32>
    %squeeze3A_47 = vector.shape_cast %slice3A_46 : vector<1x512x128xf32> to vector<512x128xf32>
    %get3A_48 = arith.constant 1 : index
    %get3A_49 = arith.constant 0 : index
    %get3A_50 = arith.constant 0 : index
    %get3A_51 = vector.load %arg3[%get3A_48, %get3A_49, %get3A_50] : memref<3x128x128xf32, #tpu.memory_space<vmem>>, vector<1x128x128xf32>
    %get3A_52 = vector.shape_cast %get3A_51 : vector<1x128x128xf32> to vector<128x128xf32>
    %dot_general3A_53 = arith.constant dense<0.000000e+00> : vector<512x128xf32>
    %dot_general3A_54 = tpu.matmul %squeeze3A_47, %get3A_52, %dot_general3A_53 {dimension_numbers = #tpu.dot_dimension_numbers<[1], [0], [0], [1], [0, 0, 1, 1], [], []>, transpose_lhs_hint = false} : vector<512x128xf32>, vector<128x128xf32>, vector<512x128xf32> -> vector<512x128xf32>
    %slice3A_55 = vector.extract_strided_slice %get3A_13 {offsets = [4, 0], sizes = [1, 512], strides = [1, 1]} : vector<8x512xf32> to vector<1x512xf32>
    %squeeze3A_56 = vector.shape_cast %slice3A_55 : vector<1x512xf32> to vector<512xf32>
    %broadcast_in_dim3A_57 = vector.shape_cast %squeeze3A_56 : vector<512xf32> to vector<512x1xf32>
    %mul3A_58 = vector.broadcast %broadcast_in_dim3A_57 : vector<512x1xf32> to vector<512x128xf32>
    %mul3A_59 = arith.mulf %dot_general3A_54, %mul3A_58 : vector<512x128xf32>
    %get3A_60 = arith.constant 1 : index
    %get3A_61 = arith.constant 0 : index
    %get3A_62 = vector.load %arg4[%get3A_60, %get3A_61] : memref<3x128xf32, #tpu.memory_space<vmem>>, vector<1x128xf32>
    %get3A_63 = vector.shape_cast %get3A_62 : vector<1x128xf32> to vector<128xf32>
    %broadcast_in_dim3A_64 = vector.shape_cast %get3A_63 : vector<128xf32> to vector<1x128xf32>
    %add3A_65 = vector.broadcast %broadcast_in_dim3A_64 : vector<1x128xf32> to vector<512x128xf32>
    %add3A_66 = arith.addf %mul3A_59, %add3A_65 : vector<512x128xf32>
    %dot_general3A_67 = arith.constant dense<0.000000e+00> : vector<512x128xf32>
    %dot_general3A_68 = tpu.matmul %add3A_66, %get3A_16, %dot_general3A_67 {dimension_numbers = #tpu.dot_dimension_numbers<[1], [0], [0], [1], [0, 0, 1, 1], [], []>, transpose_lhs_hint = false} : vector<512x128xf32>, vector<128x128xf32>, vector<512x128xf32> -> vector<512x128xf32>
    %add3A_69 = vector.broadcast %get3A_19 : vector<1x128xf32> to vector<512x128xf32>
    %add3A_70 = arith.addf %dot_general3A_68, %add3A_69 : vector<512x128xf32>
    %tanh3A_71 = math.tanh %add3A_70 : vector<512x128xf32>
    %mul3A_72 = vector.broadcast %get3A_22 : vector<1x128xf32> to vector<512x128xf32>
    %mul3A_73 = arith.mulf %tanh3A_71, %mul3A_72 : vector<512x128xf32>
    %reduce_sum3A_74 = arith.constant dense<0.000000e+00> : vector<512xf32>
    %reduce_sum3A_75 = vector.multi_reduction <add>, %mul3A_73, %reduce_sum3A_74 [1] : vector<512x128xf32> to vector<512xf32>
    %slice3A_76 = vector.extract_strided_slice %add3A {offsets = [2, 0, 0], sizes = [1, 512, 128], strides = [1, 1, 1]} : vector<3x512x128xf32> to vector<1x512x128xf32>
    %squeeze3A_77 = vector.shape_cast %slice3A_76 : vector<1x512x128xf32> to vector<512x128xf32>
    %get3A_78 = arith.constant 2 : index
    %get3A_79 = arith.constant 0 : index
    %get3A_80 = arith.constant 0 : index
    %get3A_81 = vector.load %arg3[%get3A_78, %get3A_79, %get3A_80] : memref<3x128x128xf32, #tpu.memory_space<vmem>>, vector<1x128x128xf32>
    %get3A_82 = vector.shape_cast %get3A_81 : vector<1x128x128xf32> to vector<128x128xf32>
    %dot_general3A_83 = arith.constant dense<0.000000e+00> : vector<512x128xf32>
    %dot_general3A_84 = tpu.matmul %squeeze3A_77, %get3A_82, %dot_general3A_83 {dimension_numbers = #tpu.dot_dimension_numbers<[1], [0], [0], [1], [0, 0, 1, 1], [], []>, transpose_lhs_hint = false} : vector<512x128xf32>, vector<128x128xf32>, vector<512x128xf32> -> vector<512x128xf32>
    %slice3A_85 = vector.extract_strided_slice %get3A_13 {offsets = [5, 0], sizes = [1, 512], strides = [1, 1]} : vector<8x512xf32> to vector<1x512xf32>
    %squeeze3A_86 = vector.shape_cast %slice3A_85 : vector<1x512xf32> to vector<512xf32>
    %broadcast_in_dim3A_87 = vector.shape_cast %squeeze3A_86 : vector<512xf32> to vector<512x1xf32>
    %mul3A_88 = vector.broadcast %broadcast_in_dim3A_87 : vector<512x1xf32> to vector<512x128xf32>
    %mul3A_89 = arith.mulf %dot_general3A_84, %mul3A_88 : vector<512x128xf32>
    %get3A_90 = arith.constant 2 : index
    %get3A_91 = arith.constant 0 : index
    %get3A_92 = vector.load %arg4[%get3A_90, %get3A_91] : memref<3x128xf32, #tpu.memory_space<vmem>>, vector<1x128xf32>
    %get3A_93 = vector.shape_cast %get3A_92 : vector<1x128xf32> to vector<128xf32>
    %broadcast_in_dim3A_94 = vector.shape_cast %get3A_93 : vector<128xf32> to vector<1x128xf32>
    %add3A_95 = vector.broadcast %broadcast_in_dim3A_94 : vector<1x128xf32> to vector<512x128xf32>
    %add3A_96 = arith.addf %mul3A_89, %add3A_95 : vector<512x128xf32>
    %dot_general3A_97 = arith.constant dense<0.000000e+00> : vector<512x128xf32>
    %dot_general3A_98 = tpu.matmul %add3A_96, %get3A_16, %dot_general3A_97 {dimension_numbers = #tpu.dot_dimension_numbers<[1], [0], [0], [1], [0, 0, 1, 1], [], []>, transpose_lhs_hint = false} : vector<512x128xf32>, vector<128x128xf32>, vector<512x128xf32> -> vector<512x128xf32>
    %add3A_99 = vector.broadcast %get3A_19 : vector<1x128xf32> to vector<512x128xf32>
    %add3A_100 = arith.addf %dot_general3A_98, %add3A_99 : vector<512x128xf32>
    %tanh3A_101 = math.tanh %add3A_100 : vector<512x128xf32>
    %mul3A_102 = vector.broadcast %get3A_22 : vector<1x128xf32> to vector<512x128xf32>
    %mul3A_103 = arith.mulf %tanh3A_101, %mul3A_102 : vector<512x128xf32>
    %reduce_sum3A_104 = arith.constant dense<0.000000e+00> : vector<512xf32>
    %reduce_sum3A_105 = vector.multi_reduction <add>, %mul3A_103, %reduce_sum3A_104 [1] : vector<512x128xf32> to vector<512xf32>
    %max3A = arith.maximumf %reduce_sum3A_45, %reduce_sum3A_75 : vector<512xf32>
    %max3A_106 = arith.maximumf %max3A, %reduce_sum3A_105 : vector<512xf32>
    %sub3A = arith.subf %reduce_sum3A_45, %max3A_106 : vector<512xf32>
    %exp3A = math.exp %sub3A : vector<512xf32>
    %sub3A_107 = arith.subf %reduce_sum3A_75, %max3A_106 : vector<512xf32>
    %exp3A_108 = math.exp %sub3A_107 : vector<512xf32>
    %sub3A_109 = arith.subf %reduce_sum3A_105, %max3A_106 : vector<512xf32>
    %exp3A_110 = math.exp %sub3A_109 : vector<512xf32>
    %add3A_111 = arith.addf %exp3A, %exp3A_108 : vector<512xf32>
    %add3A_112 = arith.addf %add3A_111, %exp3A_110 : vector<512xf32>
    %broadcast_in_dim3A_113 = vector.shape_cast %exp3A : vector<512xf32> to vector<512x1xf32>
    %mul3A_114 = vector.broadcast %broadcast_in_dim3A_113 : vector<512x1xf32> to vector<512x128xf32>
    %mul3A_115 = arith.mulf %add3A_38, %mul3A_114 : vector<512x128xf32>
    %broadcast_in_dim3A_116 = vector.shape_cast %exp3A_108 : vector<512xf32> to vector<512x1xf32>
    %mul3A_117 = vector.broadcast %broadcast_in_dim3A_116 : vector<512x1xf32> to vector<512x128xf32>
    %mul3A_118 = arith.mulf %add3A_66, %mul3A_117 : vector<512x128xf32>
    %add3A_119 = arith.addf %mul3A_115, %mul3A_118 : vector<512x128xf32>
    %broadcast_in_dim3A_120 = vector.shape_cast %exp3A_110 : vector<512xf32> to vector<512x1xf32>
    %mul3A_121 = vector.broadcast %broadcast_in_dim3A_120 : vector<512x1xf32> to vector<512x128xf32>
    %mul3A_122 = arith.mulf %add3A_96, %mul3A_121 : vector<512x128xf32>
    %add3A_123 = arith.addf %add3A_119, %mul3A_122 : vector<512x128xf32>
    %broadcast_in_dim3A_124 = vector.shape_cast %add3A_112 : vector<512xf32> to vector<512x1xf32>
    %div3A = vector.broadcast %broadcast_in_dim3A_124 : vector<512x1xf32> to vector<512x128xf32>
    %div3A_125 = arith.divf %add3A_123, %div3A : vector<512x128xf32>
    %swap3A = arith.constant 0 : index
    %swap3A_126 = arith.constant 0 : index
    %swap3A_127 = vector.load %arg8[%swap3A, %swap3A_126] : memref<512x128xf32, #tpu.memory_space<vmem>>, vector<512x128xf32>
    tpu.vector_store %arg8[%swap3A, %swap3A_126], %div3A_125 {strides = array<i32>} : memref<512x128xf32, #tpu.memory_space<vmem>>, vector<512x128xf32>,
    return
  }
  func.func @transform_0(%arg0: i32) -> (i32, i32, i32, i32) {
    %c0_i32 = arith.constant 0 : i32
    %c0_i32_0 = arith.constant 0 : i32
    %c0_i32_1 = arith.constant 0 : i32
    %c0_i32_2 = arith.constant 0 : i32
    return %c0_i32, %c0_i32_0, %arg0, %c0_i32_1 : i32, i32, i32, i32
  }
  func.func @transform_1(%arg0: i32) -> (i32, i32) {
    %c0_i32 = arith.constant 0 : i32
    %c0_i32_0 = arith.constant 0 : i32
    return %c0_i32, %arg0 : i32, i32
  }
  func.func @transform_2(%arg0: i32) -> (i32, i32, i32) {
    %c0_i32 = arith.constant 0 : i32
    %c0_i32_0 = arith.constant 0 : i32
    %c0_i32_1 = arith.constant 0 : i32
    %c0_i32_2 = arith.constant 0 : i32
    return %c0_i32, %c0_i32_0, %c0_i32_1 : i32, i32, i32
  }
  func.func @transform_3(%arg0: i32) -> (i32, i32) {
    %c0_i32 = arith.constant 0 : i32
    %c0_i32_0 = arith.constant 0 : i32
    %c0_i32_1 = arith.constant 0 : i32
    return %c0_i32, %c0_i32_0 : i32, i32
  }
  func.func @transform_4(%arg0: i32) -> (i32, i32) {
    %c0_i32 = arith.constant 0 : i32
    %c0_i32_0 = arith.constant 0 : i32
    %c0_i32_1 = arith.constant 0 : i32
    return %c0_i32, %c0_i32_0 : i32, i32
  }
  func.func @transform_5(%arg0: i32) -> (i32, i32) {
    %c0_i32 = arith.constant 0 : i32
    %c0_i32_0 = arith.constant 0 : i32
    %c0_i32_1 = arith.constant 0 : i32
    return %c0_i32, %c0_i32_0 : i32, i32
  }
  func.func @transform_6(%arg0: i32) -> (i32, i32) {
    %c0_i32 = arith.constant 0 : i32
    %c0_i32_0 = arith.constant 0 : i32
    %c0_i32_1 = arith.constant 0 : i32
    return %c0_i32, %c0_i32_0 : i32, i32
  }
  func.func @transform_7(%arg0: i32) -> (i32, i32) {
    %c0_i32 = arith.constant 0 : i32
    %c0_i32_0 = arith.constant 0 : i32
    return %arg0, %c0_i32 : i32, i32
  }
}

</mosaic_0001>

<sc_bundles>
// kernel: kernel.10.cloned.1.call-start
scs
__scs_entry_jumppad:
0x0: {  	(pc) =	sbr.rel $0x88, $3  }
0x1: {  	(tag) =	ssettag $0x0;
	lr =	simm.s32 $0x1  }
0x2: {  	[smem:$0x3F94] =	sst lr;
	_ =	strace $0xD0000000  }
0x3: {  	_ = 	snop  }
0x4: {  	_ = 	snop  }
0x5: {  	_ = 	snop  }
0x6: {  	_ = 	snop  }
0x7: {  	_ = 	snop  }
__scs_overlays_trampoline_lowered:
0x8: {  	[smem:$0x3FA3] =	sst s0  }
0x9: {  	[smem:$0x3FA4] =	sst s1  }
0xa: {  	[smem:$0x3FA5] =	sst s2  }
0xb: {  	[smem:$0x3FA6] =	sst s3  }
0xc: {  	[smem:$0x3FA7] =	sst s4  }
0xd: {  	[smem:$0x3FA8] =	sst s5  }
0xe: {  	[smem:$0x3FA9] =	sst s6  }
0xf: {  	[smem:$0x3FAA] =	sst s7  }
0x10: {  	[smem:$0x3FAB] =	sst s8  }
0x11: {  	[smem:$0x3FAC] =	sst s9;
	s0 =	simm.s32 @!p0 $0x0  }
0x12: {  	s1 =	sld [smem:$0x3F92];
	s0 =	simm.s32 @p0 $0x1  }
0x13: {  	[smem:$0x3FAD] =	sst s0;
	s0 =	simm.s32 @!p1 $0x0  }
0x14: {  	s2 =	sld [smem:$0x3F91];
	s0 =	simm.s32 @p1 $0x1  }
0x15: {  	[smem:$0x3FAE] =	sst s0;
	s0 =	simm.s32 @!p2 $0x0  }
0x16: {  	s3 =	sld [smem:$0x3FDB];
	s0 =	simm.s32 @p2 $0x1  }
0x17: {  	s4 =	simm.s32 $0x1BF5;
	[smem:$0x3FB0] =	sst s0  }
0x18: {  	s0 =	sld [smem:$0x3F93];
	_ =	swait.ge [sflag:s4], $0x0  }
0x19: {  	s7 =	sld [smem:$0x3F94]  }
0x1a: {  	s8 =	sadd.s32 $0xFFFFE003, lr  }
0x1b: {  	s9 =	sadd.s32 $0xFFFFFEF7, lr;
	s5 =	simm.s32 $0xFFFFFFFF;
	p2 =	slt.u32 s8, $0xFFFFF086  }
0x1c: {  	p1 =	slt.u32 s9, $0xF7A;
	s5 =	simm.s32 @!p2 $0x0  }
0x1d: {  	s5 =	simm.s32 @p1 $0x1;
	p0 =	seq.s32 s7, s2  }
0x1e: {  	s7 =	smul.u32 @!p0 $0xF7A, s2;
	p2 =	seq.s32 @!p0 s5, $0x0  }
0x1f: {  	s9 =	smul.u32 $0xF7A, s1;
	s8 =	simm.s32 @!p0 $0x1BF5;
	p2 =	por !p2, p0  }
0x20: {  	[sflag:s8] =	ssyncset.s32 @!p0 $0xFFFFF086;
	s6 =	sadd.s32 @!p0 s3, s7;
	s7 =	simm.s32 @!p0 $0x108  }
0x21: {  	s3 =	sadd.s32 s3, s9;
	s6 =	sadd.s32 @!p0 $0x88, s6;
	s7 =	simm.s32 @p2 $0x1082  }
0x22: {  	[simem:s7], [sflag:s8] =	dma.local @!p0 [hbm:s6], $0xF7A  }
0x23: {  	s9 =	sor.u32 $0xD0000000, s2;
	s6 =	simm.s32 $0x108;
	_ =	swait.ge @!p0 [sflag:s8], $0x0  }
0x24: {  	s3 =	sadd.s32 $0x88, s3;
	s6 =	simm.s32 @!p1 $0x1082;
	[sflag:s4] =	ssyncset.s32 $0xFFFFF086  }
0x25: {  	[simem:s6], [sflag:s4] =	dma.local [hbm:s3], $0xF7A  }
0x26: {  	[smem:$0x3F94] =	sst s1;
	(tag) =	ssettag s2;
	_ =	strace s9  }
0x27: {  	s1 =	sld [smem:$0x3FA4]  }
0x28: {  	s2 =	sld [smem:$0x3FA5]  }
0x29: {  	s4 =	sld [smem:$0x3FA7]  }
0x2a: {  	p0 =	seq.s32 s5, $0x0;
	s5 =	sld [smem:$0x3FA8]  }
0x2b: {  	s6 =	sld [smem:$0x3FA9]  }
0x2c: {  	s7 =	sld [smem:$0x3FAA]  }
0x2d: {  	s3 =	simm.s32 $0x108;
	s8 =	sld [smem:$0x3FAB]  }
0x2e: {  	s3 =	simm.s32 @!p0 $0x1082;
	s9 =	sld [smem:$0x3FAC]  }
0x2f: {  	lr =	sadd.s32 s0, s3;
	s0 =	sld [smem:$0x3FA3]  }
0x30: {  	s3 =	sld [smem:$0x3FA6]  }
0x31: {  	[smem:$0x3FAF] =	sst s10  }
0x32: {  	s10 =	sld [smem:$0x3FAD];
	_ =	sdelay $0x3  }
0x33: {  	p0 =	seq.s32 s10, $0x1;
	s10 =	sld [smem:$0x3FAF];
	_ =	sdelay $0x3  }
0x34: {  	[smem:$0x3FAF] =	sst s10  }
0x35: {  	s10 =	sld [smem:$0x3FAE];
	_ =	sdelay $0x3  }
0x36: {  	p1 =	seq.s32 s10, $0x1;
	s10 =	sld [smem:$0x3FAF];
	_ =	sdelay $0x3  }
0x37: {  	[smem:$0x3FAF] =	sst s10  }
0x38: {  	s10 =	sld [smem:$0x3FB0]  }
0x39: {  	_ = 	snop;
	(pc) =	sbr.ind lr, $3  }
0x3a: {  	_ = 	snop  }
0x3b: {  	_ = 	snop  }
0x3c: {  	p2 =	seq.s32 s10, $0x1;
	s10 =	sld [smem:$0x3FAF]  }
0x3d: {  	_ =	shalt  }
0x3e: {  	_ =	shalt  }
0x3f: {  	_ =	shalt  }
0x40: {  	_ =	shalt  }
0x41: {  	_ =	shalt  }
0x42: {  	_ =	shalt  }
0x43: {  	_ =	shalt  }
0x44: {  	_ =	shalt  }
0x45: {  	_ =	shalt  }
0x46: {  	_ =	shalt  }
0x47: {  	_ =	shalt  }
0x48: {  	_ =	shalt  }
0x49: {  	_ =	shalt  }
0x4a: {  	_ =	shalt  }
0x4b: {  	_ =	shalt  }
0x4c: {  	_ =	shalt  }
0x4d: {  	_ =	shalt  }
0x4e: {  	_ =	shalt  }
0x4f: {  	_ =	shalt  }
0x50: {  	_ =	shalt  }
0x51: {  	_ =	shalt  }
0x52: {  	_ =	shalt  }
0x53: {  	_ =	shalt  }
0x54: {  	_ =	shalt  }
0x55: {  	_ =	shalt  }
0x56: {  	_ =	shalt  }
0x57: {  	_ =	shalt  }
0x58: {  	_ =	shalt  }
0x59: {  	_ =	shalt  }
0x5a: {  	_ =	shalt  }
0x5b: {  	_ =	shalt  }
0x5c: {  	_ =	shalt  }
0x5d: {  	_ =	shalt  }
0x5e: {  	_ =	shalt  }
0x5f: {  	_ =	shalt  }
0x60: {  	_ =	shalt  }
0x61: {  	_ =	shalt  }
0x62: {  	_ =	shalt  }
0x63: {  	_ =	shalt  }
0x64: {  	_ =	shalt  }
0x65: {  	_ =	shalt  }
0x66: {  	_ =	shalt  }
0x67: {  	_ =	shalt  }
0x68: {  	_ =	shalt  }
0x69: {  	_ =	shalt  }
0x6a: {  	_ =	shalt  }
0x6b: {  	_ =	shalt  }
0x6c: {  	_ =	shalt  }
0x6d: {  	_ =	shalt  }
0x6e: {  	_ =	shalt  }
0x6f: {  	_ =	shalt  }
0x70: {  	_ =	shalt  }
0x71: {  	_ =	shalt  }
0x72: {  	_ =	shalt  }
0x73: {  	_ =	shalt  }
0x74: {  	_ =	shalt  }
0x75: {  	_ =	shalt  }
0x76: {  	_ =	shalt  }
0x77: {  	_ =	shalt  }
0x78: {  	_ =	shalt  }
0x79: {  	_ =	shalt  }
0x7a: {  	_ =	shalt  }
0x7b: {  	_ =	shalt  }
0x7c: {  	_ =	shalt  }
0x7d: {  	_ =	shalt  }
0x7e: {  	_ =	shalt  }
0x7f: {  	_ =	shalt  }
0x80: {  	_ =	shalt  }
0x81: {  	_ =	shalt  }
0x82: {  	_ =	shalt  }
0x83: {  	_ =	shalt  }
0x84: {  	_ =	shalt  }
0x85: {  	_ =	shalt  }
0x86: {  	_ =	shalt  }
0x87: {  	_ =	shalt  }
.Lfunc_end0:
.L_simem_size_0:
called_computation.1_lowered:
.L_overlay_start_0:
0x88: {  	s2 =	sld [smem:$0x3FD9]  }
0x89: {  	s3 =	sld [smem:$0x3FFE];
	_ =	sdelay $0x1  }
0x8a: {  	s1 =	srdreg.scid  }
0x8b: {  	s0 =	sand.u32 $0x1, s1  }
0x8c: {  	s17 =	sshll.u32 s0, $0xA;
	s2 =	sadd.s32 s3, s2  }
0x8d: {  	s2 =	sadd.s32 s2, s17  }
0x8e: {  	[smem:$0x3FBB] =	sst s2  }
0x8f: {  	_ = 	snop  }
0x90: {  	s2 =	sld [smem:$0x3FD0];
	(tm) =	ssettm $0x1  }
0x91: {  	s18 =	sld [smem:$0x3FFB];
	_ =	sdelay $0x3  }
0x92: {  	_ =	strace s18  }
0x93: {  	s3 =	sld [smem:$0x3FFC];
	_ =	sdelay $0x3  }
0x94: {  	_ =	strace s3  }
0x95: {  	s3 =	sld [smem:$0x3FFD];
	_ =	sdelay $0x3  }
0x96: {  	_ =	strace s3  }
0x97: {  	_ =	strace $0x8FFFFFFF  }
0x98: {  	s19 =	sld [smem:$0x3FDB];
	_ =	sdelay $0x1  }
0x99: {  	s4 =	simm.s32 $_scs_section_size  }
0x9a: {  	s5 =	simm.s32 $_size__tile_overlayer_lowered;
	s6 =	simm.s32 $_tile_overlayer_lowered  }
0x9b: {  	s22 =	simm.s32 $0x1BFF;
	s21 =	sshll.u32 s6, $0x1;
	s3 =	sadd.s32 s4, s19  }
0x9c: {  	s7 =	simm.s32 $0x0;
	s20 =	sshll.u32 s5, $0x1;
	s5 =	sadd.s32 s21, s3  }
0x9d: {  	[timem:s7], [sflag:s22] =	dma.local [hbm:s5], s20  }
0x9e: {  	_ =	swait.ge [sflag:s22], s20  }
0x9f: {  	s4 =	ssub.s32 $0x0, s20;
	[sflag:s22] =	ssyncset.done $0x0  }
0xa0: {  	[sflag:s22] =	ssyncadd.s32 s4;
	_ =	sdelay $0x1  }
0xa1: {  	s23 =	simm.s32 $0x1B8B  }
0xa2: {  	_ =	swait.ge [sflag:s23], $0x1  }
0xa3: {  	[sflag:s23] =	ssyncset.done $0x0  }
0xa4: {  	s25 =	simm.s32 $0x1B8E;
	s24 =	sld [smem:$0x3FFE];
	[sflag:s23] =	ssyncadd.s32 $0xFFFFFFFF  }
0xa5: {  	s26 =	simm.s32 $execute0_lowered;
	[smem:$0x3FD2] =	sst s25  }
0xa6: {  	s5 =	sshll.u32 s26, $0x1;
	_ =	strace $0x80000049;
	[dreg:$0x1] =	wrdreg $0xFFFFFFFF  }
0xa7: {  	s28 =	simm.s32 $_size_execute0_lowered;
	s3 =	sadd.s32 s3, s5;
	[dreg:$0x0] =	wrdreg $0x0  }
0xa8: {  	s5 =	sshll.u32 s28, $0x1;
	[dreg:$0x2] =	wrdreg s3  }
0xa9: {  	[dreg:$0x3] =	wrdreg s5  }
0xaa: {  	[dreg:$0x4] =	wrdreg $0xC0  }
0xab: {  	_ =	task [dreg:s7], $0x5FFFF  }
0xac: {  	[dreg:$0x1] =	wrdreg $0xFFFFFFFF  }
0xad: {  	[dreg:$0x0] =	wrdreg $0x60  }
0xae: {  	[dreg:$0x2] =	wrdreg s24  }
0xaf: {  	[dreg:$0x3] =	wrdreg s2  }
0xb0: {  	[dreg:$0x4] =	wrdreg $0xA8000  }
0xb1: {  	[dreg:$0x5] =	wrdreg $0x9  }
0xb2: {  	_ =	task.clear_ibuf [dreg:s7], $0x6FFFF;
	_ =	strace $0x90000049  }
0xb3: {  	s29 =	simm.s32 $0x9;
	_ =	strace $0x8000004B  }
0xb4: {  	_ =	swait.ge [sflag:s29], $0x1  }
0xb5: {  	[sflag:s29] =	ssyncadd.s32 $0xFFFFFFFF  }
0xb6: {  	_ =	strace $0x9000004B  }
0xb7: {  	_ =	sfence  }
0xb8: {  	s30 =	sld [smem:$0x0];
	_ =	sdelay $0x2  }
0xb9: {  	s31 =	sshll.u32 s1, $0xD;
	s1 =	sshrl.u32 s1, $0x2  }
0xba: {  	s3 =	sand.u32 $0x4000, s31;
	s1 =	sadd.s32 s1, s30  }
0xbb: {  	s0 =	sor.u32 s3, s0;
	s1 =	sshll.u32 s1, $0x11  }
0xbc: {  	s0 =	sor.u32 s1, s0  }
0xbd: {  	s0 =	sadd.s32 $0x8F2B, s0  }
0xbe: {  	[sflag:s0] =	ssyncadd.remote.s32 $0x1  }
0xbf: {  	_ =	sfence.sel $0xFFFF  }
0xc0: {  	[dreg:$0x0] =	wrdreg $0xFFFFFFFF;
	(pc) =	sbr.abs _section_cstart, $3  }
0xc1: {  	[dreg:$0x1] =	wrdreg $0xFFFFFFFF  }
0xc2: {  	_ =	task.clear_ibuf [dreg:s7], $0x2FFFF;
	_ =	strace $0x9FFFFFFF  }
0xc3: {  	(tm) =	ssettm $0x7FFFFFFF  }
tec
execute0_lowered:
.L_overlay_start_1:
0x0: {  	(tag) =	ssettag $0x1  }
0x1: {  	s0 =	rddreg [dreg:$0x0]  }
0x2: {  	s1 =	rddreg [dreg:$0x1]  }
0x3: {  	s2 =	rddreg [dreg:$0x2]  }
0x4: {  	s3 =	srdreg.scid;
	s4 =	simm.s32 $0x0;
	s14 =	stileid.u32  }
0x5: {  	s28 =	simm.s32 $0x1400;
	s29 =	simm.s32 $0x80;
	s30 =	simm.s32 $0x2800  }
0x6: {  	s31 =	simm.s32 $0x6800;
	s3 =	sand.u32 $0x1, s3;
	[smem:$0x7FF] =	sst s4  }
0x7: {  	s9 =	smul.u32 $0x14000, s14;
	s5 =	sadd.s32 $0x5D600, s0;
	s6 =	sadd.s32 $0x85600, s0  }
0x8: {  	s7 =	sadd.s32 $0xAD600, s0;
	s10 =	sadd.s32 $0x21600, s0;
	s12 =	smul.u32 $0x50000, s14  }
0x9: {  	s8 =	smul.u32 $0x3C0000, s3;
	s25 =	sshll.u32 s3, $0x4;
	s3 =	ssub.s32 $0x2, s3  }
0xa: {  	s11 =	sadd.s32 $0x3F600, s0;
	_ =	strace $0x8000004A;
	s26 =	sshrl.u32 s3, $0x1  }
0xb: {  	s12 =	sshrl.u32 s12, $0x2;
	s8 =	sadd.s32 s9, s8;
	s9 =	sor.u32 s14, s25  }
0xc: {  	s3 =	ssub.s32 s3, s26;
	s8 =	sshrl.u32 s8, $0x3;
	s13 =	smul.u32 $0x2800, s9  }
0xd: {  	s14 =	sshll.u32 s14, $0x6;
	s0 =	sadd.s32 s8, s0;
	s8 =	sadd.s32 s12, s2  }
0xe: {  	[dreg:$0x4] =	wrdreg s8;
	s15 =	sshrl.u32 s13, $0x3;
	s21 =	sadd.s32 $0xD5600, s0  }
0xf: {  	s9 =	sor.u32 $0x1C03, s14;
	s16 =	sadd.s32 s10, s15;
	[dreg:$0x9] =	wrdreg s21  }
0x10: {  	s17 =	sadd.s32 s11, s15;
	s18 =	sadd.s32 $0x280, s15;
	[dreg:$0x5] =	wrdreg s16  }
0x11: {  	s20 =	sadd.s32 $0xA000, s15;
	[dreg:$0x6] =	wrdreg s17;
	s19 =	sadd.s32 s10, s18  }
0x12: {  	s23 =	sadd.s32 $0xA280, s15;
	s12 =	sadd.s32 s11, s18;
	[dreg:$0x7] =	wrdreg s19  }
0x13: {  	s25 =	sadd.s32 $0x14000, s15;
	s22 =	sadd.s32 s10, s20;
	[dreg:$0x8] =	wrdreg s12  }
0x14: {  	s8 =	sadd.s32 $0x14280, s15;
	s24 =	sadd.s32 s10, s23;
	[dreg:$0xa] =	wrdreg s22  }
0x15: {  	s13 =	sadd.s32 s11, s23;
	s26 =	sadd.s32 s10, s25;
	[dreg:$0xc] =	wrdreg s24  }
0x16: {  	s21 =	sadd.s32 s10, s8;
	s23 =	sadd.s32 $0xFD600, s0;
	[dreg:$0xd] =	wrdreg s13  }
0x17: {  	s10 =	simm.s32 $0x1380;
	s12 =	sadd.s32 s11, s20;
	[dreg:$0xe] =	wrdreg s26  }
0x18: {  	s20 =	sadd.s32 s11, s25;
	s22 =	sadd.s32 s11, s8;
	s24 =	sadd.s32 $0x125600, s0  }
0x19: {  	s25 =	smax.u32 s3, $0x1;
	s26 =	simm.s32 $0x3;
	s0 =	simm.s32 $0x1  }
0x1a: {  	s3 =	simm.s32 $0x4;
	s8 =	simm.s32 $0x2;
	s11 =	simm.s32 $0x2700  }
0x1b: {  	s13 =	simm.s32 $0x0;
	[dreg:$0xb] =	wrdreg s12;
	s12 =	simm.s32 $0x2780  }
.LBB2_1:
0x1c: {  	s14 =	rddreg [dreg:$0x4]  }
0x1d: {  	s14 =	sshrl.u32 s14, $0x3  }
0x1e: {  	[spmem:s14], [sflag:s9] =	dma.local [hbm:s1], $0x2800  }
0x1f: {  	_ =	swait.ge [sflag:s26], $0x2800  }
0x20: {  	[sflag:s26] =	ssyncset.done $0x0  }
0x21: {  	[sflag:s26] =	ssyncadd.s32 $0xFFFFD800  }
0x22: {  	[bflag:$0x0] =	sbarrier.arrive $0xFFFF  }
0x23: {  	s15 =	rddreg [dreg:$0x5]  }
0x24: {  	[tilespmem:s4], [sflag:$0x3] =	stream.linear.gather [hbm4b:s15+s4], $0x1400, $0x38;
	[tilespmem:$0x1E800] =	vst v63  }
0x25: {  	_ =	swait.ge [sflag:s26], $0x1400  }
0x26: {  	[sflag:s26] =	ssyncset.done $0x0  }
0x27: {  	s19 =	rddreg [dreg:$0x6];
	[sflag:s26] =	ssyncadd.s32 $0xFFFFEC00  }
0x28: {  	[tilespmem:s28], [sflag:$0x3] =	stream.linear.gather [hbm4b:s19+s4], $0x1400, $0x38;
	[tilespmem:$0x1E800] =	vst v63  }
0x29: {  	_ =	swait.ge [sflag:s26], $0x1400  }
0x2a: {  	[sflag:s26] =	ssyncset.done $0x0  }
0x2b: {  	[sflag:s26] =	ssyncadd.s32 $0xFFFFEC00  }
0x2c: {  	[tilespmem:s30], [sflag:$0x1] =	stream.indirect.gather [hbm4b:s5+s29], $0x80, s4, s29, $0xb8;
	[tilespmem:$0x1E800] =	vst v63  }
0x2d: {  	s16 =	simm.s32 $0x80  }
0x2e: {  	[tilespmem:s31], [sflag:$0x2] =	stream.indirect.gather [hbm4b:s5+s29], $0x80, s16, s29, $0xb8;
	[tilespmem:$0x1E800] =	vst v63  }
0x2f: {  	_ =	swait.ge [sflag:s0], $0x4000  }
0x30: {  	[sflag:s0] =	ssyncset.done $0x0  }
0x31: {  	s17 =	simm.s32 $0x1400;
	[sflag:s0] =	ssyncadd.s32 $0xFFFFC000  }
0x32: {  	[spmem:s2] =	stream.indirect.scatter.add.f32 [tilespmem:s30], [sflag:$0x4], $0x80, s17, s29, $0xb8;
	[tilespmem:$0x1E800] =	vst v63  }
0x33: {  	_ =	swait.ge [sflag:s3], $0x4000  }
0x34: {  	[sflag:s3] =	ssyncset.done $0x0  }
0x35: {  	s18 =	simm.s32 $0x100;
	[sflag:s3] =	ssyncadd.s32 $0xFFFFC000  }
0x36: {  	[tilespmem:s30], [sflag:$0x1] =	stream.indirect.gather [hbm4b:s5+s29], $0x80, s18, s29, $0xb8;
	[tilespmem:$0x1E800] =	vst v63  }
0x37: {  	_ =	swait.ge [sflag:s8], $0x4000  }
0x38: {  	[sflag:s8] =	ssyncset.done $0x0  }
0x39: {  	s19 =	simm.s32 $0x1480;
	[sflag:s8] =	ssyncadd.s32 $0xFFFFC000  }
0x3a: {  	[spmem:s2] =	stream.indirect.scatter.add.f32 [tilespmem:s31], [sflag:$0x3], $0x80, s19, s29, $0xb8;
	[tilespmem:$0x1E800] =	vst v63  }
0x3b: {  	_ =	swait.ge [sflag:s26], $0x4000  }
0x3c: {  	s15 =	simm.s32 $0x100;
	s16 =	simm.s32 $0x800;
	[sflag:s26] =	ssyncset.done $0x0  }
.LBB2_2:
0x3d: {  	s17 =	sadd.s32 $0x80, s15  }
0x3e: {  	[sflag:s26] =	ssyncadd.s32 $0xFFFFC000;
	s18 =	smov.u32 s16;
	s19 =	sadd.s32 $0x400, s16  }
0x3f: {  	[tilespmem:s31], [sflag:$0x2] =	stream.indirect.gather [hbm4b:s5+s29], $0x80, s17, s29, $0xb8;
	[tilespmem:$0x1E800] =	vst v63  }
0x40: {  	p0 =	sne.s32 s16, $0x4800;
	_ =	swait.ge [sflag:s0], $0x4000  }
0x41: {  	[sflag:s0] =	ssyncset.done $0x0  }
0x42: {  	s16 =	sadd.s32 $0x1400, s15;
	[sflag:s0] =	ssyncadd.s32 $0xFFFFC000  }
0x43: {  	[spmem:s2] =	stream.indirect.scatter.add.f32 [tilespmem:s30], [sflag:$0x4], $0x80, s16, s29, $0xb8;
	[tilespmem:$0x1E800] =	vst v63  }
0x44: {  	_ =	swait.ge [sflag:s3], $0x4000  }
0x45: {  	[sflag:s3] =	ssyncset.done $0x0  }
0x46: {  	s16 =	sadd.s32 $0x100, s15;
	[sflag:s3] =	ssyncadd.s32 $0xFFFFC000  }
0x47: {  	[tilespmem:s30], [sflag:$0x1] =	stream.indirect.gather [hbm4b:s5+s29], $0x80, s16, s29, $0xb8;
	[tilespmem:$0x1E800] =	vst v63  }
0x48: {  	_ =	swait.ge [sflag:s8], $0x4000  }
.Ltmp0:
0x49: {  	[sflag:s8] =	ssyncset.done $0x0;
	(pc) =	sbr.rel @p0 .LBB2_2-.Ltmp0, $4  }
0x4a: {  	s15 =	sadd.s32 $0x1480, s15;
	[sflag:s8] =	ssyncadd.s32 $0xFFFFC000  }
0x4b: {  	[spmem:s2] =	stream.indirect.scatter.add.f32 [tilespmem:s31], [sflag:$0x3], $0x80, s15, s29, $0xb8;
	[tilespmem:$0x1E800] =	vst v63  }
0x4c: {  	_ =	swait.ge [sflag:s26], $0x4000  }
0x4d: {  	s16 =	smov.u32 s19;
	s15 =	sshra.s32 s18, $0x2;
	[sflag:s26] =	ssyncset.done $0x0  }
0x4e: {  	s16 =	sadd.s32 $0x80, s15;
	[sflag:s26] =	ssyncadd.s32 $0xFFFFC000  }
0x4f: {  	[tilespmem:s31], [sflag:$0x2] =	stream.indirect.gather [hbm4b:s5+s29], $0x80, s16, s29, $0xb8;
	[tilespmem:$0x1E800] =	vst v63  }
0x50: {  	_ =	swait.ge [sflag:s0], $0x4000  }
0x51: {  	[sflag:s0] =	ssyncset.done $0x0  }
0x52: {  	s18 =	sadd.s32 $0x1400, s15;
	[sflag:s0] =	ssyncadd.s32 $0xFFFFC000  }
0x53: {  	[spmem:s2] =	stream.indirect.scatter.add.f32 [tilespmem:s30], [sflag:$0x4], $0x80, s18, s29, $0xb8;
	[tilespmem:$0x1E800] =	vst v63  }
0x54: {  	_ =	swait.ge [sflag:s3], $0x4000  }
0x55: {  	[sflag:s3] =	ssyncset.done $0x0  }
0x56: {  	s19 =	sadd.s32 $0x100, s15;
	[sflag:s3] =	ssyncadd.s32 $0xFFFFC000  }
0x57: {  	[tilespmem:s30], [sflag:$0x1] =	stream.indirect.gather [hbm4b:s5+s29], $0x80, s19, s29, $0xb8;
	[tilespmem:$0x1E800] =	vst v63  }
0x58: {  	_ =	swait.ge [sflag:s8], $0x4000  }
0x59: {  	[sflag:s8] =	ssyncset.done $0x0  }
0x5a: {  	s16 =	sadd.s32 $0x1480, s15;
	[sflag:s8] =	ssyncadd.s32 $0xFFFFC000  }
0x5b: {  	[spmem:s2] =	stream.indirect.scatter.add.f32 [tilespmem:s31], [sflag:$0x3], $0x80, s16, s29, $0xb8;
	[tilespmem:$0x1E800] =	vst v63  }
0x5c: {  	_ =	swait.ge [sflag:s26], $0x4000  }
0x5d: {  	[sflag:s26] =	ssyncset.done $0x0  }
0x5e: {  	[sflag:s26] =	ssyncadd.s32 $0xFFFFC000  }
0x5f: {  	[tilespmem:s31], [sflag:$0x2] =	stream.indirect.gather [hbm4b:s5+s29], $0x80, s10, s29, $0xb8;
	[tilespmem:$0x1E800] =	vst v63  }
0x60: {  	_ =	swait.ge [sflag:s0], $0x4000  }
0x61: {  	[sflag:s0] =	ssyncset.done $0x0  }
0x62: {  	[sflag:s0] =	ssyncadd.s32 $0xFFFFC000  }
0x63: {  	[spmem:s2] =	stream.indirect.scatter.add.f32 [tilespmem:s30], [sflag:$0x4], $0x80, s11, s29, $0xb8;
	[tilespmem:$0x1E800] =	vst v63  }
0x64: {  	_ =	swait.ge [sflag:s3], $0x4000  }
0x65: {  	[sflag:s3] =	ssyncset.done $0x0  }
0x66: {  	[sflag:s3] =	ssyncadd.s32 $0xFFFFC000  }
0x67: {  	_ =	swait.ge [sflag:s8], $0x4000  }
0x68: {  	[sflag:s8] =	ssyncset.done $0x0  }
0x69: {  	[sflag:s8] =	ssyncadd.s32 $0xFFFFC000  }
0x6a: {  	[spmem:s2] =	stream.indirect.scatter.add.f32 [tilespmem:s31], [sflag:$0x3], $0x80, s12, s29, $0xb8;
	[tilespmem:$0x1E800] =	vst v63  }
0x6b: {  	_ =	swait.ge [sflag:s26], $0x4000  }
0x6c: {  	[sflag:s26] =	ssyncset.done $0x0  }
0x6d: {  	s17 =	simm.s32 $0x0;
	s18 =	rddreg [dreg:$0x7];
	[sflag:s26] =	ssyncadd.s32 $0xFFFFC000  }
0x6e: {  	[tilespmem:s17], [sflag:$0x3] =	stream.linear.gather [hbm4b:s18+s17], $0x1400, $0x38;
	[tilespmem:$0x1E800] =	vst v63  }
0x6f: {  	_ =	swait.ge [sflag:s26], $0x1400  }
0x70: {  	[sflag:s26] =	ssyncset.done $0x0  }
0x71: {  	s19 =	rddreg [dreg:$0x8];
	[sflag:s26] =	ssyncadd.s32 $0xFFFFEC00  }
0x72: {  	[tilespmem:s28], [sflag:$0x3] =	stream.linear.gather [hbm4b:s19+s17], $0x1400, $0x38;
	[tilespmem:$0x1E800] =	vst v63  }
0x73: {  	_ =	swait.ge [sflag:s26], $0x1400  }
0x74: {  	[sflag:s26] =	ssyncset.done $0x0  }
0x75: {  	[sflag:s26] =	ssyncadd.s32 $0xFFFFEC00  }
0x76: {  	[tilespmem:s30], [sflag:$0x1] =	stream.indirect.gather [hbm4b:s5+s29], $0x80, s17, s29, $0xb8;
	[tilespmem:$0x1E800] =	vst v63  }
0x77: {  	s16 =	simm.s32 $0x80  }
0x78: {  	[tilespmem:s31], [sflag:$0x2] =	stream.indirect.gather [hbm4b:s5+s29], $0x80, s16, s29, $0xb8;
	[tilespmem:$0x1E800] =	vst v63  }
0x79: {  	_ =	swait.ge [sflag:s0], $0x4000  }
0x7a: {  	[sflag:s0] =	ssyncset.done $0x0  }
0x7b: {  	s17 =	simm.s32 $0x1400;
	[sflag:s0] =	ssyncadd.s32 $0xFFFFC000  }
0x7c: {  	[spmem:s2] =	stream.indirect.scatter.add.f32 [tilespmem:s30], [sflag:$0x4], $0x80, s17, s29, $0xb8;
	[tilespmem:$0x1E800] =	vst v63  }
0x7d: {  	_ =	swait.ge [sflag:s3], $0x4000  }
0x7e: {  	[sflag:s3] =	ssyncset.done $0x0  }
0x7f: {  	s18 =	simm.s32 $0x100;
	[sflag:s3] =	ssyncadd.s32 $0xFFFFC000  }
0x80: {  	[tilespmem:s30], [sflag:$0x1] =	stream.indirect.gather [hbm4b:s5+s29], $0x80, s18, s29, $0xb8;
	[tilespmem:$0x1E800] =	vst v63  }
0x81: {  	_ =	swait.ge [sflag:s8], $0x4000  }
0x82: {  	[sflag:s8] =	ssyncset.done $0x0  }
0x83: {  	s19 =	simm.s32 $0x1480;
	[sflag:s8] =	ssyncadd.s32 $0xFFFFC000  }
0x84: {  	[spmem:s2] =	stream.indirect.scatter.add.f32 [tilespmem:s31], [sflag:$0x3], $0x80, s19, s29, $0xb8;
	[tilespmem:$0x1E800] =	vst v63  }
0x85: {  	_ =	swait.ge [sflag:s26], $0x4000  }
0x86: {  	s15 =	simm.s32 $0x100;
	s16 =	simm.s32 $0x800;
	[sflag:s26] =	ssyncset.done $0x0  }
.LBB2_4:
0x87: {  	s17 =	sadd.s32 $0x80, s15  }
0x88: {  	[sflag:s26] =	ssyncadd.s32 $0xFFFFC000;
	s18 =	smov.u32 s16;
	s19 =	sadd.s32 $0x400, s16  }
0x89: {  	[tilespmem:s31], [sflag:$0x2] =	stream.indirect.gather [hbm4b:s5+s29], $0x80, s17, s29, $0xb8;
	[tilespmem:$0x1E800] =	vst v63  }
0x8a: {  	p0 =	sne.s32 s16, $0x4800;
	_ =	swait.ge [sflag:s0], $0x4000  }
0x8b: {  	[sflag:s0] =	ssyncset.done $0x0  }
0x8c: {  	s16 =	sadd.s32 $0x1400, s15;
	[sflag:s0] =	ssyncadd.s32 $0xFFFFC000  }
0x8d: {  	[spmem:s2] =	stream.indirect.scatter.add.f32 [tilespmem:s30], [sflag:$0x4], $0x80, s16, s29, $0xb8;
	[tilespmem:$0x1E800] =	vst v63  }
0x8e: {  	_ =	swait.ge [sflag:s3], $0x4000  }
0x8f: {  	[sflag:s3] =	ssyncset.done $0x0  }
0x90: {  	s16 =	sadd.s32 $0x100, s15;
	[sflag:s3] =	ssyncadd.s32 $0xFFFFC000  }
0x91: {  	[tilespmem:s30], [sflag:$0x1] =	stream.indirect.gather [hbm4b:s5+s29], $0x80, s16, s29, $0xb8;
	[tilespmem:$0x1E800] =	vst v63  }
0x92: {  	_ =	swait.ge [sflag:s8], $0x4000  }
.Ltmp1:
0x93: {  	[sflag:s8] =	ssyncset.done $0x0;
	(pc) =	sbr.rel @p0 .LBB2_4-.Ltmp1, $4  }
0x94: {  	s15 =	sadd.s32 $0x1480, s15;
	[sflag:s8] =	ssyncadd.s32 $0xFFFFC000  }
0x95: {  	[spmem:s2] =	stream.indirect.scatter.add.f32 [tilespmem:s31], [sflag:$0x3], $0x80, s15, s29, $0xb8;
	[tilespmem:$0x1E800] =	vst v63  }
0x96: {  	_ =	swait.ge [sflag:s26], $0x4000  }
0x97: {  	s16 =	smov.u32 s19;
	s15 =	sshra.s32 s18, $0x2;
	[sflag:s26] =	ssyncset.done $0x0  }
0x98: {  	s16 =	sadd.s32 $0x80, s15;
	[sflag:s26] =	ssyncadd.s32 $0xFFFFC000  }
0x99: {  	[tilespmem:s31], [sflag:$0x2] =	stream.indirect.gather [hbm4b:s5+s29], $0x80, s16, s29, $0xb8;
	[tilespmem:$0x1E800] =	vst v63  }
0x9a: {  	_ =	swait.ge [sflag:s0], $0x4000  }
0x9b: {  	[sflag:s0] =	ssyncset.done $0x0  }
0x9c: {  	s17 =	sadd.s32 $0x1400, s15;
	[sflag:s0] =	ssyncadd.s32 $0xFFFFC000  }
0x9d: {  	[spmem:s2] =	stream.indirect.scatter.add.f32 [tilespmem:s30], [sflag:$0x4], $0x80, s17, s29, $0xb8;
	[tilespmem:$0x1E800] =	vst v63  }
0x9e: {  	_ =	swait.ge [sflag:s3], $0x4000  }
0x9f: {  	[sflag:s3] =	ssyncset.done $0x0  }
0xa0: {  	s18 =	sadd.s32 $0x100, s15;
	[sflag:s3] =	ssyncadd.s32 $0xFFFFC000  }
0xa1: {  	[tilespmem:s30], [sflag:$0x1] =	stream.indirect.gather [hbm4b:s5+s29], $0x80, s18, s29, $0xb8;
	[tilespmem:$0x1E800] =	vst v63  }
0xa2: {  	_ =	swait.ge [sflag:s8], $0x4000  }
0xa3: {  	[sflag:s8] =	ssyncset.done $0x0  }
0xa4: {  	s19 =	sadd.s32 $0x1480, s15;
	[sflag:s8] =	ssyncadd.s32 $0xFFFFC000  }
0xa5: {  	[spmem:s2] =	stream.indirect.scatter.add.f32 [tilespmem:s31], [sflag:$0x3], $0x80, s19, s29, $0xb8;
	[tilespmem:$0x1E800] =	vst v63  }
0xa6: {  	_ =	swait.ge [sflag:s26], $0x4000  }
0xa7: {  	[sflag:s26] =	ssyncset.done $0x0  }
0xa8: {  	[sflag:s26] =	ssyncadd.s32 $0xFFFFC000  }
0xa9: {  	[tilespmem:s31], [sflag:$0x2] =	stream.indirect.gather [hbm4b:s5+s29], $0x80, s10, s29, $0xb8;
	[tilespmem:$0x1E800] =	vst v63  }
0xaa: {  	_ =	swait.ge [sflag:s0], $0x4000  }
0xab: {  	[sflag:s0] =	ssyncset.done $0x0  }
0xac: {  	[sflag:s0] =	ssyncadd.s32 $0xFFFFC000  }
0xad: {  	[spmem:s2] =	stream.indirect.scatter.add.f32 [tilespmem:s30], [sflag:$0x4], $0x80, s11, s29, $0xb8;
	[tilespmem:$0x1E800] =	vst v63  }
0xae: {  	_ =	swait.ge [sflag:s3], $0x4000  }
0xaf: {  	[sflag:s3] =	ssyncset.done $0x0  }
0xb0: {  	[sflag:s3] =	ssyncadd.s32 $0xFFFFC000  }
0xb1: {  	_ =	swait.ge [sflag:s8], $0x4000  }
0xb2: {  	[sflag:s8] =	ssyncset.done $0x0  }
0xb3: {  	[sflag:s8] =	ssyncadd.s32 $0xFFFFC000  }
0xb4: {  	[spmem:s2] =	stream.indirect.scatter.add.f32 [tilespmem:s31], [sflag:$0x3], $0x80, s12, s29, $0xb8;
	[tilespmem:$0x1E800] =	vst v63  }
0xb5: {  	_ =	swait.ge [sflag:s26], $0x4000  }
0xb6: {  	[sflag:s26] =	ssyncset.done $0x0  }
0xb7: {  	[sflag:s26] =	ssyncadd.s32 $0xFFFFC000  }
0xb8: {  	[bflag:$0x0] =	sbarrier.arrive $0xFFFF  }
0xb9: {  	s16 =	rddreg [dreg:$0x9]  }
0xba: {  	[hbm:s16], [sflag:s9] =	dma.local [spmem:s14], $0x2800  }
0xbb: {  	_ =	swait.ge [sflag:s26], $0x2800  }
0xbc: {  	[sflag:s26] =	ssyncset.done $0x0  }
0xbd: {  	[sflag:s26] =	ssyncadd.s32 $0xFFFFD800  }
0xbe: {  	[bflag:$0x0] =	sbarrier.arrive $0xFFFF  }
0xbf: {  	[spmem:s14], [sflag:s9] =	dma.local [hbm:s1], $0x2800  }
0xc0: {  	_ =	swait.ge [sflag:s26], $0x2800  }
0xc1: {  	[sflag:s26] =	ssyncset.done $0x0  }
0xc2: {  	[sflag:s26] =	ssyncadd.s32 $0xFFFFD800  }
0xc3: {  	[bflag:$0x0] =	sbarrier.arrive $0xFFFF  }
0xc4: {  	s17 =	simm.s32 $0x0;
	s18 =	rddreg [dreg:$0xa]  }
0xc5: {  	[tilespmem:s17], [sflag:$0x3] =	stream.linear.gather [hbm4b:s18+s17], $0x1400, $0x38;
	[tilespmem:$0x1E800] =	vst v63  }
0xc6: {  	_ =	swait.ge [sflag:s26], $0x1400  }
0xc7: {  	[sflag:s26] =	ssyncset.done $0x0  }
0xc8: {  	s19 =	rddreg [dreg:$0xb];
	[sflag:s26] =	ssyncadd.s32 $0xFFFFEC00  }
0xc9: {  	[tilespmem:s28], [sflag:$0x3] =	stream.linear.gather [hbm4b:s19+s17], $0x1400, $0x38;
	[tilespmem:$0x1E800] =	vst v63  }
0xca: {  	_ =	swait.ge [sflag:s26], $0x1400  }
0xcb: {  	[sflag:s26] =	ssyncset.done $0x0  }
0xcc: {  	[sflag:s26] =	ssyncadd.s32 $0xFFFFEC00  }
0xcd: {  	[tilespmem:s30], [sflag:$0x1] =	stream.indirect.gather [hbm4b:s6+s29], $0x80, s17, s29, $0xb8;
	[tilespmem:$0x1E800] =	vst v63  }
0xce: {  	s16 =	simm.s32 $0x80  }
0xcf: {  	[tilespmem:s31], [sflag:$0x2] =	stream.indirect.gather [hbm4b:s6+s29], $0x80, s16, s29, $0xb8;
	[tilespmem:$0x1E800] =	vst v63  }
0xd0: {  	_ =	swait.ge [sflag:s0], $0x4000  }
0xd1: {  	[sflag:s0] =	ssyncset.done $0x0  }
0xd2: {  	s17 =	simm.s32 $0x1400;
	[sflag:s0] =	ssyncadd.s32 $0xFFFFC000  }
0xd3: {  	[spmem:s2] =	stream.indirect.scatter.add.f32 [tilespmem:s30], [sflag:$0x4], $0x80, s17, s29, $0xb8;
	[tilespmem:$0x1E800] =	vst v63  }
0xd4: {  	_ =	swait.ge [sflag:s3], $0x4000  }
0xd5: {  	[sflag:s3] =	ssyncset.done $0x0  }
0xd6: {  	s18 =	simm.s32 $0x100;
	[sflag:s3] =	ssyncadd.s32 $0xFFFFC000  }
0xd7: {  	[tilespmem:s30], [sflag:$0x1] =	stream.indirect.gather [hbm4b:s6+s29], $0x80, s18, s29, $0xb8;
	[tilespmem:$0x1E800] =	vst v63  }
0xd8: {  	_ =	swait.ge [sflag:s8], $0x4000  }
0xd9: {  	[sflag:s8] =	ssyncset.done $0x0  }
0xda: {  	s19 =	simm.s32 $0x1480;
	[sflag:s8] =	ssyncadd.s32 $0xFFFFC000  }
0xdb: {  	[spmem:s2] =	stream.indirect.scatter.add.f32 [tilespmem:s31], [sflag:$0x3], $0x80, s19, s29, $0xb8;
	[tilespmem:$0x1E800] =	vst v63  }
0xdc: {  	_ =	swait.ge [sflag:s26], $0x4000  }
0xdd: {  	s15 =	simm.s32 $0x100;
	s16 =	simm.s32 $0x800;
	[sflag:s26] =	ssyncset.done $0x0  }
.LBB2_6:
0xde: {  	s17 =	sadd.s32 $0x80, s15  }
0xdf: {  	[sflag:s26] =	ssyncadd.s32 $0xFFFFC000;
	s18 =	smov.u32 s16;
	s19 =	sadd.s32 $0x400, s16  }
0xe0: {  	[tilespmem:s31], [sflag:$0x2] =	stream.indirect.gather [hbm4b:s6+s29], $0x80, s17, s29, $0xb8;
	[tilespmem:$0x1E800] =	vst v63  }
0xe1: {  	p0 =	sne.s32 s16, $0x4800;
	_ =	swait.ge [sflag:s0], $0x4000  }
0xe2: {  	[sflag:s0] =	ssyncset.done $0x0  }
0xe3: {  	s16 =	sadd.s32 $0x1400, s15;
	[sflag:s0] =	ssyncadd.s32 $0xFFFFC000  }
0xe4: {  	[spmem:s2] =	stream.indirect.scatter.add.f32 [tilespmem:s30], [sflag:$0x4], $0x80, s16, s29, $0xb8;
	[tilespmem:$0x1E800] =	vst v63  }
0xe5: {  	_ =	swait.ge [sflag:s3], $0x4000  }
0xe6: {  	[sflag:s3] =	ssyncset.done $0x0  }
0xe7: {  	s16 =	sadd.s32 $0x100, s15;
	[sflag:s3] =	ssyncadd.s32 $0xFFFFC000  }
0xe8: {  	[tilespmem:s30], [sflag:$0x1] =	stream.indirect.gather [hbm4b:s6+s29], $0x80, s16, s29, $0xb8;
	[tilespmem:$0x1E800] =	vst v63  }
0xe9: {  	_ =	swait.ge [sflag:s8], $0x4000  }
.Ltmp2:
0xea: {  	[sflag:s8] =	ssyncset.done $0x0;
	(pc) =	sbr.rel @p0 .LBB2_6-.Ltmp2, $4  }
0xeb: {  	s15 =	sadd.s32 $0x1480, s15;
	[sflag:s8] =	ssyncadd.s32 $0xFFFFC000  }
0xec: {  	[spmem:s2] =	stream.indirect.scatter.add.f32 [tilespmem:s31], [sflag:$0x3], $0x80, s15, s29, $0xb8;
	[tilespmem:$0x1E800] =	vst v63  }
0xed: {  	_ =	swait.ge [sflag:s26], $0x4000  }
0xee: {  	s16 =	smov.u32 s19;
	s15 =	sshra.s32 s18, $0x2;
	[sflag:s26] =	ssyncset.done $0x0  }
0xef: {  	s16 =	sadd.s32 $0x80, s15;
	[sflag:s26] =	ssyncadd.s32 $0xFFFFC000  }
0xf0: {  	[tilespmem:s31], [sflag:$0x2] =	stream.indirect.gather [hbm4b:s6+s29], $0x80, s16, s29, $0xb8;
	[tilespmem:$0x1E800] =	vst v63  }
0xf1: {  	_ =	swait.ge [sflag:s0], $0x4000  }
0xf2: {  	[sflag:s0] =	ssyncset.done $0x0  }
0xf3: {  	s18 =	sadd.s32 $0x1400, s15;
	[sflag:s0] =	ssyncadd.s32 $0xFFFFC000  }
0xf4: {  	[spmem:s2] =	stream.indirect.scatter.add.f32 [tilespmem:s30], [sflag:$0x4], $0x80, s18, s29, $0xb8;
	[tilespmem:$0x1E800] =	vst v63  }
0xf5: {  	_ =	swait.ge [sflag:s3], $0x4000  }
0xf6: {  	[sflag:s3] =	ssyncset.done $0x0  }
0xf7: {  	s19 =	sadd.s32 $0x100, s15;
	[sflag:s3] =	ssyncadd.s32 $0xFFFFC000  }
0xf8: {  	[tilespmem:s30], [sflag:$0x1] =	stream.indirect.gather [hbm4b:s6+s29], $0x80, s19, s29, $0xb8;
	[tilespmem:$0x1E800] =	vst v63  }
0xf9: {  	_ =	swait.ge [sflag:s8], $0x4000  }
0xfa: {  	[sflag:s8] =	ssyncset.done $0x0  }
0xfb: {  	s16 =	sadd.s32 $0x1480, s15;
	[sflag:s8] =	ssyncadd.s32 $0xFFFFC000  }
0xfc: {  	[spmem:s2] =	stream.indirect.scatter.add.f32 [tilespmem:s31], [sflag:$0x3], $0x80, s16, s29, $0xb8;
	[tilespmem:$0x1E800] =	vst v63  }
0xfd: {  	_ =	swait.ge [sflag:s26], $0x4000  }
0xfe: {  	[sflag:s26] =	ssyncset.done $0x0  }
0xff: {  	[sflag:s26] =	ssyncadd.s32 $0xFFFFC000  }
0x100: {  	[tilespmem:s31], [sflag:$0x2] =	stream.indirect.gather [hbm4b:s6+s29], $0x80, s10, s29, $0xb8;
	[tilespmem:$0x1E800] =	vst v63  }
0x101: {  	_ =	swait.ge [sflag:s0], $0x4000  }
0x102: {  	[sflag:s0] =	ssyncset.done $0x0  }
0x103: {  	[sflag:s0] =	ssyncadd.s32 $0xFFFFC000  }
0x104: {  	[spmem:s2] =	stream.indirect.scatter.add.f32 [tilespmem:s30], [sflag:$0x4], $0x80, s11, s29, $0xb8;
	[tilespmem:$0x1E800] =	vst v63  }
0x105: {  	_ =	swait.ge [sflag:s3], $0x4000  }
0x106: {  	[sflag:s3] =	ssyncset.done $0x0  }
0x107: {  	[sflag:s3] =	ssyncadd.s32 $0xFFFFC000  }
0x108: {  	_ =	swait.ge [sflag:s8], $0x4000  }
0x109: {  	[sflag:s8] =	ssyncset.done $0x0  }
0x10a: {  	[sflag:s8] =	ssyncadd.s32 $0xFFFFC000  }
0x10b: {  	[spmem:s2] =	stream.indirect.scatter.add.f32 [tilespmem:s31], [sflag:$0x3], $0x80, s12, s29, $0xb8;
	[tilespmem:$0x1E800] =	vst v63  }
0x10c: {  	_ =	swait.ge [sflag:s26], $0x4000  }
0x10d: {  	[sflag:s26] =	ssyncset.done $0x0  }
0x10e: {  	s17 =	simm.s32 $0x0;
	s18 =	rddreg [dreg:$0xc];
	[sflag:s26] =	ssyncadd.s32 $0xFFFFC000  }
0x10f: {  	[tilespmem:s17], [sflag:$0x3] =	stream.linear.gather [hbm4b:s18+s17], $0x1400, $0x38;
	[tilespmem:$0x1E800] =	vst v63  }
0x110: {  	_ =	swait.ge [sflag:s26], $0x1400  }
0x111: {  	[sflag:s26] =	ssyncset.done $0x0  }
0x112: {  	s19 =	rddreg [dreg:$0xd];
	[sflag:s26] =	ssyncadd.s32 $0xFFFFEC00  }
0x113: {  	[tilespmem:s28], [sflag:$0x3] =	stream.linear.gather [hbm4b:s19+s17], $0x1400, $0x38;
	[tilespmem:$0x1E800] =	vst v63  }
0x114: {  	_ =	swait.ge [sflag:s26], $0x1400  }
0x115: {  	[sflag:s26] =	ssyncset.done $0x0  }
0x116: {  	[sflag:s26] =	ssyncadd.s32 $0xFFFFEC00  }
0x117: {  	[tilespmem:s30], [sflag:$0x1] =	stream.indirect.gather [hbm4b:s6+s29], $0x80, s17, s29, $0xb8;
	[tilespmem:$0x1E800] =	vst v63  }
0x118: {  	s16 =	simm.s32 $0x80  }
0x119: {  	[tilespmem:s31], [sflag:$0x2] =	stream.indirect.gather [hbm4b:s6+s29], $0x80, s16, s29, $0xb8;
	[tilespmem:$0x1E800] =	vst v63  }
0x11a: {  	_ =	swait.ge [sflag:s0], $0x4000  }
0x11b: {  	[sflag:s0] =	ssyncset.done $0x0  }
0x11c: {  	s17 =	simm.s32 $0x1400;
	[sflag:s0] =	ssyncadd.s32 $0xFFFFC000  }
0x11d: {  	[spmem:s2] =	stream.indirect.scatter.add.f32 [tilespmem:s30], [sflag:$0x4], $0x80, s17, s29, $0xb8;
	[tilespmem:$0x1E800] =	vst v63  }
0x11e: {  	_ =	swait.ge [sflag:s3], $0x4000  }
0x11f: {  	[sflag:s3] =	ssyncset.done $0x0  }
0x120: {  	s18 =	simm.s32 $0x100;
	[sflag:s3] =	ssyncadd.s32 $0xFFFFC000  }
0x121: {  	[tilespmem:s30], [sflag:$0x1] =	stream.indirect.gather [hbm4b:s6+s29], $0x80, s18, s29, $0xb8;
	[tilespmem:$0x1E800] =	vst v63  }
0x122: {  	_ =	swait.ge [sflag:s8], $0x4000  }
0x123: {  	[sflag:s8] =	ssyncset.done $0x0  }
0x124: {  	s19 =	simm.s32 $0x1480;
	[sflag:s8] =	ssyncadd.s32 $0xFFFFC000  }
0x125: {  	[spmem:s2] =	stream.indirect.scatter.add.f32 [tilespmem:s31], [sflag:$0x3], $0x80, s19, s29, $0xb8;
	[tilespmem:$0x1E800] =	vst v63  }
0x126: {  	_ =	swait.ge [sflag:s26], $0x4000  }
0x127: {  	s15 =	simm.s32 $0x100;
	s16 =	simm.s32 $0x800;
	[sflag:s26] =	ssyncset.done $0x0  }
.LBB2_8:
0x128: {  	s17 =	sadd.s32 $0x80, s15  }
0x129: {  	[sflag:s26] =	ssyncadd.s32 $0xFFFFC000;
	s18 =	smov.u32 s16;
	s19 =	sadd.s32 $0x400, s16  }
0x12a: {  	[tilespmem:s31], [sflag:$0x2] =	stream.indirect.gather [hbm4b:s6+s29], $0x80, s17, s29, $0xb8;
	[tilespmem:$0x1E800] =	vst v63  }
0x12b: {  	p0 =	sne.s32 s16, $0x4800;
	_ =	swait.ge [sflag:s0], $0x4000  }
0x12c: {  	[sflag:s0] =	ssyncset.done $0x0  }
0x12d: {  	s16 =	sadd.s32 $0x1400, s15;
	[sflag:s0] =	ssyncadd.s32 $0xFFFFC000  }
0x12e: {  	[spmem:s2] =	stream.indirect.scatter.add.f32 [tilespmem:s30], [sflag:$0x4], $0x80, s16, s29, $0xb8;
	[tilespmem:$0x1E800] =	vst v63  }
0x12f: {  	_ =	swait.ge [sflag:s3], $0x4000  }
0x130: {  	[sflag:s3] =	ssyncset.done $0x0  }
0x131: {  	s16 =	sadd.s32 $0x100, s15;
	[sflag:s3] =	ssyncadd.s32 $0xFFFFC000  }
0x132: {  	[tilespmem:s30], [sflag:$0x1] =	stream.indirect.gather [hbm4b:s6+s29], $0x80, s16, s29, $0xb8;
	[tilespmem:$0x1E800] =	vst v63  }
0x133: {  	_ =	swait.ge [sflag:s8], $0x4000  }
.Ltmp3:
0x134: {  	[sflag:s8] =	ssyncset.done $0x0;
	(pc) =	sbr.rel @p0 .LBB2_8-.Ltmp3, $4  }
0x135: {  	s15 =	sadd.s32 $0x1480, s15;
	[sflag:s8] =	ssyncadd.s32 $0xFFFFC000  }
0x136: {  	[spmem:s2] =	stream.indirect.scatter.add.f32 [tilespmem:s31], [sflag:$0x3], $0x80, s15, s29, $0xb8;
	[tilespmem:$0x1E800] =	vst v63  }
0x137: {  	_ =	swait.ge [sflag:s26], $0x4000  }
0x138: {  	s16 =	smov.u32 s19;
	s15 =	sshra.s32 s18, $0x2;
	[sflag:s26] =	ssyncset.done $0x0  }
0x139: {  	s16 =	sadd.s32 $0x80, s15;
	[sflag:s26] =	ssyncadd.s32 $0xFFFFC000  }
0x13a: {  	[tilespmem:s31], [sflag:$0x2] =	stream.indirect.gather [hbm4b:s6+s29], $0x80, s16, s29, $0xb8;
	[tilespmem:$0x1E800] =	vst v63  }
0x13b: {  	_ =	swait.ge [sflag:s0], $0x4000  }
0x13c: {  	[sflag:s0] =	ssyncset.done $0x0  }
0x13d: {  	s18 =	sadd.s32 $0x1400, s15;
	[sflag:s0] =	ssyncadd.s32 $0xFFFFC000  }
0x13e: {  	[spmem:s2] =	stream.indirect.scatter.add.f32 [tilespmem:s30], [sflag:$0x4], $0x80, s18, s29, $0xb8;
	[tilespmem:$0x1E800] =	vst v63  }
0x13f: {  	_ =	swait.ge [sflag:s3], $0x4000  }
0x140: {  	[sflag:s3] =	ssyncset.done $0x0  }
0x141: {  	s19 =	sadd.s32 $0x100, s15;
	[sflag:s3] =	ssyncadd.s32 $0xFFFFC000  }
0x142: {  	[tilespmem:s30], [sflag:$0x1] =	stream.indirect.gather [hbm4b:s6+s29], $0x80, s19, s29, $0xb8;
	[tilespmem:$0x1E800] =	vst v63  }
0x143: {  	_ =	swait.ge [sflag:s8], $0x4000  }
0x144: {  	[sflag:s8] =	ssyncset.done $0x0  }
0x145: {  	s17 =	sadd.s32 $0x1480, s15;
	[sflag:s8] =	ssyncadd.s32 $0xFFFFC000  }
0x146: {  	[spmem:s2] =	stream.indirect.scatter.add.f32 [tilespmem:s31], [sflag:$0x3], $0x80, s17, s29, $0xb8;
	[tilespmem:$0x1E800] =	vst v63  }
0x147: {  	_ =	swait.ge [sflag:s26], $0x4000  }
0x148: {  	[sflag:s26] =	ssyncset.done $0x0  }
0x149: {  	[sflag:s26] =	ssyncadd.s32 $0xFFFFC000  }
0x14a: {  	[tilespmem:s31], [sflag:$0x2] =	stream.indirect.gather [hbm4b:s6+s29], $0x80, s10, s29, $0xb8;
	[tilespmem:$0x1E800] =	vst v63  }
0x14b: {  	_ =	swait.ge [sflag:s0], $0x4000  }
0x14c: {  	[sflag:s0] =	ssyncset.done $0x0  }
0x14d: {  	[sflag:s0] =	ssyncadd.s32 $0xFFFFC000  }
0x14e: {  	[spmem:s2] =	stream.indirect.scatter.add.f32 [tilespmem:s30], [sflag:$0x4], $0x80, s11, s29, $0xb8;
	[tilespmem:$0x1E800] =	vst v63  }
0x14f: {  	_ =	swait.ge [sflag:s3], $0x4000  }
0x150: {  	[sflag:s3] =	ssyncset.done $0x0  }
0x151: {  	[sflag:s3] =	ssyncadd.s32 $0xFFFFC000  }
0x152: {  	_ =	swait.ge [sflag:s8], $0x4000  }
0x153: {  	[sflag:s8] =	ssyncset.done $0x0  }
0x154: {  	[sflag:s8] =	ssyncadd.s32 $0xFFFFC000  }
0x155: {  	[spmem:s2] =	stream.indirect.scatter.add.f32 [tilespmem:s31], [sflag:$0x3], $0x80, s12, s29, $0xb8;
	[tilespmem:$0x1E800] =	vst v63  }
0x156: {  	_ =	swait.ge [sflag:s26], $0x4000  }
0x157: {  	[sflag:s26] =	ssyncset.done $0x0  }
0x158: {  	[sflag:s26] =	ssyncadd.s32 $0xFFFFC000  }
0x159: {  	[bflag:$0x0] =	sbarrier.arrive $0xFFFF  }
0x15a: {  	[hbm:s23], [sflag:s9] =	dma.local [spmem:s14], $0x2800  }
0x15b: {  	_ =	swait.ge [sflag:s26], $0x2800  }
0x15c: {  	[sflag:s26] =	ssyncset.done $0x0  }
0x15d: {  	[sflag:s26] =	ssyncadd.s32 $0xFFFFD800  }
0x15e: {  	[bflag:$0x0] =	sbarrier.arrive $0xFFFF  }
0x15f: {  	[spmem:s14], [sflag:s9] =	dma.local [hbm:s1], $0x2800  }
0x160: {  	_ =	swait.ge [sflag:s26], $0x2800  }
0x161: {  	[sflag:s26] =	ssyncset.done $0x0  }
0x162: {  	[sflag:s26] =	ssyncadd.s32 $0xFFFFD800  }
0x163: {  	[bflag:$0x0] =	sbarrier.arrive $0xFFFF  }
0x164: {  	s18 =	simm.s32 $0x0;
	s19 =	rddreg [dreg:$0xe]  }
0x165: {  	[tilespmem:s18], [sflag:$0x3] =	stream.linear.gather [hbm4b:s19+s18], $0x1400, $0x38;
	[tilespmem:$0x1E800] =	vst v63  }
0x166: {  	_ =	swait.ge [sflag:s26], $0x1400  }
0x167: {  	[sflag:s26] =	ssyncset.done $0x0  }
0x168: {  	[sflag:s26] =	ssyncadd.s32 $0xFFFFEC00  }
0x169: {  	[tilespmem:s28], [sflag:$0x3] =	stream.linear.gather [hbm4b:s20+s18], $0x1400, $0x38;
	[tilespmem:$0x1E800] =	vst v63  }
0x16a: {  	_ =	swait.ge [sflag:s26], $0x1400  }
0x16b: {  	[sflag:s26] =	ssyncset.done $0x0  }
0x16c: {  	[sflag:s26] =	ssyncadd.s32 $0xFFFFEC00  }
0x16d: {  	[tilespmem:s30], [sflag:$0x1] =	stream.indirect.gather [hbm4b:s7+s29], $0x80, s18, s29, $0xb8;
	[tilespmem:$0x1E800] =	vst v63  }
0x16e: {  	s16 =	simm.s32 $0x80  }
0x16f: {  	[tilespmem:s31], [sflag:$0x2] =	stream.indirect.gather [hbm4b:s7+s29], $0x80, s16, s29, $0xb8;
	[tilespmem:$0x1E800] =	vst v63  }
0x170: {  	_ =	swait.ge [sflag:s0], $0x4000  }
0x171: {  	[sflag:s0] =	ssyncset.done $0x0  }
0x172: {  	s17 =	simm.s32 $0x1400;
	[sflag:s0] =	ssyncadd.s32 $0xFFFFC000  }
0x173: {  	[spmem:s2] =	stream.indirect.scatter.add.f32 [tilespmem:s30], [sflag:$0x4], $0x80, s17, s29, $0xb8;
	[tilespmem:$0x1E800] =	vst v63  }
0x174: {  	_ =	swait.ge [sflag:s3], $0x4000  }
0x175: {  	[sflag:s3] =	ssyncset.done $0x0  }
0x176: {  	s18 =	simm.s32 $0x100;
	[sflag:s3] =	ssyncadd.s32 $0xFFFFC000  }
0x177: {  	[tilespmem:s30], [sflag:$0x1] =	stream.indirect.gather [hbm4b:s7+s29], $0x80, s18, s29, $0xb8;
	[tilespmem:$0x1E800] =	vst v63  }
0x178: {  	_ =	swait.ge [sflag:s8], $0x4000  }
0x179: {  	[sflag:s8] =	ssyncset.done $0x0  }
0x17a: {  	s19 =	simm.s32 $0x1480;
	[sflag:s8] =	ssyncadd.s32 $0xFFFFC000  }
0x17b: {  	[spmem:s2] =	stream.indirect.scatter.add.f32 [tilespmem:s31], [sflag:$0x3], $0x80, s19, s29, $0xb8;
	[tilespmem:$0x1E800] =	vst v63  }
0x17c: {  	_ =	swait.ge [sflag:s26], $0x4000  }
0x17d: {  	s15 =	simm.s32 $0x100;
	s16 =	simm.s32 $0x800;
	[sflag:s26] =	ssyncset.done $0x0  }
.LBB2_10:
0x17e: {  	s17 =	sadd.s32 $0x80, s15  }
0x17f: {  	[sflag:s26] =	ssyncadd.s32 $0xFFFFC000;
	s18 =	smov.u32 s16;
	s19 =	sadd.s32 $0x400, s16  }
0x180: {  	[tilespmem:s31], [sflag:$0x2] =	stream.indirect.gather [hbm4b:s7+s29], $0x80, s17, s29, $0xb8;
	[tilespmem:$0x1E800] =	vst v63  }
0x181: {  	p0 =	sne.s32 s16, $0x4800;
	_ =	swait.ge [sflag:s0], $0x4000  }
0x182: {  	[sflag:s0] =	ssyncset.done $0x0  }
0x183: {  	s16 =	sadd.s32 $0x1400, s15;
	[sflag:s0] =	ssyncadd.s32 $0xFFFFC000  }
0x184: {  	[spmem:s2] =	stream.indirect.scatter.add.f32 [tilespmem:s30], [sflag:$0x4], $0x80, s16, s29, $0xb8;
	[tilespmem:$0x1E800] =	vst v63  }
0x185: {  	_ =	swait.ge [sflag:s3], $0x4000  }
0x186: {  	[sflag:s3] =	ssyncset.done $0x0  }
0x187: {  	s16 =	sadd.s32 $0x100, s15;
	[sflag:s3] =	ssyncadd.s32 $0xFFFFC000  }
0x188: {  	[tilespmem:s30], [sflag:$0x1] =	stream.indirect.gather [hbm4b:s7+s29], $0x80, s16, s29, $0xb8;
	[tilespmem:$0x1E800] =	vst v63  }
0x189: {  	_ =	swait.ge [sflag:s8], $0x4000  }
.Ltmp4:
0x18a: {  	[sflag:s8] =	ssyncset.done $0x0;
	(pc) =	sbr.rel @p0 .LBB2_10-.Ltmp4, $4  }
0x18b: {  	s15 =	sadd.s32 $0x1480, s15;
	[sflag:s8] =	ssyncadd.s32 $0xFFFFC000  }
0x18c: {  	[spmem:s2] =	stream.indirect.scatter.add.f32 [tilespmem:s31], [sflag:$0x3], $0x80, s15, s29, $0xb8;
	[tilespmem:$0x1E800] =	vst v63  }
0x18d: {  	_ =	swait.ge [sflag:s26], $0x4000  }
0x18e: {  	s16 =	smov.u32 s19;
	s15 =	sshra.s32 s18, $0x2;
	[sflag:s26] =	ssyncset.done $0x0  }
0x18f: {  	s16 =	sadd.s32 $0x80, s15;
	[sflag:s26] =	ssyncadd.s32 $0xFFFFC000  }
0x190: {  	[tilespmem:s31], [sflag:$0x2] =	stream.indirect.gather [hbm4b:s7+s29], $0x80, s16, s29, $0xb8;
	[tilespmem:$0x1E800] =	vst v63  }
0x191: {  	_ =	swait.ge [sflag:s0], $0x4000  }
0x192: {  	[sflag:s0] =	ssyncset.done $0x0  }
0x193: {  	s19 =	sadd.s32 $0x1400, s15;
	[sflag:s0] =	ssyncadd.s32 $0xFFFFC000  }
0x194: {  	[spmem:s2] =	stream.indirect.scatter.add.f32 [tilespmem:s30], [sflag:$0x4], $0x80, s19, s29, $0xb8;
	[tilespmem:$0x1E800] =	vst v63  }
0x195: {  	_ =	swait.ge [sflag:s3], $0x4000  }
0x196: {  	[sflag:s3] =	ssyncset.done $0x0  }
0x197: {  	s17 =	sadd.s32 $0x100, s15;
	[sflag:s3] =	ssyncadd.s32 $0xFFFFC000  }
0x198: {  	[tilespmem:s30], [sflag:$0x1] =	stream.indirect.gather [hbm4b:s7+s29], $0x80, s17, s29, $0xb8;
	[tilespmem:$0x1E800] =	vst v63  }
0x199: {  	_ =	swait.ge [sflag:s8], $0x4000  }
0x19a: {  	[sflag:s8] =	ssyncset.done $0x0  }
0x19b: {  	s18 =	sadd.s32 $0x1480, s15;
	[sflag:s8] =	ssyncadd.s32 $0xFFFFC000  }
0x19c: {  	[spmem:s2] =	stream.indirect.scatter.add.f32 [tilespmem:s31], [sflag:$0x3], $0x80, s18, s29, $0xb8;
	[tilespmem:$0x1E800] =	vst v63  }
0x19d: {  	_ =	swait.ge [sflag:s26], $0x4000  }
0x19e: {  	[sflag:s26] =	ssyncset.done $0x0  }
0x19f: {  	[sflag:s26] =	ssyncadd.s32 $0xFFFFC000  }
0x1a0: {  	[tilespmem:s31], [sflag:$0x2] =	stream.indirect.gather [hbm4b:s7+s29], $0x80, s10, s29, $0xb8;
	[tilespmem:$0x1E800] =	vst v63  }
0x1a1: {  	_ =	swait.ge [sflag:s0], $0x4000  }
0x1a2: {  	[sflag:s0] =	ssyncset.done $0x0  }
0x1a3: {  	[sflag:s0] =	ssyncadd.s32 $0xFFFFC000  }
0x1a4: {  	[spmem:s2] =	stream.indirect.scatter.add.f32 [tilespmem:s30], [sflag:$0x4], $0x80, s11, s29, $0xb8;
	[tilespmem:$0x1E800] =	vst v63  }
0x1a5: {  	_ =	swait.ge [sflag:s3], $0x4000  }
0x1a6: {  	[sflag:s3] =	ssyncset.done $0x0  }
0x1a7: {  	[sflag:s3] =	ssyncadd.s32 $0xFFFFC000  }
0x1a8: {  	_ =	swait.ge [sflag:s8], $0x4000  }
0x1a9: {  	[sflag:s8] =	ssyncset.done $0x0  }
0x1aa: {  	[sflag:s8] =	ssyncadd.s32 $0xFFFFC000  }
0x1ab: {  	[spmem:s2] =	stream.indirect.scatter.add.f32 [tilespmem:s31], [sflag:$0x3], $0x80, s12, s29, $0xb8;
	[tilespmem:$0x1E800] =	vst v63  }
0x1ac: {  	_ =	swait.ge [sflag:s26], $0x4000  }
0x1ad: {  	[sflag:s26] =	ssyncset.done $0x0  }
0x1ae: {  	s19 =	simm.s32 $0x0;
	[sflag:s26] =	ssyncadd.s32 $0xFFFFC000  }
0x1af: {  	[tilespmem:s19], [sflag:$0x3] =	stream.linear.gather [hbm4b:s21+s19], $0x1400, $0x38;
	[tilespmem:$0x1E800] =	vst v63  }
0x1b0: {  	_ =	swait.ge [sflag:s26], $0x1400  }
0x1b1: {  	[sflag:s26] =	ssyncset.done $0x0  }
0x1b2: {  	[sflag:s26] =	ssyncadd.s32 $0xFFFFEC00  }
0x1b3: {  	[tilespmem:s28], [sflag:$0x3] =	stream.linear.gather [hbm4b:s22+s19], $0x1400, $0x38;
	[tilespmem:$0x1E800] =	vst v63  }
0x1b4: {  	_ =	swait.ge [sflag:s26], $0x1400  }
0x1b5: {  	[sflag:s26] =	ssyncset.done $0x0  }
0x1b6: {  	[sflag:s26] =	ssyncadd.s32 $0xFFFFEC00  }
0x1b7: {  	[tilespmem:s30], [sflag:$0x1] =	stream.indirect.gather [hbm4b:s7+s29], $0x80, s19, s29, $0xb8;
	[tilespmem:$0x1E800] =	vst v63  }
0x1b8: {  	s16 =	simm.s32 $0x80  }
0x1b9: {  	[tilespmem:s31], [sflag:$0x2] =	stream.indirect.gather [hbm4b:s7+s29], $0x80, s16, s29, $0xb8;
	[tilespmem:$0x1E800] =	vst v63  }
0x1ba: {  	_ =	swait.ge [sflag:s0], $0x4000  }
0x1bb: {  	[sflag:s0] =	ssyncset.done $0x0  }
0x1bc: {  	s17 =	simm.s32 $0x1400;
	[sflag:s0] =	ssyncadd.s32 $0xFFFFC000  }
0x1bd: {  	[spmem:s2] =	stream.indirect.scatter.add.f32 [tilespmem:s30], [sflag:$0x4], $0x80, s17, s29, $0xb8;
	[tilespmem:$0x1E800] =	vst v63  }
0x1be: {  	_ =	swait.ge [sflag:s3], $0x4000  }
0x1bf: {  	[sflag:s3] =	ssyncset.done $0x0  }
0x1c0: {  	s18 =	simm.s32 $0x100;
	[sflag:s3] =	ssyncadd.s32 $0xFFFFC000  }
0x1c1: {  	[tilespmem:s30], [sflag:$0x1] =	stream.indirect.gather [hbm4b:s7+s29], $0x80, s18, s29, $0xb8;
	[tilespmem:$0x1E800] =	vst v63  }
0x1c2: {  	_ =	swait.ge [sflag:s8], $0x4000  }
0x1c3: {  	[sflag:s8] =	ssyncset.done $0x0  }
0x1c4: {  	s19 =	simm.s32 $0x1480;
	[sflag:s8] =	ssyncadd.s32 $0xFFFFC000  }
0x1c5: {  	[spmem:s2] =	stream.indirect.scatter.add.f32 [tilespmem:s31], [sflag:$0x3], $0x80, s19, s29, $0xb8;
	[tilespmem:$0x1E800] =	vst v63  }
0x1c6: {  	_ =	swait.ge [sflag:s26], $0x4000  }
0x1c7: {  	s15 =	simm.s32 $0x100;
	s16 =	simm.s32 $0x800;
	[sflag:s26] =	ssyncset.done $0x0  }
.LBB2_12:
0x1c8: {  	s17 =	sadd.s32 $0x80, s15  }
0x1c9: {  	[sflag:s26] =	ssyncadd.s32 $0xFFFFC000;
	s18 =	smov.u32 s16;
	s19 =	sadd.s32 $0x400, s16  }
0x1ca: {  	[tilespmem:s31], [sflag:$0x2] =	stream.indirect.gather [hbm4b:s7+s29], $0x80, s17, s29, $0xb8;
	[tilespmem:$0x1E800] =	vst v63  }
0x1cb: {  	p0 =	sne.s32 s16, $0x4800;
	_ =	swait.ge [sflag:s0], $0x4000  }
0x1cc: {  	[sflag:s0] =	ssyncset.done $0x0  }
0x1cd: {  	s16 =	sadd.s32 $0x1400, s15;
	[sflag:s0] =	ssyncadd.s32 $0xFFFFC000  }
0x1ce: {  	[spmem:s2] =	stream.indirect.scatter.add.f32 [tilespmem:s30], [sflag:$0x4], $0x80, s16, s29, $0xb8;
	[tilespmem:$0x1E800] =	vst v63  }
0x1cf: {  	_ =	swait.ge [sflag:s3], $0x4000  }
0x1d0: {  	[sflag:s3] =	ssyncset.done $0x0  }
0x1d1: {  	s16 =	sadd.s32 $0x100, s15;
	[sflag:s3] =	ssyncadd.s32 $0xFFFFC000  }
0x1d2: {  	[tilespmem:s30], [sflag:$0x1] =	stream.indirect.gather [hbm4b:s7+s29], $0x80, s16, s29, $0xb8;
	[tilespmem:$0x1E800] =	vst v63  }
0x1d3: {  	_ =	swait.ge [sflag:s8], $0x4000  }
.Ltmp5:
0x1d4: {  	[sflag:s8] =	ssyncset.done $0x0;
	(pc) =	sbr.rel @p0 .LBB2_12-.Ltmp5, $4  }
0x1d5: {  	s15 =	sadd.s32 $0x1480, s15;
	[sflag:s8] =	ssyncadd.s32 $0xFFFFC000  }
0x1d6: {  	[spmem:s2] =	stream.indirect.scatter.add.f32 [tilespmem:s31], [sflag:$0x3], $0x80, s15, s29, $0xb8;
	[tilespmem:$0x1E800] =	vst v63  }
0x1d7: {  	_ =	swait.ge [sflag:s26], $0x4000  }
0x1d8: {  	s16 =	smov.u32 s19;
	s15 =	sshra.s32 s18, $0x2;
	[sflag:s26] =	ssyncset.done $0x0  }
0x1d9: {  	s16 =	sadd.s32 $0x80, s15;
	[sflag:s26] =	ssyncadd.s32 $0xFFFFC000  }
0x1da: {  	[tilespmem:s31], [sflag:$0x2] =	stream.indirect.gather [hbm4b:s7+s29], $0x80, s16, s29, $0xb8;
	[tilespmem:$0x1E800] =	vst v63  }
0x1db: {  	_ =	swait.ge [sflag:s0], $0x4000  }
0x1dc: {  	[sflag:s0] =	ssyncset.done $0x0  }
0x1dd: {  	s17 =	sadd.s32 $0x1400, s15;
	[sflag:s0] =	ssyncadd.s32 $0xFFFFC000  }
0x1de: {  	[spmem:s2] =	stream.indirect.scatter.add.f32 [tilespmem:s30], [sflag:$0x4], $0x80, s17, s29, $0xb8;
	[tilespmem:$0x1E800] =	vst v63  }
0x1df: {  	_ =	swait.ge [sflag:s3], $0x4000  }
0x1e0: {  	[sflag:s3] =	ssyncset.done $0x0  }
0x1e1: {  	s18 =	sadd.s32 $0x100, s15;
	[sflag:s3] =	ssyncadd.s32 $0xFFFFC000  }
0x1e2: {  	[tilespmem:s30], [sflag:$0x1] =	stream.indirect.gather [hbm4b:s7+s29], $0x80, s18, s29, $0xb8;
	[tilespmem:$0x1E800] =	vst v63  }
0x1e3: {  	_ =	swait.ge [sflag:s8], $0x4000  }
0x1e4: {  	[sflag:s8] =	ssyncset.done $0x0  }
0x1e5: {  	s19 =	sadd.s32 $0x1480, s15;
	[sflag:s8] =	ssyncadd.s32 $0xFFFFC000  }
0x1e6: {  	[spmem:s2] =	stream.indirect.scatter.add.f32 [tilespmem:s31], [sflag:$0x3], $0x80, s19, s29, $0xb8;
	[tilespmem:$0x1E800] =	vst v63  }
0x1e7: {  	_ =	swait.ge [sflag:s26], $0x4000  }
0x1e8: {  	[sflag:s26] =	ssyncset.done $0x0  }
0x1e9: {  	[sflag:s26] =	ssyncadd.s32 $0xFFFFC000  }
0x1ea: {  	[tilespmem:s31], [sflag:$0x2] =	stream.indirect.gather [hbm4b:s7+s29], $0x80, s10, s29, $0xb8;
	[tilespmem:$0x1E800] =	vst v63  }
0x1eb: {  	_ =	swait.ge [sflag:s0], $0x4000  }
0x1ec: {  	[sflag:s0] =	ssyncset.done $0x0  }
0x1ed: {  	[sflag:s0] =	ssyncadd.s32 $0xFFFFC000  }
0x1ee: {  	[spmem:s2] =	stream.indirect.scatter.add.f32 [tilespmem:s30], [sflag:$0x4], $0x80, s11, s29, $0xb8;
	[tilespmem:$0x1E800] =	vst v63  }
0x1ef: {  	_ =	swait.ge [sflag:s3], $0x4000  }
0x1f0: {  	[sflag:s3] =	ssyncset.done $0x0  }
0x1f1: {  	[sflag:s3] =	ssyncadd.s32 $0xFFFFC000  }
0x1f2: {  	_ =	swait.ge [sflag:s8], $0x4000  }
0x1f3: {  	[sflag:s8] =	ssyncset.done $0x0  }
0x1f4: {  	[sflag:s8] =	ssyncadd.s32 $0xFFFFC000  }
0x1f5: {  	[spmem:s2] =	stream.indirect.scatter.add.f32 [tilespmem:s31], [sflag:$0x3], $0x80, s12, s29, $0xb8;
	[tilespmem:$0x1E800] =	vst v63  }
0x1f6: {  	_ =	swait.ge [sflag:s26], $0x4000  }
0x1f7: {  	[sflag:s26] =	ssyncset.done $0x0  }
0x1f8: {  	s13 =	sadd.s32 $0x1, s13;
	[sflag:s26] =	ssyncadd.s32 $0xFFFFC000  }
0x1f9: {  	p0 =	sne.s32 s13, s25;
	[bflag:$0x0] =	sbarrier.arrive $0xFFFF  }
0x1fa: {  	[hbm:s24], [sflag:s9] =	dma.local [spmem:s14], $0x2800  }
.Ltmp6:
0x1fb: {  	_ =	swait.ge [sflag:s26], $0x2800;
	(pc) =	sbr.rel @p0 .LBB2_1-.Ltmp6, $3  }
0x1fc: {  	[sflag:s26] =	ssyncset.done $0x0  }
0x1fd: {  	[sflag:s26] =	ssyncadd.s32 $0xFFFFD800  }
0x1fe: {  	[bflag:$0x0] =	sbarrier.arrive $0xFFFF;
	_ =	sdelay $0x1  }
0x1ff: {  	_ =	sfence.sel $0x180000  }
0x200: {  	[bflag:$0x0] =	sbarrier.arrive $0xFFFF  }
0x201: {  	_ =	strace $0x9000004A  }
0x202: {  	s0 =	stileid.u32;
	[bflag:$0x2] =	sbarrier.arrive $0xFFFF  }
0x203: {  	p0 =	sne.s32 s0, $0x0;
	s0 =	rddreg [dreg:$0x3]  }
0x204: {  	s0 =	sadd.s32 @!p0 $0x100000, s0  }
0x205: {  	[sflag:s0] =	ssyncadd.tile.s32 @!p0 $0x1;
	_ =	shalt  }
.Lfunc_end2:
_tile_overlayer_lowered:
.L_overlay_start_2:
0x206: {  	(tag) =	ssettag $0x2  }
0x207: {  	s0 =	rddreg [dreg:$0x0];
	s2 =	stileid.u32  }
0x208: {  	s1 =	rddreg [dreg:$0x1];
	p0 =	sne.s32 s2, $0x0  }
0x209: {  	s3 =	rddreg [dreg:$0x2];
	[bflag:$0x3] =	sbarrier.arrive $0xFFFF;
	s2 =	simm.s32 @!p0 $0x1C03  }
0x20a: {  	[timem:s3], [sflag:s2] =	dma.local @!p0 [hbm:s0], s1  }
0x20b: {  	s0 =	simm.s32 @!p0 $0x3  }
0x20c: {  	_ =	swait.ge @!p0 [sflag:s0], s1  }
0x20d: {  	s1 =	ssub.s32 @!p0 $0x0, s1;
	[sflag:s0] =	ssyncset.done @!p0 $0x0  }
0x20e: {  	[sflag:s0] =	ssyncadd.s32 @!p0 s1  }
0x20f: {  	[bflag:$0x3] =	sbarrier.arrive $0xFFFF  }
0x210: {  	_ =	shalt  }

// kernel: kernel.7.cloned.1.call-start
scs
__scs_entry_jumppad:
0x0: {  	(pc) =	sbr.rel $0x88, $3  }
0x1: {  	(tag) =	ssettag $0x0;
	lr =	simm.s32 $0x1  }
0x2: {  	[smem:$0x3F94] =	sst lr;
	_ =	strace $0xD0000000  }
0x3: {  	_ = 	snop  }
0x4: {  	_ = 	snop  }
0x5: {  	_ = 	snop  }
0x6: {  	_ = 	snop  }
0x7: {  	_ = 	snop  }
__scs_overlays_trampoline_lowered:
0x8: {  	[smem:$0x3FA3] =	sst s0  }
0x9: {  	[smem:$0x3FA4] =	sst s1  }
0xa: {  	[smem:$0x3FA5] =	sst s2  }
0xb: {  	[smem:$0x3FA6] =	sst s3  }
0xc: {  	[smem:$0x3FA7] =	sst s4  }
0xd: {  	[smem:$0x3FA8] =	sst s5  }
0xe: {  	[smem:$0x3FA9] =	sst s6  }
0xf: {  	[smem:$0x3FAA] =	sst s7  }
0x10: {  	[smem:$0x3FAB] =	sst s8  }
0x11: {  	[smem:$0x3FAC] =	sst s9;
	s0 =	simm.s32 @!p0 $0x0  }
0x12: {  	s1 =	sld [smem:$0x3F92];
	s0 =	simm.s32 @p0 $0x1  }
0x13: {  	[smem:$0x3FAD] =	sst s0;
	s0 =	simm.s32 @!p1 $0x0  }
0x14: {  	s2 =	sld [smem:$0x3F91];
	s0 =	simm.s32 @p1 $0x1  }
0x15: {  	[smem:$0x3FAE] =	sst s0;
	s0 =	simm.s32 @!p2 $0x0  }
0x16: {  	s3 =	sld [smem:$0x3FDB];
	s0 =	simm.s32 @p2 $0x1  }
0x17: {  	s4 =	simm.s32 $0x1BF5;
	[smem:$0x3FB0] =	sst s0  }
0x18: {  	s0 =	sld [smem:$0x3F93];
	_ =	swait.ge [sflag:s4], $0x0  }
0x19: {  	s7 =	sld [smem:$0x3F94]  }
0x1a: {  	s8 =	sadd.s32 $0xFFFFE003, lr  }
0x1b: {  	s9 =	sadd.s32 $0xFFFFFEF7, lr;
	s5 =	simm.s32 $0xFFFFFFFF;
	p2 =	slt.u32 s8, $0xFFFFF086  }
0x1c: {  	p1 =	slt.u32 s9, $0xF7A;
	s5 =	simm.s32 @!p2 $0x0  }
0x1d: {  	s5 =	simm.s32 @p1 $0x1;
	p0 =	seq.s32 s7, s2  }
0x1e: {  	s7 =	smul.u32 @!p0 $0xF7A, s2;
	p2 =	seq.s32 @!p0 s5, $0x0  }
0x1f: {  	s9 =	smul.u32 $0xF7A, s1;
	s8 =	simm.s32 @!p0 $0x1BF5;
	p2 =	por !p2, p0  }
0x20: {  	[sflag:s8] =	ssyncset.s32 @!p0 $0xFFFFF086;
	s6 =	sadd.s32 @!p0 s3, s7;
	s7 =	simm.s32 @!p0 $0x108  }
0x21: {  	s3 =	sadd.s32 s3, s9;
	s6 =	sadd.s32 @!p0 $0x88, s6;
	s7 =	simm.s32 @p2 $0x1082  }
0x22: {  	[simem:s7], [sflag:s8] =	dma.local @!p0 [hbm:s6], $0xF7A  }
0x23: {  	s9 =	sor.u32 $0xD0000000, s2;
	s6 =	simm.s32 $0x108;
	_ =	swait.ge @!p0 [sflag:s8], $0x0  }
0x24: {  	s3 =	sadd.s32 $0x88, s3;
	s6 =	simm.s32 @!p1 $0x1082;
	[sflag:s4] =	ssyncset.s32 $0xFFFFF086  }
0x25: {  	[simem:s6], [sflag:s4] =	dma.local [hbm:s3], $0xF7A  }
0x26: {  	[smem:$0x3F94] =	sst s1;
	(tag) =	ssettag s2;
	_ =	strace s9  }
0x27: {  	s1 =	sld [smem:$0x3FA4]  }
0x28: {  	s2 =	sld [smem:$0x3FA5]  }
0x29: {  	s4 =	sld [smem:$0x3FA7]  }
0x2a: {  	p0 =	seq.s32 s5, $0x0;
	s5 =	sld [smem:$0x3FA8]  }
0x2b: {  	s6 =	sld [smem:$0x3FA9]  }
0x2c: {  	s7 =	sld [smem:$0x3FAA]  }
0x2d: {  	s3 =	simm.s32 $0x108;
	s8 =	sld [smem:$0x3FAB]  }
0x2e: {  	s3 =	simm.s32 @!p0 $0x1082;
	s9 =	sld [smem:$0x3FAC]  }
0x2f: {  	lr =	sadd.s32 s0, s3;
	s0 =	sld [smem:$0x3FA3]  }
0x30: {  	s3 =	sld [smem:$0x3FA6]  }
0x31: {  	[smem:$0x3FAF] =	sst s10  }
0x32: {  	s10 =	sld [smem:$0x3FAD];
	_ =	sdelay $0x3  }
0x33: {  	p0 =	seq.s32 s10, $0x1;
	s10 =	sld [smem:$0x3FAF];
	_ =	sdelay $0x3  }
0x34: {  	[smem:$0x3FAF] =	sst s10  }
0x35: {  	s10 =	sld [smem:$0x3FAE];
	_ =	sdelay $0x3  }
0x36: {  	p1 =	seq.s32 s10, $0x1;
	s10 =	sld [smem:$0x3FAF];
	_ =	sdelay $0x3  }
0x37: {  	[smem:$0x3FAF] =	sst s10  }
0x38: {  	s10 =	sld [smem:$0x3FB0]  }
0x39: {  	_ = 	snop;
	(pc) =	sbr.ind lr, $3  }
0x3a: {  	_ = 	snop  }
0x3b: {  	_ = 	snop  }
0x3c: {  	p2 =	seq.s32 s10, $0x1;
	s10 =	sld [smem:$0x3FAF]  }
0x3d: {  	_ =	shalt  }
0x3e: {  	_ =	shalt  }
0x3f: {  	_ =	shalt  }
0x40: {  	_ =	shalt  }
0x41: {  	_ =	shalt  }
0x42: {  	_ =	shalt  }
0x43: {  	_ =	shalt  }
0x44: {  	_ =	shalt  }
0x45: {  	_ =	shalt  }
0x46: {  	_ =	shalt  }
0x47: {  	_ =	shalt  }
0x48: {  	_ =	shalt  }
0x49: {  	_ =	shalt  }
0x4a: {  	_ =	shalt  }
0x4b: {  	_ =	shalt  }
0x4c: {  	_ =	shalt  }
0x4d: {  	_ =	shalt  }
0x4e: {  	_ =	shalt  }
0x4f: {  	_ =	shalt  }
0x50: {  	_ =	shalt  }
0x51: {  	_ =	shalt  }
0x52: {  	_ =	shalt  }
0x53: {  	_ =	shalt  }
0x54: {  	_ =	shalt  }
0x55: {  	_ =	shalt  }
0x56: {  	_ =	shalt  }
0x57: {  	_ =	shalt  }
0x58: {  	_ =	shalt  }
0x59: {  	_ =	shalt  }
0x5a: {  	_ =	shalt  }
0x5b: {  	_ =	shalt  }
0x5c: {  	_ =	shalt  }
0x5d: {  	_ =	shalt  }
0x5e: {  	_ =	shalt  }
0x5f: {  	_ =	shalt  }
0x60: {  	_ =	shalt  }
0x61: {  	_ =	shalt  }
0x62: {  	_ =	shalt  }
0x63: {  	_ =	shalt  }
0x64: {  	_ =	shalt  }
0x65: {  	_ =	shalt  }
0x66: {  	_ =	shalt  }
0x67: {  	_ =	shalt  }
0x68: {  	_ =	shalt  }
0x69: {  	_ =	shalt  }
0x6a: {  	_ =	shalt  }
0x6b: {  	_ =	shalt  }
0x6c: {  	_ =	shalt  }
0x6d: {  	_ =	shalt  }
0x6e: {  	_ =	shalt  }
0x6f: {  	_ =	shalt  }
0x70: {  	_ =	shalt  }
0x71: {  	_ =	shalt  }
0x72: {  	_ =	shalt  }
0x73: {  	_ =	shalt  }
0x74: {  	_ =	shalt  }
0x75: {  	_ =	shalt  }
0x76: {  	_ =	shalt  }
0x77: {  	_ =	shalt  }
0x78: {  	_ =	shalt  }
0x79: {  	_ =	shalt  }
0x7a: {  	_ =	shalt  }
0x7b: {  	_ =	shalt  }
0x7c: {  	_ =	shalt  }
0x7d: {  	_ =	shalt  }
0x7e: {  	_ =	shalt  }
0x7f: {  	_ =	shalt  }
0x80: {  	_ =	shalt  }
0x81: {  	_ =	shalt  }
0x82: {  	_ =	shalt  }
0x83: {  	_ =	shalt  }
0x84: {  	_ =	shalt  }
0x85: {  	_ =	shalt  }
0x86: {  	_ =	shalt  }
0x87: {  	_ =	shalt  }
.Lfunc_end0:
.L_simem_size_0:
called_computation_lowered:
.L_overlay_start_0:
0x88: {  	s2 =	sld [smem:$0x3FD9]  }
0x89: {  	s3 =	sld [smem:$0x3FFE];
	_ =	sdelay $0x1  }
0x8a: {  	s1 =	srdreg.scid  }
0x8b: {  	s0 =	sand.u32 $0x1, s1  }
0x8c: {  	s17 =	sshll.u32 s0, $0xA;
	s2 =	sadd.s32 s3, s2  }
0x8d: {  	s2 =	sadd.s32 s2, s17  }
0x8e: {  	[smem:$0x3FBB] =	sst s2  }
0x8f: {  	_ = 	snop  }
0x90: {  	s2 =	sld [smem:$0x3FD0];
	(tm) =	ssettm $0x1  }
0x91: {  	s18 =	sld [smem:$0x3FFB];
	_ =	sdelay $0x3  }
0x92: {  	_ =	strace s18  }
0x93: {  	s3 =	sld [smem:$0x3FFC];
	_ =	sdelay $0x3  }
0x94: {  	_ =	strace s3  }
0x95: {  	s3 =	sld [smem:$0x3FFD];
	_ =	sdelay $0x3  }
0x96: {  	_ =	strace s3  }
0x97: {  	_ =	strace $0x8FFFFFFF  }
0x98: {  	s19 =	sld [smem:$0x3FDB];
	_ =	sdelay $0x1  }
0x99: {  	s4 =	simm.s32 $_scs_section_size  }
0x9a: {  	s5 =	simm.s32 $_size__tile_overlayer_lowered;
	s6 =	simm.s32 $_tile_overlayer_lowered  }
0x9b: {  	s22 =	simm.s32 $0x1BFF;
	s21 =	sshll.u32 s6, $0x1;
	s3 =	sadd.s32 s4, s19  }
0x9c: {  	s7 =	simm.s32 $0x0;
	s20 =	sshll.u32 s5, $0x1;
	s5 =	sadd.s32 s21, s3  }
0x9d: {  	[timem:s7], [sflag:s22] =	dma.local [hbm:s5], s20  }
0x9e: {  	_ =	swait.ge [sflag:s22], s20  }
0x9f: {  	s4 =	ssub.s32 $0x0, s20;
	[sflag:s22] =	ssyncset.done $0x0  }
0xa0: {  	[sflag:s22] =	ssyncadd.s32 s4;
	_ =	sdelay $0x1  }
0xa1: {  	s23 =	simm.s32 $0x1B8B  }
0xa2: {  	_ =	swait.ge [sflag:s23], $0x1  }
0xa3: {  	[sflag:s23] =	ssyncset.done $0x0  }
0xa4: {  	s25 =	simm.s32 $0x1B8E;
	s24 =	sld [smem:$0x3FFE];
	[sflag:s23] =	ssyncadd.s32 $0xFFFFFFFF  }
0xa5: {  	s26 =	simm.s32 $execute0_lowered;
	[smem:$0x3FD2] =	sst s25  }
0xa6: {  	s5 =	sshll.u32 s26, $0x1;
	_ =	strace $0x80000046;
	[dreg:$0x1] =	wrdreg $0xFFFFFFFF  }
0xa7: {  	s28 =	simm.s32 $_size_execute0_lowered;
	s3 =	sadd.s32 s3, s5;
	[dreg:$0x0] =	wrdreg $0x0  }
0xa8: {  	s5 =	sshll.u32 s28, $0x1;
	[dreg:$0x2] =	wrdreg s3  }
0xa9: {  	[dreg:$0x3] =	wrdreg s5  }
0xaa: {  	[dreg:$0x4] =	wrdreg $0xC0  }
0xab: {  	_ =	task [dreg:s7], $0x5FFFF  }
0xac: {  	[dreg:$0x1] =	wrdreg $0xFFFFFFFF  }
0xad: {  	[dreg:$0x0] =	wrdreg $0x60  }
0xae: {  	[dreg:$0x2] =	wrdreg s24  }
0xaf: {  	[dreg:$0x3] =	wrdreg s2  }
0xb0: {  	[dreg:$0x4] =	wrdreg $0xF0800  }
0xb1: {  	[dreg:$0x5] =	wrdreg $0x9  }
0xb2: {  	_ =	task.clear_ibuf [dreg:s7], $0x6FFFF;
	_ =	strace $0x90000046  }
0xb3: {  	s29 =	simm.s32 $0x9;
	_ =	strace $0x80000048  }
0xb4: {  	_ =	swait.ge [sflag:s29], $0x1  }
0xb5: {  	[sflag:s29] =	ssyncadd.s32 $0xFFFFFFFF  }
0xb6: {  	_ =	strace $0x90000048  }
0xb7: {  	_ =	sfence  }
0xb8: {  	s30 =	sld [smem:$0x0];
	_ =	sdelay $0x2  }
0xb9: {  	s31 =	sshll.u32 s1, $0xD;
	s1 =	sshrl.u32 s1, $0x2  }
0xba: {  	s3 =	sand.u32 $0x4000, s31;
	s1 =	sadd.s32 s1, s30  }
0xbb: {  	s0 =	sor.u32 s3, s0;
	s1 =	sshll.u32 s1, $0x11  }
0xbc: {  	s0 =	sor.u32 s1, s0  }
0xbd: {  	s0 =	sadd.s32 $0x8F2B, s0  }
0xbe: {  	[sflag:s0] =	ssyncadd.remote.s32 $0x1  }
0xbf: {  	_ =	sfence.sel $0xFFFF  }
0xc0: {  	[dreg:$0x0] =	wrdreg $0xFFFFFFFF;
	(pc) =	sbr.abs _section_cstart, $3  }
0xc1: {  	[dreg:$0x1] =	wrdreg $0xFFFFFFFF  }
0xc2: {  	_ =	task.clear_ibuf [dreg:s7], $0x2FFFF;
	_ =	strace $0x9FFFFFFF  }
0xc3: {  	(tm) =	ssettm $0x7FFFFFFF  }
tec
execute0_lowered:
.L_overlay_start_1:
0x0: {  	(tag) =	ssettag $0x1  }
0x1: {  	s6 =	rddreg [dreg:$0x0]  }
0x2: {  	s12 =	rddreg [dreg:$0x1]  }
0x3: {  	s2 =	rddreg [dreg:$0x2]  }
0x4: {  	s0 =	rddreg [dreg:$0x3]  }
0x5: {  	s3 =	simm.s32 $0x0;
	s4 =	srdreg.scid;
	s1 =	stileid.u32  }
0x6: {  	s17 =	simm.s32 $0xF000;
	s18 =	simm.s32 $0x7800;
	s19 =	simm.s32 $0x2800  }
0x7: {  	s20 =	simm.s32 $0xA000;
	s21 =	simm.s32 $0x5000;
	s22 =	simm.s32 $0xC800  }
0x8: {  	s23 =	simm.s32 $0x80;
	[smem:$0x7FF] =	sst s3;
	s5 =	sand.u32 $0x1, s4  }
0x9: {  	s7 =	smul.u32 $0x2800, s1;
	s11 =	sadd.s32 $0x3600, s6;
	s4 =	sadd.s32 $0x5DA00, s6  }
0xa: {  	s26 =	smul.u32 $0x5000, s1;
	s29 =	sshll.u32 s1, $0x6;
	_ =	strace $0x80000047  }
0xb: {  	s8 =	sshll.u32 s5, $0x7;
	s24 =	sshll.u32 s5, $0x4;
	s9 =	ssub.s32 $0x2, s5  }
0xc: {  	s5 =	sadd.s32 $0x5D600, s6;
	s7 =	sor.u32 s8, s7;
	s25 =	sor.u32 s1, s24  }
0xd: {  	s10 =	sshrl.u32 s9, $0x1;
	s28 =	sshrl.u32 s26, $0x2;
	s24 =	simm.s32 $0x20  }
0xe: {  	s26 =	simm.s32 $0x0;
	s7 =	sshrl.u32 s7, $0x3;
	s13 =	smul.u32 $0x2800, s25  }
0xf: {  	s15 =	ssub.s32 s9, s10;
	s16 =	sadd.s32 s28, s2;
	s25 =	simm.s32 $0x10  }
0x10: {  	s14 =	sadd.s32 s7, s6;
	s6 =	sor.u32 $0x1C01, s29;
	s30 =	sshrl.u32 s13, $0x3  }
0x11: {  	s7 =	sadd.s32 s11, s30;
	s8 =	sadd.s32 s12, s30;
	s31 =	sadd.s32 $0xA000, s30  }
0x12: {  	s13 =	sadd.s32 $0x14000, s30;
	s9 =	sadd.s32 s11, s31;
	s10 =	sadd.s32 s12, s31  }
0x13: {  	s11 =	sadd.s32 s11, s13;
	s12 =	sadd.s32 s12, s13;
	s13 =	sadd.s32 $0x5DC00, s14  }
0x14: {  	s14 =	smax.u32 s15, $0x1;
	s15 =	sshrl.u32 s16, $0x3;
	s16 =	simm.s32 $0x1  }
.LBB2_1:
0x15: {  	[spmem:s15], [sflag:s6] =	dma.local [hbm:s5], $0x280  }
0x16: {  	_ =	swait.ge [sflag:s16], $0x280  }
0x17: {  	[sflag:s16] =	ssyncset.done $0x0  }
0x18: {  	[sflag:s16] =	ssyncadd.s32 $0xFFFFFD80  }
0x19: {  	[tilespmem:s17], [sflag:$0x1] =	stream.linear.gather [hbm4b:s4+s3], $0x80, $0x38;
	[tilespmem:$0x10480] =	vst v63  }
0x1a: {  	_ =	swait.ge [sflag:s16], $0x80  }
0x1b: {  	[sflag:s16] =	ssyncset.done $0x0  }
0x1c: {  	[sflag:s16] =	ssyncadd.s32 $0xFFFFFF80  }
0x1d: {  	[tilespmem:s3], [sflag:$0x1] =	stream.linear.gather [hbm4b:s7+s3], $0x2800, $0x38;
	[tilespmem:$0x10480] =	vst v63  }
0x1e: {  	_ =	swait.ge [sflag:s16], $0x2800  }
0x1f: {  	[sflag:s16] =	ssyncset.done $0x0  }
0x20: {  	[sflag:s16] =	ssyncadd.s32 $0xFFFFD800  }
0x21: {  	[tilespmem:s18], [sflag:$0x1] =	stream.linear.gather [hbm4b:s8+s3], $0x2800, $0x38;
	[tilespmem:$0x10480] =	vst v63  }
0x22: {  	_ =	swait.ge [sflag:s16], $0x2800  }
0x23: {  	[sflag:s16] =	ssyncset.done $0x0  }
0x24: {  	[sflag:s16] =	ssyncadd.s32 $0xFFFFD800  }
0x25: {  	[tilespmem:s19], [sflag:$0x1] =	stream.linear.gather [hbm4b:s9+s3], $0x2800, $0x38;
	[tilespmem:$0x10480] =	vst v63  }
0x26: {  	_ =	swait.ge [sflag:s16], $0x2800  }
0x27: {  	[sflag:s16] =	ssyncset.done $0x0  }
0x28: {  	[sflag:s16] =	ssyncadd.s32 $0xFFFFD800  }
0x29: {  	[tilespmem:s20], [sflag:$0x1] =	stream.linear.gather [hbm4b:s10+s3], $0x2800, $0x38;
	[tilespmem:$0x10480] =	vst v63  }
0x2a: {  	_ =	swait.ge [sflag:s16], $0x2800  }
0x2b: {  	[sflag:s16] =	ssyncset.done $0x0  }
0x2c: {  	[sflag:s16] =	ssyncadd.s32 $0xFFFFD800  }
0x2d: {  	[tilespmem:s21], [sflag:$0x1] =	stream.linear.gather [hbm4b:s11+s3], $0x2800, $0x38;
	[tilespmem:$0x10480] =	vst v63  }
0x2e: {  	_ =	swait.ge [sflag:s16], $0x2800  }
0x2f: {  	[sflag:s16] =	ssyncset.done $0x0  }
0x30: {  	[sflag:s16] =	ssyncadd.s32 $0xFFFFD800  }
0x31: {  	[tilespmem:s22], [sflag:$0x1] =	stream.linear.gather [hbm4b:s12+s3], $0x2800, $0x38;
	[tilespmem:$0x10480] =	vst v63  }
0x32: {  	_ =	swait.ge [sflag:s16], $0x2800  }
0x33: {  	[sflag:s16] =	ssyncset.done $0x0  }
0x34: {  	[sflag:s16] =	ssyncadd.s32 $0xFFFFD800  }
0x35: {  	s28 =	simm.s32 $0x0;
	[bflag:$0x0] =	sbarrier.arrive $0xFFFF  }
0x36: {  	[spmem:s2] =	stream.indirect.scatter.add.f32 [tilespmem:s17], [sflag:$0x1], $0x1, s28, s23, $0xb8;
	[tilespmem:$0x10480] =	vst v63  }
0x37: {  	_ =	swait.ge [sflag:s16], $0x80  }
0x38: {  	s28 =	simm.s32 $0x200;
	[sflag:s16] =	ssyncset.done $0x0  }
.LBB2_2:
0x39: {  	s29 =	sshra.s32 s28, $0x2;
	[sflag:s16] =	ssyncadd.s32 $0xFFFFFF80;
	p0 =	sne.s32 s28, $0x3BE00  }
0x3a: {  	[spmem:s2] =	stream.indirect.scatter.add.f32 [tilespmem:s17], [sflag:$0x1], $0x1, s29, s23, $0xb8;
	[tilespmem:$0x10480] =	vst v63  }
.Ltmp0:
0x3b: {  	_ = 	snop;
	(pc) =	sbr.rel @p0 .LBB2_2-.Ltmp0, $4  }
0x3c: {  	_ = 	snop  }
0x3d: {  	s28 =	sadd.s32 $0x200, s28  }
0x3e: {  	_ =	swait.ge [sflag:s16], $0x80  }
0x3f: {  	[sflag:s16] =	ssyncset.done $0x0  }
0x40: {  	s26 =	sadd.s32 $0x1, s26  }
0x41: {  	[sflag:s16] =	ssyncadd.s32 $0xFFFFFF80;
	p0 =	sne.s32 s26, s14  }
.Ltmp1:
0x42: {  	[bflag:$0x0] =	sbarrier.arrive $0xFFFF;
	(pc) =	sbr.rel @p0 .LBB2_1-.Ltmp1, $4  }
0x43: {  	[hbm:s13@s24], [sflag:s6] =	dma.strided [spmem:s15@s25], $0x280, s16, $0x10   }
0x44: {  	_ =	swait.ge [sflag:s16], $0x280  }
0x45: {  	[sflag:s16] =	ssyncset.done $0x0  }
0x46: {  	[sflag:s16] =	ssyncadd.s32 $0xFFFFFD80  }
0x47: {  	_ =	sfence.sel $0x180000  }
0x48: {  	[bflag:$0x0] =	sbarrier.arrive $0xFFFF  }
0x49: {  	p0 =	sne.s32 s1, $0x0;
	_ =	strace $0x90000047  }
0x4a: {  	s0 =	sadd.s32 @!p0 $0x100000, s0;
	[bflag:$0x2] =	sbarrier.arrive $0xFFFF  }
0x4b: {  	[sflag:s0] =	ssyncadd.tile.s32 @!p0 $0x1;
	_ =	shalt  }
.Lfunc_end2:
_tile_overlayer_lowered:
.L_overlay_start_2:
0x4c: {  	(tag) =	ssettag $0x2  }
0x4d: {  	s0 =	rddreg [dreg:$0x0];
	s2 =	stileid.u32  }
0x4e: {  	s1 =	rddreg [dreg:$0x1];
	p0 =	sne.s32 s2, $0x0  }
0x4f: {  	s3 =	rddreg [dreg:$0x2];
	[bflag:$0x3] =	sbarrier.arrive $0xFFFF;
	s2 =	simm.s32 @!p0 $0x1C01  }
0x50: {  	[timem:s3], [sflag:s2] =	dma.local @!p0 [hbm:s0], s1  }
0x51: {  	s0 =	simm.s32 @!p0 $0x1  }
0x52: {  	_ =	swait.ge @!p0 [sflag:s0], s1  }
0x53: {  	s1 =	ssub.s32 @!p0 $0x0, s1;
	[sflag:s0] =	ssyncset.done @!p0 $0x0  }
0x54: {  	[sflag:s0] =	ssyncadd.s32 @!p0 s1  }
0x55: {  	[bflag:$0x3] =	sbarrier.arrive $0xFFFF  }
0x56: {  	_ =	shalt  }

</sc_bundles>
